<compile_context>
chip_gen: v7x
topology: tpu7x:2x2x1
jax: 0.10.2.dev20260603
libtpu: 0.0.44.dev20260713+nightly
codegen_flags: <defaults>
</compile_context>

<pallas_src>
import jax
import jax.numpy as jnp
from jax import lax
from jax.experimental import pallas as pl
from jax.experimental.pallas import tpu as pltpu
from jax.experimental.pallas import tpu_sc as plsc

N = 10000
NP = 10112
E = 160000
D = 256
HALF = 128
NC = 2
NS = 16
RPT = NP // NS
K = 100
NCH = (E // NS) // K
NCHH = NCH // 2
KD = 100
NCHD = (E // (NC * NS)) // KD
BM = RPT
GRID = NP // BM
EPS = 1e-5

_F32 = jnp.float32
_MESH_CACHE = []


def _mesh():
    if not _MESH_CACHE:
        _MESH_CACHE.append(plsc.VectorSubcoreMesh(
            core_axis_name="c", subcore_axis_name="s",
            num_cores=NC, num_subcores=NS))
    return _MESH_CACHE[0]



def _deg_sc(dstw, zerosh, onesh):

    @pl.kernel(
        out_type=jax.ShapeDtypeStruct((NC * NP, HALF), _F32),
        mesh=_mesh(),
        scratch_types=[
            pltpu.VMEM((NCHD, KD), jnp.int32),
            pltpu.VMEM((KD, HALF), _F32),
            pltpu.VMEM_SHARED((NP, HALF), _F32),
        ],
    )
    def k(dst_hbm, z_hbm, o_hbm, deg_hbm, idx_v, ones_v, acc):
        c = lax.axis_index("c")
        s = lax.axis_index("s")
        r0 = s * RPT
        pltpu.sync_copy(z_hbm.at[pl.ds(r0, RPT)], acc.at[pl.ds(r0, RPT)])
        pltpu.sync_copy(o_hbm, ones_v)
        pltpu.sync_copy(dst_hbm.at[c * NS + s], idx_v)
        plsc.subcore_barrier()

        @pl.loop(0, NCHD)
        def _(j):
            pltpu.sync_copy(ones_v, acc.at[idx_v.at[j]], add=True)

        plsc.subcore_barrier()
        pltpu.sync_copy(acc.at[pl.ds(r0, RPT)],
                        deg_hbm.at[pl.ds(c * NP + r0, RPT)])

    return k(dstw, zerosh, onesh)


def _scatter_sc(init2, y2, srcdst):

    @pl.kernel(
        out_type=jax.ShapeDtypeStruct((2 * NP, HALF), _F32),
        mesh=_mesh(),
        scratch_types=[
            pltpu.VMEM((2 * NCHH, K), jnp.int32),
            pltpu.VMEM((2 * K, HALF), _F32),
            pltpu.VMEM_SHARED((NP, HALF), _F32),
            pltpu.SemaphoreType.DMA((2,)),
            pltpu.SemaphoreType.DMA((2,)),
            pltpu.SemaphoreType.DMA,
        ],
    )
    def k(i_hbm, y_hbm, sd_hbm, s_hbm, idx_v, rows, acc, semg, sema, semi):
        c = lax.axis_index("c")
        s = lax.axis_index("s")
        r0 = s * RPT
        g0 = 2 * r0 + c * RPT
        init = pltpu.async_copy(i_hbm.at[pl.ds(g0, RPT)],
                                acc.at[pl.ds(r0, RPT)], semi)
        pltpu.sync_copy(sd_hbm.at[c * NS + s], idx_v)
        init.wait()
        plsc.subcore_barrier()

        @pl.loop(0, NCHH + 2)
        def _(j):
            sl = lax.rem(j, 2)

            @pl.when(j >= 2)
            def _():
                pltpu.make_async_copy(rows.at[pl.ds(sl * K, K)],
                                      acc.at[idx_v.at[NCHH + j - 2]],
                                      sema.at[sl]).wait()

            @pl.when(j < NCHH)
            def _():
                pltpu.async_copy(y_hbm.at[idx_v.at[j]],
                                 rows.at[pl.ds(sl * K, K)], semg.at[sl])

            @pl.when((j >= 1) & (j <= NCHH))
            def _():
                sp = lax.rem(j + 1, 2)
                pltpu.make_async_copy(y_hbm.at[idx_v.at[j - 1]],
                                      rows.at[pl.ds(sp * K, K)],
                                      semg.at[sp]).wait()
                pltpu.async_copy(rows.at[pl.ds(sp * K, K)],
                                 acc.at[idx_v.at[NCHH + j - 1]], sema.at[sp],
                                 add=True)

        plsc.subcore_barrier()
        pltpu.sync_copy(acc.at[pl.ds(r0, RPT)], s_hbm.at[pl.ds(g0, RPT)])

    return k(init2, y2, srcdst)



def _dinv_block(d0_ref, d1_ref):
    d = d0_ref[:, 0:1] + d1_ref[:, 0:1] + 1.0
    return lax.rsqrt(d)


def _mm_body(x_ref, w_ref, y_ref):
    xw = lax.dot_general(x_ref[...], w_ref[...], (((1,), (0,)), ((), ())),
                         precision=lax.Precision.DEFAULT,
                         preferred_element_type=_F32)
    y_ref[...] = jnp.concatenate([xw[:, :HALF], xw[:, HALF:]], axis=0)


def _mm(x, w):
    return pl.pallas_call(
        _mm_body,
        grid=(GRID,),
        in_specs=[
            pl.BlockSpec((BM, D), lambda i: (i, 0)),
            pl.BlockSpec((D, D), lambda i: (0, 0)),
        ],
        out_specs=pl.BlockSpec((2 * BM, HALF), lambda i: (i, 0)),
        out_shape=jax.ShapeDtypeStruct((2 * NP, HALF), _F32),
    )(x, w)


def _scale_body(xw_ref, d0_ref, d1_ref, y_ref):
    dinv = _dinv_block(d0_ref, d1_ref)
    y_ref[...] = xw_ref[...] * jnp.concatenate([dinv, dinv], axis=0)


def _scale(xw2, deg2):
    return pl.pallas_call(
        _scale_body,
        grid=(GRID,),
        in_specs=[
            pl.BlockSpec((2 * BM, HALF), lambda i: (i, 0)),
            pl.BlockSpec((BM, HALF), lambda i: (i, 0)),
            pl.BlockSpec((BM, HALF), lambda i: (i + GRID, 0)),
        ],
        out_specs=pl.BlockSpec((2 * BM, HALF), lambda i: (i, 0)),
        out_shape=jax.ShapeDtypeStruct((2 * NP, HALF), _F32),
    )(xw2, deg2, deg2)


def _bn_prelu(x, st_ref, g_ref, be_ref, a_ref):
    mean = st_ref[0:1, :] * (1.0 / N)
    var = st_ref[1:2, :] * (1.0 / N) - mean * mean
    scale = g_ref[...] * lax.rsqrt(var + EPS)
    xh = (x - mean) * scale + be_ref[...]
    return jnp.where(xh >= 0, xh, a_ref[...] * xh)


def _phase1(i, salo_ref, sahi_ref, sblo_ref, sbhi_ref, d0_ref, d1_ref,
            b_ref, xbuf, st_ref):
    x = jnp.concatenate([salo_ref[...] + sblo_ref[...],
                         sahi_ref[...] + sbhi_ref[...]], axis=1)
    x = x * _dinv_block(d0_ref, d1_ref) + b_ref[...]
    xbuf[pl.ds(i * BM, BM), :] = x

    @pl.when(i == 0)
    def _():
        st_ref[...] = jnp.zeros((8, D), _F32)

    rid = lax.broadcasted_iota(jnp.int32, (BM, 1), 0) + i * BM
    xm = jnp.where(rid < N, x, 0.0)
    s1 = jnp.sum(xm, axis=0, keepdims=True)
    s2 = jnp.sum(xm * xm, axis=0, keepdims=True)
    st_ref[...] += jnp.concatenate([s1, s2, jnp.zeros((6, D), _F32)], axis=0)


_IMAP_X = lambda i: (jnp.where(i < GRID, i, i - GRID), 0)
_IMAP_SLO = lambda i: (2 * jnp.where(i < GRID, i, 0), 0)
_IMAP_SHI = lambda i: (2 * jnp.where(i < GRID, i, 0) + 1, 0)
_IMAP_D1 = lambda i: (jnp.where(i < GRID, i, i - GRID) + GRID, 0)
_IMAP_O = lambda i: (jnp.where(i < GRID, 0, i - GRID), 0)
_CONST = lambda i: (0, 0)


def _postbnmm_body(salo_ref, sahi_ref, sblo_ref, sbhi_ref, d0_ref, d1_ref,
                   b_ref, g_ref, be_ref, a_ref, w_ref, y_ref, xbuf, st_ref):
    i = pl.program_id(0)

    @pl.when(i < GRID)
    def _():
        _phase1(i, salo_ref, sahi_ref, sblo_ref, sbhi_ref, d0_ref, d1_ref,
                b_ref, xbuf, st_ref)

    @pl.when(i >= GRID)
    def _():
        ii = i - GRID
        x = xbuf[pl.ds(ii * BM, BM), :]
        h = _bn_prelu(x, st_ref, g_ref, be_ref, a_ref)
        xw = lax.dot_general(h, w_ref[...], (((1,), (0,)), ((), ())),
                             precision=lax.Precision.DEFAULT,
                             preferred_element_type=_F32)
        y = xw * _dinv_block(d0_ref, d1_ref)
        y_ref[...] = jnp.concatenate([y[:, :HALF], y[:, HALF:]], axis=0)


def _postbnmm(sa, sb, deg2, b, g, be, af, w):
    return pl.pallas_call(
        _postbnmm_body,
        grid=(2 * GRID,),
        in_specs=[
            pl.BlockSpec((BM, HALF), _IMAP_SLO),
            pl.BlockSpec((BM, HALF), _IMAP_SHI),
            pl.BlockSpec((BM, HALF), _IMAP_SLO),
            pl.BlockSpec((BM, HALF), _IMAP_SHI),
            pl.BlockSpec((BM, HALF), _IMAP_X),
            pl.BlockSpec((BM, HALF), _IMAP_D1),
            pl.BlockSpec((1, D), _CONST),
            pl.BlockSpec((1, D), _CONST),
            pl.BlockSpec((1, D), _CONST),
            pl.BlockSpec((1, D), _CONST),
            pl.BlockSpec((D, D), _CONST),
        ],
        out_specs=pl.BlockSpec((2 * BM, HALF), _IMAP_O),
        out_shape=jax.ShapeDtypeStruct((2 * NP, HALF), _F32),
        scratch_shapes=[pltpu.VMEM((NP, D), _F32), pltpu.VMEM((8, D), _F32)],
    )(sa, sa, sb, sb, deg2, deg2, b, g, be, af, w)


def _postbnfinal_body(salo_ref, sahi_ref, sblo_ref, sbhi_ref, d0_ref, d1_ref,
                      b_ref, g_ref, be_ref, a_ref, o_ref, xbuf, st_ref):
    i = pl.program_id(0)

    @pl.when(i < GRID)
    def _():
        _phase1(i, salo_ref, sahi_ref, sblo_ref, sbhi_ref, d0_ref, d1_ref,
                b_ref, xbuf, st_ref)

    @pl.when(i >= GRID)
    def _():
        ii = i - GRID
        x = xbuf[pl.ds(ii * BM, BM), :]
        o_ref[...] = _bn_prelu(x, st_ref, g_ref, be_ref, a_ref)


def _postbnfinal(sa, sb, deg2, b, g, be, af):
    return pl.pallas_call(
        _postbnfinal_body,
        grid=(2 * GRID,),
        in_specs=[
            pl.BlockSpec((BM, HALF), _IMAP_SLO),
            pl.BlockSpec((BM, HALF), _IMAP_SHI),
            pl.BlockSpec((BM, HALF), _IMAP_SLO),
            pl.BlockSpec((BM, HALF), _IMAP_SHI),
            pl.BlockSpec((BM, HALF), _IMAP_X),
            pl.BlockSpec((BM, HALF), _IMAP_D1),
            pl.BlockSpec((1, D), _CONST),
            pl.BlockSpec((1, D), _CONST),
            pl.BlockSpec((1, D), _CONST),
            pl.BlockSpec((1, D), _CONST),
        ],
        out_specs=pl.BlockSpec((BM, D), _IMAP_O),
        out_shape=jax.ShapeDtypeStruct((N, D), _F32),
        scratch_shapes=[pltpu.VMEM((NP, D), _F32), pltpu.VMEM((8, D), _F32)],
    )(sa, sa, sb, sb, deg2, deg2, b, g, be, af)



def kernel(data, edge_index, W1, b1, g1, be1, a1, W2, b2, g2, be2, a2):
    src = edge_index[0]
    dst = edge_index[1]
    src_lo = 2 * (src // RPT) * RPT + src % RPT
    srcg = jnp.concatenate([src_lo.reshape(NS, NCH, K),
                            (src_lo + RPT).reshape(NS, NCH, K)], axis=0)
    dst2 = jnp.concatenate([dst.reshape(NS, NCH, K)] * 2, axis=0)
    srcdst_a = jnp.concatenate([srcg[:, :NCHH], dst2[:, :NCHH]], axis=1)
    srcdst_b = jnp.concatenate([srcg[:, NCHH:], dst2[:, NCHH:]], axis=1)
    dstw = dst.reshape(NC * NS, NCHD, KD)
    zeros2 = jnp.zeros((2 * NP, HALF), _F32)
    zerosh = jnp.zeros((NP, HALF), _F32)
    onesh = jnp.ones((KD, HALF), _F32)
    b1r = b1.reshape(1, D)
    b2r = b2.reshape(1, D)
    g1r = g1.reshape(1, D)
    g2r = g2.reshape(1, D)
    be1r = be1.reshape(1, D)
    be2r = be2.reshape(1, D)
    a1f = jnp.broadcast_to(a1.reshape(1, 1), (1, D))
    a2f = jnp.broadcast_to(a2.reshape(1, 1), (1, D))

    deg2 = _deg_sc(dstw, zerosh, onesh)
    xw1 = _mm(data, W1)
    y1 = _scale(xw1, deg2)
    s1a = _scatter_sc(y1, y1, srcdst_a)
    s1b = _scatter_sc(zeros2, y1, srcdst_b)
    y2 = _postbnmm(s1a, s1b, deg2, b1r, g1r, be1r, a1f, W2)
    s2a = _scatter_sc(y2, y2, srcdst_a)
    s2b = _scatter_sc(zeros2, y2, srcdst_b)
    return _postbnfinal(s2a, s2b, deg2, b2r, g2r, be2r, a2f)

# --- scband reference (transcript-rebuilt; emitter-appended) ---
"""Pipeline reference for scband-afgrlencoder-2662879724173 (READ-ONLY COPY).

The authoritative reference and input builder live on the scoring server;
editing this copy changes nothing except your own understanding.
"""

import jax, jax.numpy as jnp
import numpy as np

N_NODES = 10000
N_EDGES = 160000
D_IN = 256
H1 = 256
H2 = 256


def gcn_conv(x, edge_index, W, b):
    n = x.shape[0]
    src = edge_index[0]
    dst = edge_index[1]
    # add self loops (PyG GCNConv default: add_self_loops=True, normalize=True)
    loop = jnp.arange(n, dtype=edge_index.dtype)
    src = jnp.concatenate([src, loop])
    dst = jnp.concatenate([dst, loop])
    ew = jnp.ones(src.shape[0], dtype=x.dtype)
    deg = jnp.zeros(n, dtype=x.dtype).at[dst].add(ew)
    dinv = jnp.where(deg > 0, jax.lax.rsqrt(jnp.maximum(deg, 1e-12)), 0.0)
    norm = dinv[src] * ew * dinv[dst]
    xw = x @ W
    msg = xw[src] * norm[:, None]
    out = jnp.zeros((n, W.shape[1]), dtype=x.dtype).at[dst].add(msg)
    return out + b


def batch_norm_train(x, gamma, beta, eps=1e-5):
    # training-mode BatchNorm1d: uses batch statistics (biased variance)
    mean = jnp.mean(x, axis=0)
    var = jnp.var(x, axis=0)
    return gamma * (x - mean) * jax.lax.rsqrt(var + eps) + beta


def prelu(x, a):
    return jnp.where(x >= 0, x, a * x)


def setup_inputs(seed: int = 0) -> dict:
    key = jax.random.key(seed)
    ks = jax.random.split(key, 8)
    data = jax.random.normal(ks[0], (N_NODES, D_IN), dtype=jnp.float32)
    edge_index = jax.random.randint(ks[1], (2, N_EDGES), 0, N_NODES, dtype=jnp.int32)
    W1 = jax.random.normal(ks[2], (D_IN, H1), dtype=jnp.float32) * (1.0 / np.sqrt(D_IN))
    b1 = jnp.zeros((H1,), dtype=jnp.float32)
    g1 = jnp.ones((H1,), dtype=jnp.float32)
    be1 = jnp.zeros((H1,), dtype=jnp.float32)
    a1 = jnp.full((1,), 0.25, dtype=jnp.float32)
    W2 = jax.random.normal(ks[3], (H1, H2), dtype=jnp.float32) * (1.0 / np.sqrt(H1))
    b2 = jnp.zeros((H2,), dtype=jnp.float32)
    g2 = jnp.ones((H2,), dtype=jnp.float32)
    be2 = jnp.zeros((H2,), dtype=jnp.float32)
    a2 = jnp.full((1,), 0.25, dtype=jnp.float32)
    return {"data": data, "edge_index": edge_index,
            "W1": W1, "b1": b1, "g1": g1, "be1": be1, "a1": a1,
            "W2": W2, "b2": b2, "g2": g2, "be2": be2, "a2": a2}


def reference(data, edge_index, W1, b1, g1, be1, a1, W2, b2, g2, be2, a2):
    # layer 1: conv1 -> bn1 -> prelu1
    x = gcn_conv(data, edge_index, W1, b1)
    x = prelu(batch_norm_train(x, g1, be1), a1)
    # layer 2 (hidden_channels has 2 entries -> one extra conv/bn/prelu)
    x = gcn_conv(x, edge_index, W2, b2)
    x = prelu(batch_norm_train(x, g2, be2), a2)
    return x

if __name__ == "__main__":
    import jax
    _d = setup_inputs()
    print(jax.jit(kernel)(*tuple(_d.values())))

</pallas_src>

<mosaic_0001>
#map = affine_map<(d0, d1) -> (0, 0, 0)>
#map1 = affine_map<(d0, d1) -> (0, 0)>
module attributes {stable_mosaic.version = 14 : i64} {
  func.func @k(%arg0: i32, %arg1: i32, %arg2: memref<32x50x100xi32, #tpu.memory_space<hbm>>, %arg3: memref<10112x128xf32, #tpu.memory_space<hbm>>, %arg4: memref<100x128xf32, #tpu.memory_space<hbm>>, %arg5: memref<20224x128xf32, #tpu.memory_space<hbm>>, %arg6: memref<50x100xi32, #tpu.memory_space<vmem>>, %arg7: memref<100x128xf32, #tpu.memory_space<vmem>>, %arg8: memref<10112x128xf32, #tpu.memory_space<vmem_shared>>) attributes {dimension_semantics = [#tpu.dimension_semantics<core_parallel>, #tpu.dimension_semantics<subcore_parallel>], iteration_bounds = array<i64: 2, 16>, scalar_prefetch = 0 : i64, scratch_operands = 3 : i64, tpu.core_type = #tpu.core_type<sc_vector_subcore>, window_params = [{transform_indices = #map}, {transform_indices = #map1}, {transform_indices = #map1}, {transform_indices = #map1}]} {
    %mul3A = arith.constant 632 : i32
    %mul3A_0 = arith.muli %arg1, %mul3A : i32
    "tpu.region"() ({
      %run_scoped3A = tpu.sem_alloc : memref<!tpu.dma_semaphore, #tpu.memory_space<semaphore_mem>>
      %dma_start3A = arith.constant 0 : i32
      %dma_start3A_11 = tpu.memref_slice %arg8[%mul3A_0, %dma_start3A] : memref<10112x128xf32, #tpu.memory_space<vmem_shared>> -> memref<632x128xf32, #tpu.memory_space<vmem_shared>>
      %dma_start3A_12 = arith.constant 0 : i32
      %dma_start3A_13 = tpu.memref_slice %arg3[%mul3A_0, %dma_start3A_12] : memref<10112x128xf32, #tpu.memory_space<hbm>> -> memref<632x128xf32, #tpu.memory_space<hbm>>
      tpu.enqueue_dma source(%dma_start3A_13 : memref<632x128xf32, #tpu.memory_space<hbm>>) target(%dma_start3A_11 : memref<632x128xf32, #tpu.memory_space<vmem_shared>>) target_semaphore(%run_scoped3A : memref<!tpu.dma_semaphore, #tpu.memory_space<semaphore_mem>>)
      %dma_wait3A = arith.constant 0 : i32
      %dma_wait3A_14 = tpu.memref_slice %arg8[%mul3A_0, %dma_wait3A] : memref<10112x128xf32, #tpu.memory_space<vmem_shared>> -> memref<632x128xf32, #tpu.memory_space<vmem_shared>>
      %dma_wait3A_15 = arith.constant 0 : i32
      %dma_wait3A_16 = tpu.memref_slice %arg3[%mul3A_0, %dma_wait3A_15] : memref<10112x128xf32, #tpu.memory_space<hbm>> -> memref<632x128xf32, #tpu.memory_space<hbm>>
      tpu.wait_dma2 semaphore(%run_scoped3A : memref<!tpu.dma_semaphore, #tpu.memory_space<semaphore_mem>>) src(%dma_wait3A_16 : memref<632x128xf32, #tpu.memory_space<hbm>>) dst(%dma_wait3A_14 : memref<632x128xf32, #tpu.memory_space<vmem_shared>>)
      tpu.yield
    }) : () -> ()
    "tpu.region"() ({
      %run_scoped3A = tpu.sem_alloc : memref<!tpu.dma_semaphore, #tpu.memory_space<semaphore_mem>>
      tpu.enqueue_dma source(%arg4 : memref<100x128xf32, #tpu.memory_space<hbm>>) target(%arg7 : memref<100x128xf32, #tpu.memory_space<vmem>>) target_semaphore(%run_scoped3A : memref<!tpu.dma_semaphore, #tpu.memory_space<semaphore_mem>>)
      tpu.wait_dma2 semaphore(%run_scoped3A : memref<!tpu.dma_semaphore, #tpu.memory_space<semaphore_mem>>) src(%arg4 : memref<100x128xf32, #tpu.memory_space<hbm>>) dst(%arg7 : memref<100x128xf32, #tpu.memory_space<vmem>>)
      tpu.yield
    }) : () -> ()
    %mul3A_1 = arith.constant 16 : i32
    %mul3A_2 = arith.muli %arg0, %mul3A_1 : i32
    %add3A = arith.addi %mul3A_2, %arg1 : i32
    "tpu.region"() ({
      %run_scoped3A = tpu.sem_alloc : memref<!tpu.dma_semaphore, #tpu.memory_space<semaphore_mem>>
      %dma_start3A = arith.constant 0 : i32
      %dma_start3A_11 = arith.constant 0 : i32
      %dma_start3A_12 = tpu.memref_slice %arg2[%add3A, %dma_start3A, %dma_start3A_11] : memref<32x50x100xi32, #tpu.memory_space<hbm>> -> memref<1x50x100xi32, #tpu.memory_space<hbm>>
      %dma_start3A_13 = tpu.memref_squeeze %dma_start3A_12 : memref<1x50x100xi32, #tpu.memory_space<hbm>> -> memref<50x100xi32, #tpu.memory_space<hbm>>
      %dma_start3A_14 = arith.constant 0 : i32
      %dma_start3A_15 = arith.constant 0 : i32
      %dma_start3A_16 = tpu.memref_slice %arg2[%add3A, %dma_start3A_14, %dma_start3A_15] : memref<32x50x100xi32, #tpu.memory_space<hbm>> -> memref<1x50x100xi32, #tpu.memory_space<hbm>>
      %dma_start3A_17 = tpu.memref_squeeze %dma_start3A_16 : memref<1x50x100xi32, #tpu.memory_space<hbm>> -> memref<50x100xi32, #tpu.memory_space<hbm>>
      tpu.enqueue_dma source(%dma_start3A_17 : memref<50x100xi32, #tpu.memory_space<hbm>>) target(%arg6 : memref<50x100xi32, #tpu.memory_space<vmem>>) target_semaphore(%run_scoped3A : memref<!tpu.dma_semaphore, #tpu.memory_space<semaphore_mem>>)
      %dma_wait3A = arith.constant 0 : i32
      %dma_wait3A_18 = arith.constant 0 : i32
      %dma_wait3A_19 = tpu.memref_slice %arg2[%add3A, %dma_wait3A, %dma_wait3A_18] : memref<32x50x100xi32, #tpu.memory_space<hbm>> -> memref<1x50x100xi32, #tpu.memory_space<hbm>>
      %dma_wait3A_20 = tpu.memref_squeeze %dma_wait3A_19 : memref<1x50x100xi32, #tpu.memory_space<hbm>> -> memref<50x100xi32, #tpu.memory_space<hbm>>
      %dma_wait3A_21 = arith.constant 0 : i32
      %dma_wait3A_22 = arith.constant 0 : i32
      %dma_wait3A_23 = tpu.memref_slice %arg2[%add3A, %dma_wait3A_21, %dma_wait3A_22] : memref<32x50x100xi32, #tpu.memory_space<hbm>> -> memref<1x50x100xi32, #tpu.memory_space<hbm>>
      %dma_wait3A_24 = tpu.memref_squeeze %dma_wait3A_23 : memref<1x50x100xi32, #tpu.memory_space<hbm>> -> memref<50x100xi32, #tpu.memory_space<hbm>>
      tpu.wait_dma2 semaphore(%run_scoped3A : memref<!tpu.dma_semaphore, #tpu.memory_space<semaphore_mem>>) src(%dma_wait3A_24 : memref<50x100xi32, #tpu.memory_space<hbm>>) dst(%arg6 : memref<50x100xi32, #tpu.memory_space<vmem>>)
      tpu.yield
    }) : () -> ()
    %barrier3A = arith.constant 0 : index
    tpu.barrier barrier_id(%barrier3A)
    %scan3A = arith.constant 0 : i32
    %scan3A_3 = arith.constant 50 : i32
    %scan3A_4 = arith.addi %scan3A, %scan3A_3 : i32
    %scan3A_5 = arith.constant 1 : i32
    scf.for %scan3A_11 = %scan3A to %scan3A_4 step %scan3A_5  : i32 {
      %mul3A_12 = arith.constant 1 : i32
      %mul3A_13 = arith.muli %scan3A_11, %mul3A_12 : i32
      %add3A_14 = arith.constant 0 : i32
      %add3A_15 = arith.addi %add3A_14, %mul3A_13 : i32
      "tpu.region"() ({
        %run_scoped3A = tpu.sem_alloc : memref<!tpu.dma_semaphore, #tpu.memory_space<semaphore_mem>>
        %dma_start3A = arith.constant 0 : i32
        %dma_start3A_16 = tpu.memref_slice %arg6[%add3A_15, %dma_start3A] : memref<50x100xi32, #tpu.memory_space<vmem>> -> memref<1x100xi32, #tpu.memory_space<vmem>>
        %dma_start3A_17 = tpu.memref_squeeze %dma_start3A_16 : memref<1x100xi32, #tpu.memory_space<vmem>> -> memref<100xi32, #tpu.memory_space<vmem>>
        %dma_start3A_18 = arith.constant 0 : i32
        %dma_start3A_19 = arith.constant 0 : i32
        %dma_start3A_20 = tpu.memref_slice %arg8[%dma_start3A_18, %dma_start3A_19] : memref<10112x128xf32, #tpu.memory_space<vmem_shared>> -> memref<10112x128xf32, #tpu.memory_space<vmem_shared>>
        tpu.enqueue_indirect_dma source(%arg7 : memref<100x128xf32, #tpu.memory_space<vmem>>) target(%dma_start3A_20 : memref<10112x128xf32, #tpu.memory_space<vmem_shared>>) offsets(%dma_start3A_17 : memref<100xi32, #tpu.memory_space<vmem>>) semaphore(%run_scoped3A : memref<!tpu.dma_semaphore, #tpu.memory_space<semaphore_mem>>) {add = true}
        %dma_wait3A = arith.constant 0 : i32
        %dma_wait3A_21 = tpu.memref_slice %arg6[%add3A_15, %dma_wait3A] : memref<50x100xi32, #tpu.memory_space<vmem>> -> memref<1x100xi32, #tpu.memory_space<vmem>>
        %dma_wait3A_22 = tpu.memref_squeeze %dma_wait3A_21 : memref<1x100xi32, #tpu.memory_space<vmem>> -> memref<100xi32, #tpu.memory_space<vmem>>
        %dma_wait3A_23 = arith.constant 0 : i32
        %dma_wait3A_24 = arith.constant 0 : i32
        %dma_wait3A_25 = tpu.memref_slice %arg8[%dma_wait3A_23, %dma_wait3A_24] : memref<10112x128xf32, #tpu.memory_space<vmem_shared>> -> memref<10112x128xf32, #tpu.memory_space<vmem_shared>>
        tpu.wait_indirect_dma semaphore(%run_scoped3A : memref<!tpu.dma_semaphore, #tpu.memory_space<semaphore_mem>>) src(%arg7 : memref<100x128xf32, #tpu.memory_space<vmem>>) dst(%dma_wait3A_25 : memref<10112x128xf32, #tpu.memory_space<vmem_shared>>)
        tpu.yield
      }) : () -> ()
    }
    %scan3A_6 = arith.constant 50 : i32
    %barrier3A_7 = arith.constant 0 : index
    tpu.barrier barrier_id(%barrier3A_7)
    %mul3A_8 = arith.constant 10112 : i32
    %mul3A_9 = arith.muli %arg0, %mul3A_8 : i32
    %add3A_10 = arith.addi %mul3A_9, %mul3A_0 : i32
    "tpu.region"() ({
      %run_scoped3A = tpu.sem_alloc : memref<!tpu.dma_semaphore, #tpu.memory_space<semaphore_mem>>
      %dma_start3A = arith.constant 0 : i32
      %dma_start3A_11 = tpu.memref_slice %arg5[%add3A_10, %dma_start3A] : memref<20224x128xf32, #tpu.memory_space<hbm>> -> memref<632x128xf32, #tpu.memory_space<hbm>>
      %dma_start3A_12 = arith.constant 0 : i32
      %dma_start3A_13 = tpu.memref_slice %arg8[%mul3A_0, %dma_start3A_12] : memref<10112x128xf32, #tpu.memory_space<vmem_shared>> -> memref<632x128xf32, #tpu.memory_space<vmem_shared>>
      tpu.enqueue_dma source(%dma_start3A_13 : memref<632x128xf32, #tpu.memory_space<vmem_shared>>) target(%dma_start3A_11 : memref<632x128xf32, #tpu.memory_space<hbm>>) target_semaphore(%run_scoped3A : memref<!tpu.dma_semaphore, #tpu.memory_space<semaphore_mem>>)
      %dma_wait3A = arith.constant 0 : i32
      %dma_wait3A_14 = tpu.memref_slice %arg5[%add3A_10, %dma_wait3A] : memref<20224x128xf32, #tpu.memory_space<hbm>> -> memref<632x128xf32, #tpu.memory_space<hbm>>
      %dma_wait3A_15 = arith.constant 0 : i32
      %dma_wait3A_16 = tpu.memref_slice %arg8[%mul3A_0, %dma_wait3A_15] : memref<10112x128xf32, #tpu.memory_space<vmem_shared>> -> memref<632x128xf32, #tpu.memory_space<vmem_shared>>
      tpu.wait_dma2 semaphore(%run_scoped3A : memref<!tpu.dma_semaphore, #tpu.memory_space<semaphore_mem>>) src(%dma_wait3A_16 : memref<632x128xf32, #tpu.memory_space<vmem_shared>>) dst(%dma_wait3A_14 : memref<632x128xf32, #tpu.memory_space<hbm>>)
      tpu.yield
    }) : () -> ()
    return
  }
}

#map = affine_map<(d0, d1) -> (0, 0)>
#map1 = affine_map<(d0, d1) -> (0, 0, 0)>
module attributes {stable_mosaic.version = 14 : i64} {
  func.func @k(%arg0: i32, %arg1: i32, %arg2: memref<20224x128xf32, #tpu.memory_space<hbm>>, %arg3: memref<20224x128xf32, #tpu.memory_space<hbm>>, %arg4: memref<32x100x100xi32, #tpu.memory_space<hbm>>, %arg5: memref<20224x128xf32, #tpu.memory_space<hbm>>, %arg6: memref<100x100xi32, #tpu.memory_space<vmem>>, %arg7: memref<200x128xf32, #tpu.memory_space<vmem>>, %arg8: memref<10112x128xf32, #tpu.memory_space<vmem_shared>>, %arg9: memref<2x!tpu.dma_semaphore, #tpu.memory_space<semaphore_mem>>, %arg10: memref<2x!tpu.dma_semaphore, #tpu.memory_space<semaphore_mem>>, %arg11: memref<!tpu.dma_semaphore, #tpu.memory_space<semaphore_mem>>) attributes {dimension_semantics = [#tpu.dimension_semantics<core_parallel>, #tpu.dimension_semantics<subcore_parallel>], iteration_bounds = array<i64: 2, 16>, scalar_prefetch = 0 : i64, scratch_operands = 6 : i64, tpu.core_type = #tpu.core_type<sc_vector_subcore>, window_params = [{transform_indices = #map}, {transform_indices = #map}, {transform_indices = #map1}, {transform_indices = #map}]} {
    %mul3A = arith.constant 632 : i32
    %mul3A_0 = arith.muli %arg1, %mul3A : i32
    %mul3A_1 = arith.constant 2 : i32
    %mul3A_2 = arith.muli %mul3A_1, %mul3A_0 : i32
    %mul3A_3 = arith.constant 632 : i32
    %mul3A_4 = arith.muli %arg0, %mul3A_3 : i32
    %add3A = arith.addi %mul3A_2, %mul3A_4 : i32
    %dma_start3A = arith.constant 0 : i32
    %dma_start3A_5 = tpu.memref_slice %arg8[%mul3A_0, %dma_start3A] : memref<10112x128xf32, #tpu.memory_space<vmem_shared>> -> memref<632x128xf32, #tpu.memory_space<vmem_shared>>
    %dma_start3A_6 = arith.constant 0 : i32
    %dma_start3A_7 = tpu.memref_slice %arg2[%add3A, %dma_start3A_6] : memref<20224x128xf32, #tpu.memory_space<hbm>> -> memref<632x128xf32, #tpu.memory_space<hbm>>
    tpu.enqueue_dma source(%dma_start3A_7 : memref<632x128xf32, #tpu.memory_space<hbm>>) target(%dma_start3A_5 : memref<632x128xf32, #tpu.memory_space<vmem_shared>>) target_semaphore(%arg11 : memref<!tpu.dma_semaphore, #tpu.memory_space<semaphore_mem>>)
    %mul3A_8 = arith.constant 16 : i32
    %mul3A_9 = arith.muli %arg0, %mul3A_8 : i32
    %add3A_10 = arith.addi %mul3A_9, %arg1 : i32
    "tpu.region"() ({
      %run_scoped3A = tpu.sem_alloc : memref<!tpu.dma_semaphore, #tpu.memory_space<semaphore_mem>>
      %dma_start3A_19 = arith.constant 0 : i32
      %dma_start3A_20 = arith.constant 0 : i32
      %dma_start3A_21 = tpu.memref_slice %arg4[%add3A_10, %dma_start3A_19, %dma_start3A_20] : memref<32x100x100xi32, #tpu.memory_space<hbm>> -> memref<1x100x100xi32, #tpu.memory_space<hbm>>
      %dma_start3A_22 = tpu.memref_squeeze %dma_start3A_21 : memref<1x100x100xi32, #tpu.memory_space<hbm>> -> memref<100x100xi32, #tpu.memory_space<hbm>>
      %dma_start3A_23 = arith.constant 0 : i32
      %dma_start3A_24 = arith.constant 0 : i32
      %dma_start3A_25 = tpu.memref_slice %arg4[%add3A_10, %dma_start3A_23, %dma_start3A_24] : memref<32x100x100xi32, #tpu.memory_space<hbm>> -> memref<1x100x100xi32, #tpu.memory_space<hbm>>
      %dma_start3A_26 = tpu.memref_squeeze %dma_start3A_25 : memref<1x100x100xi32, #tpu.memory_space<hbm>> -> memref<100x100xi32, #tpu.memory_space<hbm>>
      tpu.enqueue_dma source(%dma_start3A_26 : memref<100x100xi32, #tpu.memory_space<hbm>>) target(%arg6 : memref<100x100xi32, #tpu.memory_space<vmem>>) target_semaphore(%run_scoped3A : memref<!tpu.dma_semaphore, #tpu.memory_space<semaphore_mem>>)
      %dma_wait3A_27 = arith.constant 0 : i32
      %dma_wait3A_28 = arith.constant 0 : i32
      %dma_wait3A_29 = tpu.memref_slice %arg4[%add3A_10, %dma_wait3A_27, %dma_wait3A_28] : memref<32x100x100xi32, #tpu.memory_space<hbm>> -> memref<1x100x100xi32, #tpu.memory_space<hbm>>
      %dma_wait3A_30 = tpu.memref_squeeze %dma_wait3A_29 : memref<1x100x100xi32, #tpu.memory_space<hbm>> -> memref<100x100xi32, #tpu.memory_space<hbm>>
      %dma_wait3A_31 = arith.constant 0 : i32
      %dma_wait3A_32 = arith.constant 0 : i32
      %dma_wait3A_33 = tpu.memref_slice %arg4[%add3A_10, %dma_wait3A_31, %dma_wait3A_32] : memref<32x100x100xi32, #tpu.memory_space<hbm>> -> memref<1x100x100xi32, #tpu.memory_space<hbm>>
      %dma_wait3A_34 = tpu.memref_squeeze %dma_wait3A_33 : memref<1x100x100xi32, #tpu.memory_space<hbm>> -> memref<100x100xi32, #tpu.memory_space<hbm>>
      tpu.wait_dma2 semaphore(%run_scoped3A : memref<!tpu.dma_semaphore, #tpu.memory_space<semaphore_mem>>) src(%dma_wait3A_34 : memref<100x100xi32, #tpu.memory_space<hbm>>) dst(%arg6 : memref<100x100xi32, #tpu.memory_space<vmem>>)
      tpu.yield
    }) : () -> ()
    %dma_wait3A = arith.constant 0 : i32
    %dma_wait3A_11 = tpu.memref_slice %arg8[%mul3A_0, %dma_wait3A] : memref<10112x128xf32, #tpu.memory_space<vmem_shared>> -> memref<632x128xf32, #tpu.memory_space<vmem_shared>>
    %dma_wait3A_12 = arith.constant 0 : i32
    %dma_wait3A_13 = tpu.memref_slice %arg2[%add3A, %dma_wait3A_12] : memref<20224x128xf32, #tpu.memory_space<hbm>> -> memref<632x128xf32, #tpu.memory_space<hbm>>
    tpu.wait_dma2 semaphore(%arg11 : memref<!tpu.dma_semaphore, #tpu.memory_space<semaphore_mem>>) src(%dma_wait3A_13 : memref<632x128xf32, #tpu.memory_space<hbm>>) dst(%dma_wait3A_11 : memref<632x128xf32, #tpu.memory_space<vmem_shared>>)
    %barrier3A = arith.constant 0 : index
    tpu.barrier barrier_id(%barrier3A)
    %scan3A = arith.constant 0 : i32
    %scan3A_14 = arith.constant 52 : i32
    %scan3A_15 = arith.addi %scan3A, %scan3A_14 : i32
    %scan3A_16 = arith.constant 1 : i32
    scf.for %scan3A_19 = %scan3A to %scan3A_15 step %scan3A_16  : i32 {
      %mul3A_20 = arith.constant 1 : i32
      %mul3A_21 = arith.muli %scan3A_19, %mul3A_20 : i32
      %add3A_22 = arith.constant 0 : i32
      %add3A_23 = arith.addi %add3A_22, %mul3A_21 : i32
      %rem3A = arith.constant 2 : i32
      %rem3A_24 = arith.remsi %add3A_23, %rem3A : i32
      %ge3A = arith.constant 2 : i32
      %ge3A_25 = arith.cmpi sge, %add3A_23, %ge3A : i32
      %convert_element_type3A = arith.extui %ge3A_25 : i1 to i32
      %cond3A = arith.constant 0 : i32
      %cond3A_26 = arith.cmpi ne, %convert_element_type3A, %cond3A : i32
      scf.if %cond3A_26 {
        %mul3A_37 = arith.constant 100 : i32
        %mul3A_38 = arith.muli %rem3A_24, %mul3A_37 : i32
        %add3A_39 = arith.constant 50 : i32
        %add3A_40 = arith.addi %add3A_39, %add3A_23 : i32
        %sub3A = arith.constant 2 : i32
        %sub3A_41 = arith.subi %add3A_40, %sub3A : i32
        %dma_wait3A_42 = arith.constant 0 : i32
        %dma_wait3A_43 = tpu.memref_slice %arg7[%mul3A_38, %dma_wait3A_42] : memref<200x128xf32, #tpu.memory_space<vmem>> -> memref<100x128xf32, #tpu.memory_space<vmem>>
        %dma_wait3A_44 = arith.constant 0 : i32
        %dma_wait3A_45 = tpu.memref_slice %arg6[%sub3A_41, %dma_wait3A_44] : memref<100x100xi32, #tpu.memory_space<vmem>> -> memref<1x100xi32, #tpu.memory_space<vmem>>
        %dma_wait3A_46 = tpu.memref_squeeze %dma_wait3A_45 : memref<1x100xi32, #tpu.memory_space<vmem>> -> memref<100xi32, #tpu.memory_space<vmem>>
        %dma_wait3A_47 = arith.constant 0 : i32
        %dma_wait3A_48 = arith.constant 0 : i32
        %dma_wait3A_49 = tpu.memref_slice %arg8[%dma_wait3A_47, %dma_wait3A_48] : memref<10112x128xf32, #tpu.memory_space<vmem_shared>> -> memref<10112x128xf32, #tpu.memory_space<vmem_shared>>
        %dma_wait3A_50 = tpu.memref_slice %arg10[%rem3A_24] : memref<2x!tpu.dma_semaphore, #tpu.memory_space<semaphore_mem>> -> memref<1x!tpu.dma_semaphore, #tpu.memory_space<semaphore_mem>>
        %dma_wait3A_51 = tpu.memref_squeeze %dma_wait3A_50 : memref<1x!tpu.dma_semaphore, #tpu.memory_space<semaphore_mem>> -> memref<!tpu.dma_semaphore, #tpu.memory_space<semaphore_mem>>
        tpu.wait_indirect_dma semaphore(%dma_wait3A_51 : memref<!tpu.dma_semaphore, #tpu.memory_space<semaphore_mem>>) src(%dma_wait3A_43 : memref<100x128xf32, #tpu.memory_space<vmem>>) dst(%dma_wait3A_49 : memref<10112x128xf32, #tpu.memory_space<vmem_shared>>)
      } else {
      }
      %lt3A = arith.constant 50 : i32
      %lt3A_27 = arith.cmpi slt, %add3A_23, %lt3A : i32
      %convert_element_type3A_28 = arith.extui %lt3A_27 : i1 to i32
      %cond3A_29 = arith.constant 0 : i32
      %cond3A_30 = arith.cmpi ne, %convert_element_type3A_28, %cond3A_29 : i32
      scf.if %cond3A_30 {
        %mul3A_37 = arith.constant 100 : i32
        %mul3A_38 = arith.muli %rem3A_24, %mul3A_37 : i32
        %dma_start3A_39 = arith.constant 0 : i32
        %dma_start3A_40 = tpu.memref_slice %arg7[%mul3A_38, %dma_start3A_39] : memref<200x128xf32, #tpu.memory_space<vmem>> -> memref<100x128xf32, #tpu.memory_space<vmem>>
        %dma_start3A_41 = arith.constant 0 : i32
        %dma_start3A_42 = tpu.memref_slice %arg6[%add3A_23, %dma_start3A_41] : memref<100x100xi32, #tpu.memory_space<vmem>> -> memref<1x100xi32, #tpu.memory_space<vmem>>
        %dma_start3A_43 = tpu.memref_squeeze %dma_start3A_42 : memref<1x100xi32, #tpu.memory_space<vmem>> -> memref<100xi32, #tpu.memory_space<vmem>>
        %dma_start3A_44 = arith.constant 0 : i32
        %dma_start3A_45 = arith.constant 0 : i32
        %dma_start3A_46 = tpu.memref_slice %arg3[%dma_start3A_44, %dma_start3A_45] : memref<20224x128xf32, #tpu.memory_space<hbm>> -> memref<20224x128xf32, #tpu.memory_space<hbm>>
        %dma_start3A_47 = tpu.memref_slice %arg9[%rem3A_24] : memref<2x!tpu.dma_semaphore, #tpu.memory_space<semaphore_mem>> -> memref<1x!tpu.dma_semaphore, #tpu.memory_space<semaphore_mem>>
        %dma_start3A_48 = tpu.memref_squeeze %dma_start3A_47 : memref<1x!tpu.dma_semaphore, #tpu.memory_space<semaphore_mem>> -> memref<!tpu.dma_semaphore, #tpu.memory_space<semaphore_mem>>
        tpu.enqueue_indirect_dma source(%dma_start3A_46 : memref<20224x128xf32, #tpu.memory_space<hbm>>) target(%dma_start3A_40 : memref<100x128xf32, #tpu.memory_space<vmem>>) offsets(%dma_start3A_43 : memref<100xi32, #tpu.memory_space<vmem>>) semaphore(%dma_start3A_48 : memref<!tpu.dma_semaphore, #tpu.memory_space<semaphore_mem>>)
      } else {
      }
      %ge3A_31 = arith.constant 1 : i32
      %ge3A_32 = arith.cmpi sge, %add3A_23, %ge3A_31 : i32
      %le3A = arith.constant 50 : i32
      %le3A_33 = arith.cmpi sle, %add3A_23, %le3A : i32
      %and3A = arith.andi %ge3A_32, %le3A_33 : i1
      %convert_element_type3A_34 = arith.extui %and3A : i1 to i32
      %cond3A_35 = arith.constant 0 : i32
      %cond3A_36 = arith.cmpi ne, %convert_element_type3A_34, %cond3A_35 : i32
      scf.if %cond3A_36 {
        %add3A_37 = arith.constant 1 : i32
        %add3A_38 = arith.addi %add3A_23, %add3A_37 : i32
        %rem3A_39 = arith.constant 2 : i32
        %rem3A_40 = arith.remsi %add3A_38, %rem3A_39 : i32
        %sub3A = arith.constant 1 : i32
        %sub3A_41 = arith.subi %add3A_23, %sub3A : i32
        %mul3A_42 = arith.constant 100 : i32
        %mul3A_43 = arith.muli %rem3A_40, %mul3A_42 : i32
        %dma_wait3A_44 = arith.constant 0 : i32
        %dma_wait3A_45 = tpu.memref_slice %arg7[%mul3A_43, %dma_wait3A_44] : memref<200x128xf32, #tpu.memory_space<vmem>> -> memref<100x128xf32, #tpu.memory_space<vmem>>
        %dma_wait3A_46 = arith.constant 0 : i32
        %dma_wait3A_47 = tpu.memref_slice %arg6[%sub3A_41, %dma_wait3A_46] : memref<100x100xi32, #tpu.memory_space<vmem>> -> memref<1x100xi32, #tpu.memory_space<vmem>>
        %dma_wait3A_48 = tpu.memref_squeeze %dma_wait3A_47 : memref<1x100xi32, #tpu.memory_space<vmem>> -> memref<100xi32, #tpu.memory_space<vmem>>
        %dma_wait3A_49 = arith.constant 0 : i32
        %dma_wait3A_50 = arith.constant 0 : i32
        %dma_wait3A_51 = tpu.memref_slice %arg3[%dma_wait3A_49, %dma_wait3A_50] : memref<20224x128xf32, #tpu.memory_space<hbm>> -> memref<20224x128xf32, #tpu.memory_space<hbm>>
        %dma_wait3A_52 = tpu.memref_slice %arg9[%rem3A_40] : memref<2x!tpu.dma_semaphore, #tpu.memory_space<semaphore_mem>> -> memref<1x!tpu.dma_semaphore, #tpu.memory_space<semaphore_mem>>
        %dma_wait3A_53 = tpu.memref_squeeze %dma_wait3A_52 : memref<1x!tpu.dma_semaphore, #tpu.memory_space<semaphore_mem>> -> memref<!tpu.dma_semaphore, #tpu.memory_space<semaphore_mem>>
        tpu.wait_indirect_dma semaphore(%dma_wait3A_53 : memref<!tpu.dma_semaphore, #tpu.memory_space<semaphore_mem>>) src(%dma_wait3A_51 : memref<20224x128xf32, #tpu.memory_space<hbm>>) dst(%dma_wait3A_45 : memref<100x128xf32, #tpu.memory_space<vmem>>)
        %mul3A_54 = arith.constant 100 : i32
        %mul3A_55 = arith.muli %rem3A_40, %mul3A_54 : i32
        %add3A_56 = arith.constant 50 : i32
        %add3A_57 = arith.addi %add3A_56, %add3A_23 : i32
        %sub3A_58 = arith.constant 1 : i32
        %sub3A_59 = arith.subi %add3A_57, %sub3A_58 : i32
        %dma_start3A_60 = arith.constant 0 : i32
        %dma_start3A_61 = tpu.memref_slice %arg7[%mul3A_55, %dma_start3A_60] : memref<200x128xf32, #tpu.memory_space<vmem>> -> memref<100x128xf32, #tpu.memory_space<vmem>>
        %dma_start3A_62 = arith.constant 0 : i32
        %dma_start3A_63 = tpu.memref_slice %arg6[%sub3A_59, %dma_start3A_62] : memref<100x100xi32, #tpu.memory_space<vmem>> -> memref<1x100xi32, #tpu.memory_space<vmem>>
        %dma_start3A_64 = tpu.memref_squeeze %dma_start3A_63 : memref<1x100xi32, #tpu.memory_space<vmem>> -> memref<100xi32, #tpu.memory_space<vmem>>
        %dma_start3A_65 = arith.constant 0 : i32
        %dma_start3A_66 = arith.constant 0 : i32
        %dma_start3A_67 = tpu.memref_slice %arg8[%dma_start3A_65, %dma_start3A_66] : memref<10112x128xf32, #tpu.memory_space<vmem_shared>> -> memref<10112x128xf32, #tpu.memory_space<vmem_shared>>
        %dma_start3A_68 = tpu.memref_slice %arg10[%rem3A_40] : memref<2x!tpu.dma_semaphore, #tpu.memory_space<semaphore_mem>> -> memref<1x!tpu.dma_semaphore, #tpu.memory_space<semaphore_mem>>
        %dma_start3A_69 = tpu.memref_squeeze %dma_start3A_68 : memref<1x!tpu.dma_semaphore, #tpu.memory_space<semaphore_mem>> -> memref<!tpu.dma_semaphore, #tpu.memory_space<semaphore_mem>>
        tpu.enqueue_indirect_dma source(%dma_start3A_61 : memref<100x128xf32, #tpu.memory_space<vmem>>) target(%dma_start3A_67 : memref<10112x128xf32, #tpu.memory_space<vmem_shared>>) offsets(%dma_start3A_64 : memref<100xi32, #tpu.memory_space<vmem>>) semaphore(%dma_start3A_69 : memref<!tpu.dma_semaphore, #tpu.memory_space<semaphore_mem>>) {add = true}
      } else {
      }
    }
    %scan3A_17 = arith.constant 52 : i32
    %barrier3A_18 = arith.constant 0 : index
    tpu.barrier barrier_id(%barrier3A_18)
    "tpu.region"() ({
      %run_scoped3A = tpu.sem_alloc : memref<!tpu.dma_semaphore, #tpu.memory_space<semaphore_mem>>
      %dma_start3A_19 = arith.constant 0 : i32
      %dma_start3A_20 = tpu.memref_slice %arg5[%add3A, %dma_start3A_19] : memref<20224x128xf32, #tpu.memory_space<hbm>> -> memref<632x128xf32, #tpu.memory_space<hbm>>
      %dma_start3A_21 = arith.constant 0 : i32
      %dma_start3A_22 = tpu.memref_slice %arg8[%mul3A_0, %dma_start3A_21] : memref<10112x128xf32, #tpu.memory_space<vmem_shared>> -> memref<632x128xf32, #tpu.memory_space<vmem_shared>>
      tpu.enqueue_dma source(%dma_start3A_22 : memref<632x128xf32, #tpu.memory_space<vmem_shared>>) target(%dma_start3A_20 : memref<632x128xf32, #tpu.memory_space<hbm>>) target_semaphore(%run_scoped3A : memref<!tpu.dma_semaphore, #tpu.memory_space<semaphore_mem>>)
      %dma_wait3A_23 = arith.constant 0 : i32
      %dma_wait3A_24 = tpu.memref_slice %arg5[%add3A, %dma_wait3A_23] : memref<20224x128xf32, #tpu.memory_space<hbm>> -> memref<632x128xf32, #tpu.memory_space<hbm>>
      %dma_wait3A_25 = arith.constant 0 : i32
      %dma_wait3A_26 = tpu.memref_slice %arg8[%mul3A_0, %dma_wait3A_25] : memref<10112x128xf32, #tpu.memory_space<vmem_shared>> -> memref<632x128xf32, #tpu.memory_space<vmem_shared>>
      tpu.wait_dma2 semaphore(%run_scoped3A : memref<!tpu.dma_semaphore, #tpu.memory_space<semaphore_mem>>) src(%dma_wait3A_26 : memref<632x128xf32, #tpu.memory_space<vmem_shared>>) dst(%dma_wait3A_24 : memref<632x128xf32, #tpu.memory_space<hbm>>)
      tpu.yield
    }) : () -> ()
    return
  }
}

#map = affine_map<(d0, d1) -> (0, 0)>
#map1 = affine_map<(d0, d1) -> (0, 0, 0)>
module attributes {stable_mosaic.version = 14 : i64} {
  func.func @k(%arg0: i32, %arg1: i32, %arg2: memref<20224x128xf32, #tpu.memory_space<hbm>>, %arg3: memref<20224x128xf32, #tpu.memory_space<hbm>>, %arg4: memref<32x100x100xi32, #tpu.memory_space<hbm>>, %arg5: memref<20224x128xf32, #tpu.memory_space<hbm>>, %arg6: memref<100x100xi32, #tpu.memory_space<vmem>>, %arg7: memref<200x128xf32, #tpu.memory_space<vmem>>, %arg8: memref<10112x128xf32, #tpu.memory_space<vmem_shared>>, %arg9: memref<2x!tpu.dma_semaphore, #tpu.memory_space<semaphore_mem>>, %arg10: memref<2x!tpu.dma_semaphore, #tpu.memory_space<semaphore_mem>>, %arg11: memref<!tpu.dma_semaphore, #tpu.memory_space<semaphore_mem>>) attributes {dimension_semantics = [#tpu.dimension_semantics<core_parallel>, #tpu.dimension_semantics<subcore_parallel>], iteration_bounds = array<i64: 2, 16>, scalar_prefetch = 0 : i64, scratch_operands = 6 : i64, tpu.core_type = #tpu.core_type<sc_vector_subcore>, window_params = [{transform_indices = #map}, {transform_indices = #map}, {transform_indices = #map1}, {transform_indices = #map}]} {
    %mul3A = arith.constant 632 : i32
    %mul3A_0 = arith.muli %arg1, %mul3A : i32
    %mul3A_1 = arith.constant 2 : i32
    %mul3A_2 = arith.muli %mul3A_1, %mul3A_0 : i32
    %mul3A_3 = arith.constant 632 : i32
    %mul3A_4 = arith.muli %arg0, %mul3A_3 : i32
    %add3A = arith.addi %mul3A_2, %mul3A_4 : i32
    %dma_start3A = arith.constant 0 : i32
    %dma_start3A_5 = tpu.memref_slice %arg8[%mul3A_0, %dma_start3A] : memref<10112x128xf32, #tpu.memory_space<vmem_shared>> -> memref<632x128xf32, #tpu.memory_space<vmem_shared>>
    %dma_start3A_6 = arith.constant 0 : i32
    %dma_start3A_7 = tpu.memref_slice %arg2[%add3A, %dma_start3A_6] : memref<20224x128xf32, #tpu.memory_space<hbm>> -> memref<632x128xf32, #tpu.memory_space<hbm>>
    tpu.enqueue_dma source(%dma_start3A_7 : memref<632x128xf32, #tpu.memory_space<hbm>>) target(%dma_start3A_5 : memref<632x128xf32, #tpu.memory_space<vmem_shared>>) target_semaphore(%arg11 : memref<!tpu.dma_semaphore, #tpu.memory_space<semaphore_mem>>)
    %mul3A_8 = arith.constant 16 : i32
    %mul3A_9 = arith.muli %arg0, %mul3A_8 : i32
    %add3A_10 = arith.addi %mul3A_9, %arg1 : i32
    "tpu.region"() ({
      %run_scoped3A = tpu.sem_alloc : memref<!tpu.dma_semaphore, #tpu.memory_space<semaphore_mem>>
      %dma_start3A_19 = arith.constant 0 : i32
      %dma_start3A_20 = arith.constant 0 : i32
      %dma_start3A_21 = tpu.memref_slice %arg4[%add3A_10, %dma_start3A_19, %dma_start3A_20] : memref<32x100x100xi32, #tpu.memory_space<hbm>> -> memref<1x100x100xi32, #tpu.memory_space<hbm>>
      %dma_start3A_22 = tpu.memref_squeeze %dma_start3A_21 : memref<1x100x100xi32, #tpu.memory_space<hbm>> -> memref<100x100xi32, #tpu.memory_space<hbm>>
      %dma_start3A_23 = arith.constant 0 : i32
      %dma_start3A_24 = arith.constant 0 : i32
      %dma_start3A_25 = tpu.memref_slice %arg4[%add3A_10, %dma_start3A_23, %dma_start3A_24] : memref<32x100x100xi32, #tpu.memory_space<hbm>> -> memref<1x100x100xi32, #tpu.memory_space<hbm>>
      %dma_start3A_26 = tpu.memref_squeeze %dma_start3A_25 : memref<1x100x100xi32, #tpu.memory_space<hbm>> -> memref<100x100xi32, #tpu.memory_space<hbm>>
      tpu.enqueue_dma source(%dma_start3A_26 : memref<100x100xi32, #tpu.memory_space<hbm>>) target(%arg6 : memref<100x100xi32, #tpu.memory_space<vmem>>) target_semaphore(%run_scoped3A : memref<!tpu.dma_semaphore, #tpu.memory_space<semaphore_mem>>)
      %dma_wait3A_27 = arith.constant 0 : i32
      %dma_wait3A_28 = arith.constant 0 : i32
      %dma_wait3A_29 = tpu.memref_slice %arg4[%add3A_10, %dma_wait3A_27, %dma_wait3A_28] : memref<32x100x100xi32, #tpu.memory_space<hbm>> -> memref<1x100x100xi32, #tpu.memory_space<hbm>>
      %dma_wait3A_30 = tpu.memref_squeeze %dma_wait3A_29 : memref<1x100x100xi32, #tpu.memory_space<hbm>> -> memref<100x100xi32, #tpu.memory_space<hbm>>
      %dma_wait3A_31 = arith.constant 0 : i32
      %dma_wait3A_32 = arith.constant 0 : i32
      %dma_wait3A_33 = tpu.memref_slice %arg4[%add3A_10, %dma_wait3A_31, %dma_wait3A_32] : memref<32x100x100xi32, #tpu.memory_space<hbm>> -> memref<1x100x100xi32, #tpu.memory_space<hbm>>
      %dma_wait3A_34 = tpu.memref_squeeze %dma_wait3A_33 : memref<1x100x100xi32, #tpu.memory_space<hbm>> -> memref<100x100xi32, #tpu.memory_space<hbm>>
      tpu.wait_dma2 semaphore(%run_scoped3A : memref<!tpu.dma_semaphore, #tpu.memory_space<semaphore_mem>>) src(%dma_wait3A_34 : memref<100x100xi32, #tpu.memory_space<hbm>>) dst(%arg6 : memref<100x100xi32, #tpu.memory_space<vmem>>)
      tpu.yield
    }) : () -> ()
    %dma_wait3A = arith.constant 0 : i32
    %dma_wait3A_11 = tpu.memref_slice %arg8[%mul3A_0, %dma_wait3A] : memref<10112x128xf32, #tpu.memory_space<vmem_shared>> -> memref<632x128xf32, #tpu.memory_space<vmem_shared>>
    %dma_wait3A_12 = arith.constant 0 : i32
    %dma_wait3A_13 = tpu.memref_slice %arg2[%add3A, %dma_wait3A_12] : memref<20224x128xf32, #tpu.memory_space<hbm>> -> memref<632x128xf32, #tpu.memory_space<hbm>>
    tpu.wait_dma2 semaphore(%arg11 : memref<!tpu.dma_semaphore, #tpu.memory_space<semaphore_mem>>) src(%dma_wait3A_13 : memref<632x128xf32, #tpu.memory_space<hbm>>) dst(%dma_wait3A_11 : memref<632x128xf32, #tpu.memory_space<vmem_shared>>)
    %barrier3A = arith.constant 0 : index
    tpu.barrier barrier_id(%barrier3A)
    %scan3A = arith.constant 0 : i32
    %scan3A_14 = arith.constant 52 : i32
    %scan3A_15 = arith.addi %scan3A, %scan3A_14 : i32
    %scan3A_16 = arith.constant 1 : i32
    scf.for %scan3A_19 = %scan3A to %scan3A_15 step %scan3A_16  : i32 {
      %mul3A_20 = arith.constant 1 : i32
      %mul3A_21 = arith.muli %scan3A_19, %mul3A_20 : i32
      %add3A_22 = arith.constant 0 : i32
      %add3A_23 = arith.addi %add3A_22, %mul3A_21 : i32
      %rem3A = arith.constant 2 : i32
      %rem3A_24 = arith.remsi %add3A_23, %rem3A : i32
      %ge3A = arith.constant 2 : i32
      %ge3A_25 = arith.cmpi sge, %add3A_23, %ge3A : i32
      %convert_element_type3A = arith.extui %ge3A_25 : i1 to i32
      %cond3A = arith.constant 0 : i32
      %cond3A_26 = arith.cmpi ne, %convert_element_type3A, %cond3A : i32
      scf.if %cond3A_26 {
        %mul3A_37 = arith.constant 100 : i32
        %mul3A_38 = arith.muli %rem3A_24, %mul3A_37 : i32
        %add3A_39 = arith.constant 50 : i32
        %add3A_40 = arith.addi %add3A_39, %add3A_23 : i32
        %sub3A = arith.constant 2 : i32
        %sub3A_41 = arith.subi %add3A_40, %sub3A : i32
        %dma_wait3A_42 = arith.constant 0 : i32
        %dma_wait3A_43 = tpu.memref_slice %arg7[%mul3A_38, %dma_wait3A_42] : memref<200x128xf32, #tpu.memory_space<vmem>> -> memref<100x128xf32, #tpu.memory_space<vmem>>
        %dma_wait3A_44 = arith.constant 0 : i32
        %dma_wait3A_45 = tpu.memref_slice %arg6[%sub3A_41, %dma_wait3A_44] : memref<100x100xi32, #tpu.memory_space<vmem>> -> memref<1x100xi32, #tpu.memory_space<vmem>>
        %dma_wait3A_46 = tpu.memref_squeeze %dma_wait3A_45 : memref<1x100xi32, #tpu.memory_space<vmem>> -> memref<100xi32, #tpu.memory_space<vmem>>
        %dma_wait3A_47 = arith.constant 0 : i32
        %dma_wait3A_48 = arith.constant 0 : i32
        %dma_wait3A_49 = tpu.memref_slice %arg8[%dma_wait3A_47, %dma_wait3A_48] : memref<10112x128xf32, #tpu.memory_space<vmem_shared>> -> memref<10112x128xf32, #tpu.memory_space<vmem_shared>>
        %dma_wait3A_50 = tpu.memref_slice %arg10[%rem3A_24] : memref<2x!tpu.dma_semaphore, #tpu.memory_space<semaphore_mem>> -> memref<1x!tpu.dma_semaphore, #tpu.memory_space<semaphore_mem>>
        %dma_wait3A_51 = tpu.memref_squeeze %dma_wait3A_50 : memref<1x!tpu.dma_semaphore, #tpu.memory_space<semaphore_mem>> -> memref<!tpu.dma_semaphore, #tpu.memory_space<semaphore_mem>>
        tpu.wait_indirect_dma semaphore(%dma_wait3A_51 : memref<!tpu.dma_semaphore, #tpu.memory_space<semaphore_mem>>) src(%dma_wait3A_43 : memref<100x128xf32, #tpu.memory_space<vmem>>) dst(%dma_wait3A_49 : memref<10112x128xf32, #tpu.memory_space<vmem_shared>>)
      } else {
      }
      %lt3A = arith.constant 50 : i32
      %lt3A_27 = arith.cmpi slt, %add3A_23, %lt3A : i32
      %convert_element_type3A_28 = arith.extui %lt3A_27 : i1 to i32
      %cond3A_29 = arith.constant 0 : i32
      %cond3A_30 = arith.cmpi ne, %convert_element_type3A_28, %cond3A_29 : i32
      scf.if %cond3A_30 {
        %mul3A_37 = arith.constant 100 : i32
        %mul3A_38 = arith.muli %rem3A_24, %mul3A_37 : i32
        %dma_start3A_39 = arith.constant 0 : i32
        %dma_start3A_40 = tpu.memref_slice %arg7[%mul3A_38, %dma_start3A_39] : memref<200x128xf32, #tpu.memory_space<vmem>> -> memref<100x128xf32, #tpu.memory_space<vmem>>
        %dma_start3A_41 = arith.constant 0 : i32
        %dma_start3A_42 = tpu.memref_slice %arg6[%add3A_23, %dma_start3A_41] : memref<100x100xi32, #tpu.memory_space<vmem>> -> memref<1x100xi32, #tpu.memory_space<vmem>>
        %dma_start3A_43 = tpu.memref_squeeze %dma_start3A_42 : memref<1x100xi32, #tpu.memory_space<vmem>> -> memref<100xi32, #tpu.memory_space<vmem>>
        %dma_start3A_44 = arith.constant 0 : i32
        %dma_start3A_45 = arith.constant 0 : i32
        %dma_start3A_46 = tpu.memref_slice %arg3[%dma_start3A_44, %dma_start3A_45] : memref<20224x128xf32, #tpu.memory_space<hbm>> -> memref<20224x128xf32, #tpu.memory_space<hbm>>
        %dma_start3A_47 = tpu.memref_slice %arg9[%rem3A_24] : memref<2x!tpu.dma_semaphore, #tpu.memory_space<semaphore_mem>> -> memref<1x!tpu.dma_semaphore, #tpu.memory_space<semaphore_mem>>
        %dma_start3A_48 = tpu.memref_squeeze %dma_start3A_47 : memref<1x!tpu.dma_semaphore, #tpu.memory_space<semaphore_mem>> -> memref<!tpu.dma_semaphore, #tpu.memory_space<semaphore_mem>>
        tpu.enqueue_indirect_dma source(%dma_start3A_46 : memref<20224x128xf32, #tpu.memory_space<hbm>>) target(%dma_start3A_40 : memref<100x128xf32, #tpu.memory_space<vmem>>) offsets(%dma_start3A_43 : memref<100xi32, #tpu.memory_space<vmem>>) semaphore(%dma_start3A_48 : memref<!tpu.dma_semaphore, #tpu.memory_space<semaphore_mem>>)
      } else {
      }
      %ge3A_31 = arith.constant 1 : i32
      %ge3A_32 = arith.cmpi sge, %add3A_23, %ge3A_31 : i32
      %le3A = arith.constant 50 : i32
      %le3A_33 = arith.cmpi sle, %add3A_23, %le3A : i32
      %and3A = arith.andi %ge3A_32, %le3A_33 : i1
      %convert_element_type3A_34 = arith.extui %and3A : i1 to i32
      %cond3A_35 = arith.constant 0 : i32
      %cond3A_36 = arith.cmpi ne, %convert_element_type3A_34, %cond3A_35 : i32
      scf.if %cond3A_36 {
        %add3A_37 = arith.constant 1 : i32
        %add3A_38 = arith.addi %add3A_23, %add3A_37 : i32
        %rem3A_39 = arith.constant 2 : i32
        %rem3A_40 = arith.remsi %add3A_38, %rem3A_39 : i32
        %sub3A = arith.constant 1 : i32
        %sub3A_41 = arith.subi %add3A_23, %sub3A : i32
        %mul3A_42 = arith.constant 100 : i32
        %mul3A_43 = arith.muli %rem3A_40, %mul3A_42 : i32
        %dma_wait3A_44 = arith.constant 0 : i32
        %dma_wait3A_45 = tpu.memref_slice %arg7[%mul3A_43, %dma_wait3A_44] : memref<200x128xf32, #tpu.memory_space<vmem>> -> memref<100x128xf32, #tpu.memory_space<vmem>>
        %dma_wait3A_46 = arith.constant 0 : i32
        %dma_wait3A_47 = tpu.memref_slice %arg6[%sub3A_41, %dma_wait3A_46] : memref<100x100xi32, #tpu.memory_space<vmem>> -> memref<1x100xi32, #tpu.memory_space<vmem>>
        %dma_wait3A_48 = tpu.memref_squeeze %dma_wait3A_47 : memref<1x100xi32, #tpu.memory_space<vmem>> -> memref<100xi32, #tpu.memory_space<vmem>>
        %dma_wait3A_49 = arith.constant 0 : i32
        %dma_wait3A_50 = arith.constant 0 : i32
        %dma_wait3A_51 = tpu.memref_slice %arg3[%dma_wait3A_49, %dma_wait3A_50] : memref<20224x128xf32, #tpu.memory_space<hbm>> -> memref<20224x128xf32, #tpu.memory_space<hbm>>
        %dma_wait3A_52 = tpu.memref_slice %arg9[%rem3A_40] : memref<2x!tpu.dma_semaphore, #tpu.memory_space<semaphore_mem>> -> memref<1x!tpu.dma_semaphore, #tpu.memory_space<semaphore_mem>>
        %dma_wait3A_53 = tpu.memref_squeeze %dma_wait3A_52 : memref<1x!tpu.dma_semaphore, #tpu.memory_space<semaphore_mem>> -> memref<!tpu.dma_semaphore, #tpu.memory_space<semaphore_mem>>
        tpu.wait_indirect_dma semaphore(%dma_wait3A_53 : memref<!tpu.dma_semaphore, #tpu.memory_space<semaphore_mem>>) src(%dma_wait3A_51 : memref<20224x128xf32, #tpu.memory_space<hbm>>) dst(%dma_wait3A_45 : memref<100x128xf32, #tpu.memory_space<vmem>>)
        %mul3A_54 = arith.constant 100 : i32
        %mul3A_55 = arith.muli %rem3A_40, %mul3A_54 : i32
        %add3A_56 = arith.constant 50 : i32
        %add3A_57 = arith.addi %add3A_56, %add3A_23 : i32
        %sub3A_58 = arith.constant 1 : i32
        %sub3A_59 = arith.subi %add3A_57, %sub3A_58 : i32
        %dma_start3A_60 = arith.constant 0 : i32
        %dma_start3A_61 = tpu.memref_slice %arg7[%mul3A_55, %dma_start3A_60] : memref<200x128xf32, #tpu.memory_space<vmem>> -> memref<100x128xf32, #tpu.memory_space<vmem>>
        %dma_start3A_62 = arith.constant 0 : i32
        %dma_start3A_63 = tpu.memref_slice %arg6[%sub3A_59, %dma_start3A_62] : memref<100x100xi32, #tpu.memory_space<vmem>> -> memref<1x100xi32, #tpu.memory_space<vmem>>
        %dma_start3A_64 = tpu.memref_squeeze %dma_start3A_63 : memref<1x100xi32, #tpu.memory_space<vmem>> -> memref<100xi32, #tpu.memory_space<vmem>>
        %dma_start3A_65 = arith.constant 0 : i32
        %dma_start3A_66 = arith.constant 0 : i32
        %dma_start3A_67 = tpu.memref_slice %arg8[%dma_start3A_65, %dma_start3A_66] : memref<10112x128xf32, #tpu.memory_space<vmem_shared>> -> memref<10112x128xf32, #tpu.memory_space<vmem_shared>>
        %dma_start3A_68 = tpu.memref_slice %arg10[%rem3A_40] : memref<2x!tpu.dma_semaphore, #tpu.memory_space<semaphore_mem>> -> memref<1x!tpu.dma_semaphore, #tpu.memory_space<semaphore_mem>>
        %dma_start3A_69 = tpu.memref_squeeze %dma_start3A_68 : memref<1x!tpu.dma_semaphore, #tpu.memory_space<semaphore_mem>> -> memref<!tpu.dma_semaphore, #tpu.memory_space<semaphore_mem>>
        tpu.enqueue_indirect_dma source(%dma_start3A_61 : memref<100x128xf32, #tpu.memory_space<vmem>>) target(%dma_start3A_67 : memref<10112x128xf32, #tpu.memory_space<vmem_shared>>) offsets(%dma_start3A_64 : memref<100xi32, #tpu.memory_space<vmem>>) semaphore(%dma_start3A_69 : memref<!tpu.dma_semaphore, #tpu.memory_space<semaphore_mem>>) {add = true}
      } else {
      }
    }
    %scan3A_17 = arith.constant 52 : i32
    %barrier3A_18 = arith.constant 0 : index
    tpu.barrier barrier_id(%barrier3A_18)
    "tpu.region"() ({
      %run_scoped3A = tpu.sem_alloc : memref<!tpu.dma_semaphore, #tpu.memory_space<semaphore_mem>>
      %dma_start3A_19 = arith.constant 0 : i32
      %dma_start3A_20 = tpu.memref_slice %arg5[%add3A, %dma_start3A_19] : memref<20224x128xf32, #tpu.memory_space<hbm>> -> memref<632x128xf32, #tpu.memory_space<hbm>>
      %dma_start3A_21 = arith.constant 0 : i32
      %dma_start3A_22 = tpu.memref_slice %arg8[%mul3A_0, %dma_start3A_21] : memref<10112x128xf32, #tpu.memory_space<vmem_shared>> -> memref<632x128xf32, #tpu.memory_space<vmem_shared>>
      tpu.enqueue_dma source(%dma_start3A_22 : memref<632x128xf32, #tpu.memory_space<vmem_shared>>) target(%dma_start3A_20 : memref<632x128xf32, #tpu.memory_space<hbm>>) target_semaphore(%run_scoped3A : memref<!tpu.dma_semaphore, #tpu.memory_space<semaphore_mem>>)
      %dma_wait3A_23 = arith.constant 0 : i32
      %dma_wait3A_24 = tpu.memref_slice %arg5[%add3A, %dma_wait3A_23] : memref<20224x128xf32, #tpu.memory_space<hbm>> -> memref<632x128xf32, #tpu.memory_space<hbm>>
      %dma_wait3A_25 = arith.constant 0 : i32
      %dma_wait3A_26 = tpu.memref_slice %arg8[%mul3A_0, %dma_wait3A_25] : memref<10112x128xf32, #tpu.memory_space<vmem_shared>> -> memref<632x128xf32, #tpu.memory_space<vmem_shared>>
      tpu.wait_dma2 semaphore(%run_scoped3A : memref<!tpu.dma_semaphore, #tpu.memory_space<semaphore_mem>>) src(%dma_wait3A_26 : memref<632x128xf32, #tpu.memory_space<vmem_shared>>) dst(%dma_wait3A_24 : memref<632x128xf32, #tpu.memory_space<hbm>>)
      tpu.yield
    }) : () -> ()
    return
  }
}

#map = affine_map<(d0, d1) -> (0, 0)>
#map1 = affine_map<(d0, d1) -> (0, 0, 0)>
module attributes {stable_mosaic.version = 14 : i64} {
  func.func @k(%arg0: i32, %arg1: i32, %arg2: memref<20224x128xf32, #tpu.memory_space<hbm>>, %arg3: memref<20224x128xf32, #tpu.memory_space<hbm>>, %arg4: memref<32x100x100xi32, #tpu.memory_space<hbm>>, %arg5: memref<20224x128xf32, #tpu.memory_space<hbm>>, %arg6: memref<100x100xi32, #tpu.memory_space<vmem>>, %arg7: memref<200x128xf32, #tpu.memory_space<vmem>>, %arg8: memref<10112x128xf32, #tpu.memory_space<vmem_shared>>, %arg9: memref<2x!tpu.dma_semaphore, #tpu.memory_space<semaphore_mem>>, %arg10: memref<2x!tpu.dma_semaphore, #tpu.memory_space<semaphore_mem>>, %arg11: memref<!tpu.dma_semaphore, #tpu.memory_space<semaphore_mem>>) attributes {dimension_semantics = [#tpu.dimension_semantics<core_parallel>, #tpu.dimension_semantics<subcore_parallel>], iteration_bounds = array<i64: 2, 16>, scalar_prefetch = 0 : i64, scratch_operands = 6 : i64, tpu.core_type = #tpu.core_type<sc_vector_subcore>, window_params = [{transform_indices = #map}, {transform_indices = #map}, {transform_indices = #map1}, {transform_indices = #map}]} {
    %mul3A = arith.constant 632 : i32
    %mul3A_0 = arith.muli %arg1, %mul3A : i32
    %mul3A_1 = arith.constant 2 : i32
    %mul3A_2 = arith.muli %mul3A_1, %mul3A_0 : i32
    %mul3A_3 = arith.constant 632 : i32
    %mul3A_4 = arith.muli %arg0, %mul3A_3 : i32
    %add3A = arith.addi %mul3A_2, %mul3A_4 : i32
    %dma_start3A = arith.constant 0 : i32
    %dma_start3A_5 = tpu.memref_slice %arg8[%mul3A_0, %dma_start3A] : memref<10112x128xf32, #tpu.memory_space<vmem_shared>> -> memref<632x128xf32, #tpu.memory_space<vmem_shared>>
    %dma_start3A_6 = arith.constant 0 : i32
    %dma_start3A_7 = tpu.memref_slice %arg2[%add3A, %dma_start3A_6] : memref<20224x128xf32, #tpu.memory_space<hbm>> -> memref<632x128xf32, #tpu.memory_space<hbm>>
    tpu.enqueue_dma source(%dma_start3A_7 : memref<632x128xf32, #tpu.memory_space<hbm>>) target(%dma_start3A_5 : memref<632x128xf32, #tpu.memory_space<vmem_shared>>) target_semaphore(%arg11 : memref<!tpu.dma_semaphore, #tpu.memory_space<semaphore_mem>>)
    %mul3A_8 = arith.constant 16 : i32
    %mul3A_9 = arith.muli %arg0, %mul3A_8 : i32
    %add3A_10 = arith.addi %mul3A_9, %arg1 : i32
    "tpu.region"() ({
      %run_scoped3A = tpu.sem_alloc : memref<!tpu.dma_semaphore, #tpu.memory_space<semaphore_mem>>
      %dma_start3A_19 = arith.constant 0 : i32
      %dma_start3A_20 = arith.constant 0 : i32
      %dma_start3A_21 = tpu.memref_slice %arg4[%add3A_10, %dma_start3A_19, %dma_start3A_20] : memref<32x100x100xi32, #tpu.memory_space<hbm>> -> memref<1x100x100xi32, #tpu.memory_space<hbm>>
      %dma_start3A_22 = tpu.memref_squeeze %dma_start3A_21 : memref<1x100x100xi32, #tpu.memory_space<hbm>> -> memref<100x100xi32, #tpu.memory_space<hbm>>
      %dma_start3A_23 = arith.constant 0 : i32
      %dma_start3A_24 = arith.constant 0 : i32
      %dma_start3A_25 = tpu.memref_slice %arg4[%add3A_10, %dma_start3A_23, %dma_start3A_24] : memref<32x100x100xi32, #tpu.memory_space<hbm>> -> memref<1x100x100xi32, #tpu.memory_space<hbm>>
      %dma_start3A_26 = tpu.memref_squeeze %dma_start3A_25 : memref<1x100x100xi32, #tpu.memory_space<hbm>> -> memref<100x100xi32, #tpu.memory_space<hbm>>
      tpu.enqueue_dma source(%dma_start3A_26 : memref<100x100xi32, #tpu.memory_space<hbm>>) target(%arg6 : memref<100x100xi32, #tpu.memory_space<vmem>>) target_semaphore(%run_scoped3A : memref<!tpu.dma_semaphore, #tpu.memory_space<semaphore_mem>>)
      %dma_wait3A_27 = arith.constant 0 : i32
      %dma_wait3A_28 = arith.constant 0 : i32
      %dma_wait3A_29 = tpu.memref_slice %arg4[%add3A_10, %dma_wait3A_27, %dma_wait3A_28] : memref<32x100x100xi32, #tpu.memory_space<hbm>> -> memref<1x100x100xi32, #tpu.memory_space<hbm>>
      %dma_wait3A_30 = tpu.memref_squeeze %dma_wait3A_29 : memref<1x100x100xi32, #tpu.memory_space<hbm>> -> memref<100x100xi32, #tpu.memory_space<hbm>>
      %dma_wait3A_31 = arith.constant 0 : i32
      %dma_wait3A_32 = arith.constant 0 : i32
      %dma_wait3A_33 = tpu.memref_slice %arg4[%add3A_10, %dma_wait3A_31, %dma_wait3A_32] : memref<32x100x100xi32, #tpu.memory_space<hbm>> -> memref<1x100x100xi32, #tpu.memory_space<hbm>>
      %dma_wait3A_34 = tpu.memref_squeeze %dma_wait3A_33 : memref<1x100x100xi32, #tpu.memory_space<hbm>> -> memref<100x100xi32, #tpu.memory_space<hbm>>
      tpu.wait_dma2 semaphore(%run_scoped3A : memref<!tpu.dma_semaphore, #tpu.memory_space<semaphore_mem>>) src(%dma_wait3A_34 : memref<100x100xi32, #tpu.memory_space<hbm>>) dst(%arg6 : memref<100x100xi32, #tpu.memory_space<vmem>>)
      tpu.yield
    }) : () -> ()
    %dma_wait3A = arith.constant 0 : i32
    %dma_wait3A_11 = tpu.memref_slice %arg8[%mul3A_0, %dma_wait3A] : memref<10112x128xf32, #tpu.memory_space<vmem_shared>> -> memref<632x128xf32, #tpu.memory_space<vmem_shared>>
    %dma_wait3A_12 = arith.constant 0 : i32
    %dma_wait3A_13 = tpu.memref_slice %arg2[%add3A, %dma_wait3A_12] : memref<20224x128xf32, #tpu.memory_space<hbm>> -> memref<632x128xf32, #tpu.memory_space<hbm>>
    tpu.wait_dma2 semaphore(%arg11 : memref<!tpu.dma_semaphore, #tpu.memory_space<semaphore_mem>>) src(%dma_wait3A_13 : memref<632x128xf32, #tpu.memory_space<hbm>>) dst(%dma_wait3A_11 : memref<632x128xf32, #tpu.memory_space<vmem_shared>>)
    %barrier3A = arith.constant 0 : index
    tpu.barrier barrier_id(%barrier3A)
    %scan3A = arith.constant 0 : i32
    %scan3A_14 = arith.constant 52 : i32
    %scan3A_15 = arith.addi %scan3A, %scan3A_14 : i32
    %scan3A_16 = arith.constant 1 : i32
    scf.for %scan3A_19 = %scan3A to %scan3A_15 step %scan3A_16  : i32 {
      %mul3A_20 = arith.constant 1 : i32
      %mul3A_21 = arith.muli %scan3A_19, %mul3A_20 : i32
      %add3A_22 = arith.constant 0 : i32
      %add3A_23 = arith.addi %add3A_22, %mul3A_21 : i32
      %rem3A = arith.constant 2 : i32
      %rem3A_24 = arith.remsi %add3A_23, %rem3A : i32
      %ge3A = arith.constant 2 : i32
      %ge3A_25 = arith.cmpi sge, %add3A_23, %ge3A : i32
      %convert_element_type3A = arith.extui %ge3A_25 : i1 to i32
      %cond3A = arith.constant 0 : i32
      %cond3A_26 = arith.cmpi ne, %convert_element_type3A, %cond3A : i32
      scf.if %cond3A_26 {
        %mul3A_37 = arith.constant 100 : i32
        %mul3A_38 = arith.muli %rem3A_24, %mul3A_37 : i32
        %add3A_39 = arith.constant 50 : i32
        %add3A_40 = arith.addi %add3A_39, %add3A_23 : i32
        %sub3A = arith.constant 2 : i32
        %sub3A_41 = arith.subi %add3A_40, %sub3A : i32
        %dma_wait3A_42 = arith.constant 0 : i32
        %dma_wait3A_43 = tpu.memref_slice %arg7[%mul3A_38, %dma_wait3A_42] : memref<200x128xf32, #tpu.memory_space<vmem>> -> memref<100x128xf32, #tpu.memory_space<vmem>>
        %dma_wait3A_44 = arith.constant 0 : i32
        %dma_wait3A_45 = tpu.memref_slice %arg6[%sub3A_41, %dma_wait3A_44] : memref<100x100xi32, #tpu.memory_space<vmem>> -> memref<1x100xi32, #tpu.memory_space<vmem>>
        %dma_wait3A_46 = tpu.memref_squeeze %dma_wait3A_45 : memref<1x100xi32, #tpu.memory_space<vmem>> -> memref<100xi32, #tpu.memory_space<vmem>>
        %dma_wait3A_47 = arith.constant 0 : i32
        %dma_wait3A_48 = arith.constant 0 : i32
        %dma_wait3A_49 = tpu.memref_slice %arg8[%dma_wait3A_47, %dma_wait3A_48] : memref<10112x128xf32, #tpu.memory_space<vmem_shared>> -> memref<10112x128xf32, #tpu.memory_space<vmem_shared>>
        %dma_wait3A_50 = tpu.memref_slice %arg10[%rem3A_24] : memref<2x!tpu.dma_semaphore, #tpu.memory_space<semaphore_mem>> -> memref<1x!tpu.dma_semaphore, #tpu.memory_space<semaphore_mem>>
        %dma_wait3A_51 = tpu.memref_squeeze %dma_wait3A_50 : memref<1x!tpu.dma_semaphore, #tpu.memory_space<semaphore_mem>> -> memref<!tpu.dma_semaphore, #tpu.memory_space<semaphore_mem>>
        tpu.wait_indirect_dma semaphore(%dma_wait3A_51 : memref<!tpu.dma_semaphore, #tpu.memory_space<semaphore_mem>>) src(%dma_wait3A_43 : memref<100x128xf32, #tpu.memory_space<vmem>>) dst(%dma_wait3A_49 : memref<10112x128xf32, #tpu.memory_space<vmem_shared>>)
      } else {
      }
      %lt3A = arith.constant 50 : i32
      %lt3A_27 = arith.cmpi slt, %add3A_23, %lt3A : i32
      %convert_element_type3A_28 = arith.extui %lt3A_27 : i1 to i32
      %cond3A_29 = arith.constant 0 : i32
      %cond3A_30 = arith.cmpi ne, %convert_element_type3A_28, %cond3A_29 : i32
      scf.if %cond3A_30 {
        %mul3A_37 = arith.constant 100 : i32
        %mul3A_38 = arith.muli %rem3A_24, %mul3A_37 : i32
        %dma_start3A_39 = arith.constant 0 : i32
        %dma_start3A_40 = tpu.memref_slice %arg7[%mul3A_38, %dma_start3A_39] : memref<200x128xf32, #tpu.memory_space<vmem>> -> memref<100x128xf32, #tpu.memory_space<vmem>>
        %dma_start3A_41 = arith.constant 0 : i32
        %dma_start3A_42 = tpu.memref_slice %arg6[%add3A_23, %dma_start3A_41] : memref<100x100xi32, #tpu.memory_space<vmem>> -> memref<1x100xi32, #tpu.memory_space<vmem>>
        %dma_start3A_43 = tpu.memref_squeeze %dma_start3A_42 : memref<1x100xi32, #tpu.memory_space<vmem>> -> memref<100xi32, #tpu.memory_space<vmem>>
        %dma_start3A_44 = arith.constant 0 : i32
        %dma_start3A_45 = arith.constant 0 : i32
        %dma_start3A_46 = tpu.memref_slice %arg3[%dma_start3A_44, %dma_start3A_45] : memref<20224x128xf32, #tpu.memory_space<hbm>> -> memref<20224x128xf32, #tpu.memory_space<hbm>>
        %dma_start3A_47 = tpu.memref_slice %arg9[%rem3A_24] : memref<2x!tpu.dma_semaphore, #tpu.memory_space<semaphore_mem>> -> memref<1x!tpu.dma_semaphore, #tpu.memory_space<semaphore_mem>>
        %dma_start3A_48 = tpu.memref_squeeze %dma_start3A_47 : memref<1x!tpu.dma_semaphore, #tpu.memory_space<semaphore_mem>> -> memref<!tpu.dma_semaphore, #tpu.memory_space<semaphore_mem>>
        tpu.enqueue_indirect_dma source(%dma_start3A_46 : memref<20224x128xf32, #tpu.memory_space<hbm>>) target(%dma_start3A_40 : memref<100x128xf32, #tpu.memory_space<vmem>>) offsets(%dma_start3A_43 : memref<100xi32, #tpu.memory_space<vmem>>) semaphore(%dma_start3A_48 : memref<!tpu.dma_semaphore, #tpu.memory_space<semaphore_mem>>)
      } else {
      }
      %ge3A_31 = arith.constant 1 : i32
      %ge3A_32 = arith.cmpi sge, %add3A_23, %ge3A_31 : i32
      %le3A = arith.constant 50 : i32
      %le3A_33 = arith.cmpi sle, %add3A_23, %le3A : i32
      %and3A = arith.andi %ge3A_32, %le3A_33 : i1
      %convert_element_type3A_34 = arith.extui %and3A : i1 to i32
      %cond3A_35 = arith.constant 0 : i32
      %cond3A_36 = arith.cmpi ne, %convert_element_type3A_34, %cond3A_35 : i32
      scf.if %cond3A_36 {
        %add3A_37 = arith.constant 1 : i32
        %add3A_38 = arith.addi %add3A_23, %add3A_37 : i32
        %rem3A_39 = arith.constant 2 : i32
        %rem3A_40 = arith.remsi %add3A_38, %rem3A_39 : i32
        %sub3A = arith.constant 1 : i32
        %sub3A_41 = arith.subi %add3A_23, %sub3A : i32
        %mul3A_42 = arith.constant 100 : i32
        %mul3A_43 = arith.muli %rem3A_40, %mul3A_42 : i32
        %dma_wait3A_44 = arith.constant 0 : i32
        %dma_wait3A_45 = tpu.memref_slice %arg7[%mul3A_43, %dma_wait3A_44] : memref<200x128xf32, #tpu.memory_space<vmem>> -> memref<100x128xf32, #tpu.memory_space<vmem>>
        %dma_wait3A_46 = arith.constant 0 : i32
        %dma_wait3A_47 = tpu.memref_slice %arg6[%sub3A_41, %dma_wait3A_46] : memref<100x100xi32, #tpu.memory_space<vmem>> -> memref<1x100xi32, #tpu.memory_space<vmem>>
        %dma_wait3A_48 = tpu.memref_squeeze %dma_wait3A_47 : memref<1x100xi32, #tpu.memory_space<vmem>> -> memref<100xi32, #tpu.memory_space<vmem>>
        %dma_wait3A_49 = arith.constant 0 : i32
        %dma_wait3A_50 = arith.constant 0 : i32
        %dma_wait3A_51 = tpu.memref_slice %arg3[%dma_wait3A_49, %dma_wait3A_50] : memref<20224x128xf32, #tpu.memory_space<hbm>> -> memref<20224x128xf32, #tpu.memory_space<hbm>>
        %dma_wait3A_52 = tpu.memref_slice %arg9[%rem3A_40] : memref<2x!tpu.dma_semaphore, #tpu.memory_space<semaphore_mem>> -> memref<1x!tpu.dma_semaphore, #tpu.memory_space<semaphore_mem>>
        %dma_wait3A_53 = tpu.memref_squeeze %dma_wait3A_52 : memref<1x!tpu.dma_semaphore, #tpu.memory_space<semaphore_mem>> -> memref<!tpu.dma_semaphore, #tpu.memory_space<semaphore_mem>>
        tpu.wait_indirect_dma semaphore(%dma_wait3A_53 : memref<!tpu.dma_semaphore, #tpu.memory_space<semaphore_mem>>) src(%dma_wait3A_51 : memref<20224x128xf32, #tpu.memory_space<hbm>>) dst(%dma_wait3A_45 : memref<100x128xf32, #tpu.memory_space<vmem>>)
        %mul3A_54 = arith.constant 100 : i32
        %mul3A_55 = arith.muli %rem3A_40, %mul3A_54 : i32
        %add3A_56 = arith.constant 50 : i32
        %add3A_57 = arith.addi %add3A_56, %add3A_23 : i32
        %sub3A_58 = arith.constant 1 : i32
        %sub3A_59 = arith.subi %add3A_57, %sub3A_58 : i32
        %dma_start3A_60 = arith.constant 0 : i32
        %dma_start3A_61 = tpu.memref_slice %arg7[%mul3A_55, %dma_start3A_60] : memref<200x128xf32, #tpu.memory_space<vmem>> -> memref<100x128xf32, #tpu.memory_space<vmem>>
        %dma_start3A_62 = arith.constant 0 : i32
        %dma_start3A_63 = tpu.memref_slice %arg6[%sub3A_59, %dma_start3A_62] : memref<100x100xi32, #tpu.memory_space<vmem>> -> memref<1x100xi32, #tpu.memory_space<vmem>>
        %dma_start3A_64 = tpu.memref_squeeze %dma_start3A_63 : memref<1x100xi32, #tpu.memory_space<vmem>> -> memref<100xi32, #tpu.memory_space<vmem>>
        %dma_start3A_65 = arith.constant 0 : i32
        %dma_start3A_66 = arith.constant 0 : i32
        %dma_start3A_67 = tpu.memref_slice %arg8[%dma_start3A_65, %dma_start3A_66] : memref<10112x128xf32, #tpu.memory_space<vmem_shared>> -> memref<10112x128xf32, #tpu.memory_space<vmem_shared>>
        %dma_start3A_68 = tpu.memref_slice %arg10[%rem3A_40] : memref<2x!tpu.dma_semaphore, #tpu.memory_space<semaphore_mem>> -> memref<1x!tpu.dma_semaphore, #tpu.memory_space<semaphore_mem>>
        %dma_start3A_69 = tpu.memref_squeeze %dma_start3A_68 : memref<1x!tpu.dma_semaphore, #tpu.memory_space<semaphore_mem>> -> memref<!tpu.dma_semaphore, #tpu.memory_space<semaphore_mem>>
        tpu.enqueue_indirect_dma source(%dma_start3A_61 : memref<100x128xf32, #tpu.memory_space<vmem>>) target(%dma_start3A_67 : memref<10112x128xf32, #tpu.memory_space<vmem_shared>>) offsets(%dma_start3A_64 : memref<100xi32, #tpu.memory_space<vmem>>) semaphore(%dma_start3A_69 : memref<!tpu.dma_semaphore, #tpu.memory_space<semaphore_mem>>) {add = true}
      } else {
      }
    }
    %scan3A_17 = arith.constant 52 : i32
    %barrier3A_18 = arith.constant 0 : index
    tpu.barrier barrier_id(%barrier3A_18)
    "tpu.region"() ({
      %run_scoped3A = tpu.sem_alloc : memref<!tpu.dma_semaphore, #tpu.memory_space<semaphore_mem>>
      %dma_start3A_19 = arith.constant 0 : i32
      %dma_start3A_20 = tpu.memref_slice %arg5[%add3A, %dma_start3A_19] : memref<20224x128xf32, #tpu.memory_space<hbm>> -> memref<632x128xf32, #tpu.memory_space<hbm>>
      %dma_start3A_21 = arith.constant 0 : i32
      %dma_start3A_22 = tpu.memref_slice %arg8[%mul3A_0, %dma_start3A_21] : memref<10112x128xf32, #tpu.memory_space<vmem_shared>> -> memref<632x128xf32, #tpu.memory_space<vmem_shared>>
      tpu.enqueue_dma source(%dma_start3A_22 : memref<632x128xf32, #tpu.memory_space<vmem_shared>>) target(%dma_start3A_20 : memref<632x128xf32, #tpu.memory_space<hbm>>) target_semaphore(%run_scoped3A : memref<!tpu.dma_semaphore, #tpu.memory_space<semaphore_mem>>)
      %dma_wait3A_23 = arith.constant 0 : i32
      %dma_wait3A_24 = tpu.memref_slice %arg5[%add3A, %dma_wait3A_23] : memref<20224x128xf32, #tpu.memory_space<hbm>> -> memref<632x128xf32, #tpu.memory_space<hbm>>
      %dma_wait3A_25 = arith.constant 0 : i32
      %dma_wait3A_26 = tpu.memref_slice %arg8[%mul3A_0, %dma_wait3A_25] : memref<10112x128xf32, #tpu.memory_space<vmem_shared>> -> memref<632x128xf32, #tpu.memory_space<vmem_shared>>
      tpu.wait_dma2 semaphore(%run_scoped3A : memref<!tpu.dma_semaphore, #tpu.memory_space<semaphore_mem>>) src(%dma_wait3A_26 : memref<632x128xf32, #tpu.memory_space<vmem_shared>>) dst(%dma_wait3A_24 : memref<632x128xf32, #tpu.memory_space<hbm>>)
      tpu.yield
    }) : () -> ()
    return
  }
}

#map = affine_map<(d0, d1) -> (0, 0)>
#map1 = affine_map<(d0, d1) -> (0, 0, 0)>
module attributes {stable_mosaic.version = 14 : i64} {
  func.func @k(%arg0: i32, %arg1: i32, %arg2: memref<20224x128xf32, #tpu.memory_space<hbm>>, %arg3: memref<20224x128xf32, #tpu.memory_space<hbm>>, %arg4: memref<32x100x100xi32, #tpu.memory_space<hbm>>, %arg5: memref<20224x128xf32, #tpu.memory_space<hbm>>, %arg6: memref<100x100xi32, #tpu.memory_space<vmem>>, %arg7: memref<200x128xf32, #tpu.memory_space<vmem>>, %arg8: memref<10112x128xf32, #tpu.memory_space<vmem_shared>>, %arg9: memref<2x!tpu.dma_semaphore, #tpu.memory_space<semaphore_mem>>, %arg10: memref<2x!tpu.dma_semaphore, #tpu.memory_space<semaphore_mem>>, %arg11: memref<!tpu.dma_semaphore, #tpu.memory_space<semaphore_mem>>) attributes {dimension_semantics = [#tpu.dimension_semantics<core_parallel>, #tpu.dimension_semantics<subcore_parallel>], iteration_bounds = array<i64: 2, 16>, scalar_prefetch = 0 : i64, scratch_operands = 6 : i64, tpu.core_type = #tpu.core_type<sc_vector_subcore>, window_params = [{transform_indices = #map}, {transform_indices = #map}, {transform_indices = #map1}, {transform_indices = #map}]} {
    %mul3A = arith.constant 632 : i32
    %mul3A_0 = arith.muli %arg1, %mul3A : i32
    %mul3A_1 = arith.constant 2 : i32
    %mul3A_2 = arith.muli %mul3A_1, %mul3A_0 : i32
    %mul3A_3 = arith.constant 632 : i32
    %mul3A_4 = arith.muli %arg0, %mul3A_3 : i32
    %add3A = arith.addi %mul3A_2, %mul3A_4 : i32
    %dma_start3A = arith.constant 0 : i32
    %dma_start3A_5 = tpu.memref_slice %arg8[%mul3A_0, %dma_start3A] : memref<10112x128xf32, #tpu.memory_space<vmem_shared>> -> memref<632x128xf32, #tpu.memory_space<vmem_shared>>
    %dma_start3A_6 = arith.constant 0 : i32
    %dma_start3A_7 = tpu.memref_slice %arg2[%add3A, %dma_start3A_6] : memref<20224x128xf32, #tpu.memory_space<hbm>> -> memref<632x128xf32, #tpu.memory_space<hbm>>
    tpu.enqueue_dma source(%dma_start3A_7 : memref<632x128xf32, #tpu.memory_space<hbm>>) target(%dma_start3A_5 : memref<632x128xf32, #tpu.memory_space<vmem_shared>>) target_semaphore(%arg11 : memref<!tpu.dma_semaphore, #tpu.memory_space<semaphore_mem>>)
    %mul3A_8 = arith.constant 16 : i32
    %mul3A_9 = arith.muli %arg0, %mul3A_8 : i32
    %add3A_10 = arith.addi %mul3A_9, %arg1 : i32
    "tpu.region"() ({
      %run_scoped3A = tpu.sem_alloc : memref<!tpu.dma_semaphore, #tpu.memory_space<semaphore_mem>>
      %dma_start3A_19 = arith.constant 0 : i32
      %dma_start3A_20 = arith.constant 0 : i32
      %dma_start3A_21 = tpu.memref_slice %arg4[%add3A_10, %dma_start3A_19, %dma_start3A_20] : memref<32x100x100xi32, #tpu.memory_space<hbm>> -> memref<1x100x100xi32, #tpu.memory_space<hbm>>
      %dma_start3A_22 = tpu.memref_squeeze %dma_start3A_21 : memref<1x100x100xi32, #tpu.memory_space<hbm>> -> memref<100x100xi32, #tpu.memory_space<hbm>>
      %dma_start3A_23 = arith.constant 0 : i32
      %dma_start3A_24 = arith.constant 0 : i32
      %dma_start3A_25 = tpu.memref_slice %arg4[%add3A_10, %dma_start3A_23, %dma_start3A_24] : memref<32x100x100xi32, #tpu.memory_space<hbm>> -> memref<1x100x100xi32, #tpu.memory_space<hbm>>
      %dma_start3A_26 = tpu.memref_squeeze %dma_start3A_25 : memref<1x100x100xi32, #tpu.memory_space<hbm>> -> memref<100x100xi32, #tpu.memory_space<hbm>>
      tpu.enqueue_dma source(%dma_start3A_26 : memref<100x100xi32, #tpu.memory_space<hbm>>) target(%arg6 : memref<100x100xi32, #tpu.memory_space<vmem>>) target_semaphore(%run_scoped3A : memref<!tpu.dma_semaphore, #tpu.memory_space<semaphore_mem>>)
      %dma_wait3A_27 = arith.constant 0 : i32
      %dma_wait3A_28 = arith.constant 0 : i32
      %dma_wait3A_29 = tpu.memref_slice %arg4[%add3A_10, %dma_wait3A_27, %dma_wait3A_28] : memref<32x100x100xi32, #tpu.memory_space<hbm>> -> memref<1x100x100xi32, #tpu.memory_space<hbm>>
      %dma_wait3A_30 = tpu.memref_squeeze %dma_wait3A_29 : memref<1x100x100xi32, #tpu.memory_space<hbm>> -> memref<100x100xi32, #tpu.memory_space<hbm>>
      %dma_wait3A_31 = arith.constant 0 : i32
      %dma_wait3A_32 = arith.constant 0 : i32
      %dma_wait3A_33 = tpu.memref_slice %arg4[%add3A_10, %dma_wait3A_31, %dma_wait3A_32] : memref<32x100x100xi32, #tpu.memory_space<hbm>> -> memref<1x100x100xi32, #tpu.memory_space<hbm>>
      %dma_wait3A_34 = tpu.memref_squeeze %dma_wait3A_33 : memref<1x100x100xi32, #tpu.memory_space<hbm>> -> memref<100x100xi32, #tpu.memory_space<hbm>>
      tpu.wait_dma2 semaphore(%run_scoped3A : memref<!tpu.dma_semaphore, #tpu.memory_space<semaphore_mem>>) src(%dma_wait3A_34 : memref<100x100xi32, #tpu.memory_space<hbm>>) dst(%arg6 : memref<100x100xi32, #tpu.memory_space<vmem>>)
      tpu.yield
    }) : () -> ()
    %dma_wait3A = arith.constant 0 : i32
    %dma_wait3A_11 = tpu.memref_slice %arg8[%mul3A_0, %dma_wait3A] : memref<10112x128xf32, #tpu.memory_space<vmem_shared>> -> memref<632x128xf32, #tpu.memory_space<vmem_shared>>
    %dma_wait3A_12 = arith.constant 0 : i32
    %dma_wait3A_13 = tpu.memref_slice %arg2[%add3A, %dma_wait3A_12] : memref<20224x128xf32, #tpu.memory_space<hbm>> -> memref<632x128xf32, #tpu.memory_space<hbm>>
    tpu.wait_dma2 semaphore(%arg11 : memref<!tpu.dma_semaphore, #tpu.memory_space<semaphore_mem>>) src(%dma_wait3A_13 : memref<632x128xf32, #tpu.memory_space<hbm>>) dst(%dma_wait3A_11 : memref<632x128xf32, #tpu.memory_space<vmem_shared>>)
    %barrier3A = arith.constant 0 : index
    tpu.barrier barrier_id(%barrier3A)
    %scan3A = arith.constant 0 : i32
    %scan3A_14 = arith.constant 52 : i32
    %scan3A_15 = arith.addi %scan3A, %scan3A_14 : i32
    %scan3A_16 = arith.constant 1 : i32
    scf.for %scan3A_19 = %scan3A to %scan3A_15 step %scan3A_16  : i32 {
      %mul3A_20 = arith.constant 1 : i32
      %mul3A_21 = arith.muli %scan3A_19, %mul3A_20 : i32
      %add3A_22 = arith.constant 0 : i32
      %add3A_23 = arith.addi %add3A_22, %mul3A_21 : i32
      %rem3A = arith.constant 2 : i32
      %rem3A_24 = arith.remsi %add3A_23, %rem3A : i32
      %ge3A = arith.constant 2 : i32
      %ge3A_25 = arith.cmpi sge, %add3A_23, %ge3A : i32
      %convert_element_type3A = arith.extui %ge3A_25 : i1 to i32
      %cond3A = arith.constant 0 : i32
      %cond3A_26 = arith.cmpi ne, %convert_element_type3A, %cond3A : i32
      scf.if %cond3A_26 {
        %mul3A_37 = arith.constant 100 : i32
        %mul3A_38 = arith.muli %rem3A_24, %mul3A_37 : i32
        %add3A_39 = arith.constant 50 : i32
        %add3A_40 = arith.addi %add3A_39, %add3A_23 : i32
        %sub3A = arith.constant 2 : i32
        %sub3A_41 = arith.subi %add3A_40, %sub3A : i32
        %dma_wait3A_42 = arith.constant 0 : i32
        %dma_wait3A_43 = tpu.memref_slice %arg7[%mul3A_38, %dma_wait3A_42] : memref<200x128xf32, #tpu.memory_space<vmem>> -> memref<100x128xf32, #tpu.memory_space<vmem>>
        %dma_wait3A_44 = arith.constant 0 : i32
        %dma_wait3A_45 = tpu.memref_slice %arg6[%sub3A_41, %dma_wait3A_44] : memref<100x100xi32, #tpu.memory_space<vmem>> -> memref<1x100xi32, #tpu.memory_space<vmem>>
        %dma_wait3A_46 = tpu.memref_squeeze %dma_wait3A_45 : memref<1x100xi32, #tpu.memory_space<vmem>> -> memref<100xi32, #tpu.memory_space<vmem>>
        %dma_wait3A_47 = arith.constant 0 : i32
        %dma_wait3A_48 = arith.constant 0 : i32
        %dma_wait3A_49 = tpu.memref_slice %arg8[%dma_wait3A_47, %dma_wait3A_48] : memref<10112x128xf32, #tpu.memory_space<vmem_shared>> -> memref<10112x128xf32, #tpu.memory_space<vmem_shared>>
        %dma_wait3A_50 = tpu.memref_slice %arg10[%rem3A_24] : memref<2x!tpu.dma_semaphore, #tpu.memory_space<semaphore_mem>> -> memref<1x!tpu.dma_semaphore, #tpu.memory_space<semaphore_mem>>
        %dma_wait3A_51 = tpu.memref_squeeze %dma_wait3A_50 : memref<1x!tpu.dma_semaphore, #tpu.memory_space<semaphore_mem>> -> memref<!tpu.dma_semaphore, #tpu.memory_space<semaphore_mem>>
        tpu.wait_indirect_dma semaphore(%dma_wait3A_51 : memref<!tpu.dma_semaphore, #tpu.memory_space<semaphore_mem>>) src(%dma_wait3A_43 : memref<100x128xf32, #tpu.memory_space<vmem>>) dst(%dma_wait3A_49 : memref<10112x128xf32, #tpu.memory_space<vmem_shared>>)
      } else {
      }
      %lt3A = arith.constant 50 : i32
      %lt3A_27 = arith.cmpi slt, %add3A_23, %lt3A : i32
      %convert_element_type3A_28 = arith.extui %lt3A_27 : i1 to i32
      %cond3A_29 = arith.constant 0 : i32
      %cond3A_30 = arith.cmpi ne, %convert_element_type3A_28, %cond3A_29 : i32
      scf.if %cond3A_30 {
        %mul3A_37 = arith.constant 100 : i32
        %mul3A_38 = arith.muli %rem3A_24, %mul3A_37 : i32
        %dma_start3A_39 = arith.constant 0 : i32
        %dma_start3A_40 = tpu.memref_slice %arg7[%mul3A_38, %dma_start3A_39] : memref<200x128xf32, #tpu.memory_space<vmem>> -> memref<100x128xf32, #tpu.memory_space<vmem>>
        %dma_start3A_41 = arith.constant 0 : i32
        %dma_start3A_42 = tpu.memref_slice %arg6[%add3A_23, %dma_start3A_41] : memref<100x100xi32, #tpu.memory_space<vmem>> -> memref<1x100xi32, #tpu.memory_space<vmem>>
        %dma_start3A_43 = tpu.memref_squeeze %dma_start3A_42 : memref<1x100xi32, #tpu.memory_space<vmem>> -> memref<100xi32, #tpu.memory_space<vmem>>
        %dma_start3A_44 = arith.constant 0 : i32
        %dma_start3A_45 = arith.constant 0 : i32
        %dma_start3A_46 = tpu.memref_slice %arg3[%dma_start3A_44, %dma_start3A_45] : memref<20224x128xf32, #tpu.memory_space<hbm>> -> memref<20224x128xf32, #tpu.memory_space<hbm>>
        %dma_start3A_47 = tpu.memref_slice %arg9[%rem3A_24] : memref<2x!tpu.dma_semaphore, #tpu.memory_space<semaphore_mem>> -> memref<1x!tpu.dma_semaphore, #tpu.memory_space<semaphore_mem>>
        %dma_start3A_48 = tpu.memref_squeeze %dma_start3A_47 : memref<1x!tpu.dma_semaphore, #tpu.memory_space<semaphore_mem>> -> memref<!tpu.dma_semaphore, #tpu.memory_space<semaphore_mem>>
        tpu.enqueue_indirect_dma source(%dma_start3A_46 : memref<20224x128xf32, #tpu.memory_space<hbm>>) target(%dma_start3A_40 : memref<100x128xf32, #tpu.memory_space<vmem>>) offsets(%dma_start3A_43 : memref<100xi32, #tpu.memory_space<vmem>>) semaphore(%dma_start3A_48 : memref<!tpu.dma_semaphore, #tpu.memory_space<semaphore_mem>>)
      } else {
      }
      %ge3A_31 = arith.constant 1 : i32
      %ge3A_32 = arith.cmpi sge, %add3A_23, %ge3A_31 : i32
      %le3A = arith.constant 50 : i32
      %le3A_33 = arith.cmpi sle, %add3A_23, %le3A : i32
      %and3A = arith.andi %ge3A_32, %le3A_33 : i1
      %convert_element_type3A_34 = arith.extui %and3A : i1 to i32
      %cond3A_35 = arith.constant 0 : i32
      %cond3A_36 = arith.cmpi ne, %convert_element_type3A_34, %cond3A_35 : i32
      scf.if %cond3A_36 {
        %add3A_37 = arith.constant 1 : i32
        %add3A_38 = arith.addi %add3A_23, %add3A_37 : i32
        %rem3A_39 = arith.constant 2 : i32
        %rem3A_40 = arith.remsi %add3A_38, %rem3A_39 : i32
        %sub3A = arith.constant 1 : i32
        %sub3A_41 = arith.subi %add3A_23, %sub3A : i32
        %mul3A_42 = arith.constant 100 : i32
        %mul3A_43 = arith.muli %rem3A_40, %mul3A_42 : i32
        %dma_wait3A_44 = arith.constant 0 : i32
        %dma_wait3A_45 = tpu.memref_slice %arg7[%mul3A_43, %dma_wait3A_44] : memref<200x128xf32, #tpu.memory_space<vmem>> -> memref<100x128xf32, #tpu.memory_space<vmem>>
        %dma_wait3A_46 = arith.constant 0 : i32
        %dma_wait3A_47 = tpu.memref_slice %arg6[%sub3A_41, %dma_wait3A_46] : memref<100x100xi32, #tpu.memory_space<vmem>> -> memref<1x100xi32, #tpu.memory_space<vmem>>
        %dma_wait3A_48 = tpu.memref_squeeze %dma_wait3A_47 : memref<1x100xi32, #tpu.memory_space<vmem>> -> memref<100xi32, #tpu.memory_space<vmem>>
        %dma_wait3A_49 = arith.constant 0 : i32
        %dma_wait3A_50 = arith.constant 0 : i32
        %dma_wait3A_51 = tpu.memref_slice %arg3[%dma_wait3A_49, %dma_wait3A_50] : memref<20224x128xf32, #tpu.memory_space<hbm>> -> memref<20224x128xf32, #tpu.memory_space<hbm>>
        %dma_wait3A_52 = tpu.memref_slice %arg9[%rem3A_40] : memref<2x!tpu.dma_semaphore, #tpu.memory_space<semaphore_mem>> -> memref<1x!tpu.dma_semaphore, #tpu.memory_space<semaphore_mem>>
        %dma_wait3A_53 = tpu.memref_squeeze %dma_wait3A_52 : memref<1x!tpu.dma_semaphore, #tpu.memory_space<semaphore_mem>> -> memref<!tpu.dma_semaphore, #tpu.memory_space<semaphore_mem>>
        tpu.wait_indirect_dma semaphore(%dma_wait3A_53 : memref<!tpu.dma_semaphore, #tpu.memory_space<semaphore_mem>>) src(%dma_wait3A_51 : memref<20224x128xf32, #tpu.memory_space<hbm>>) dst(%dma_wait3A_45 : memref<100x128xf32, #tpu.memory_space<vmem>>)
        %mul3A_54 = arith.constant 100 : i32
        %mul3A_55 = arith.muli %rem3A_40, %mul3A_54 : i32
        %add3A_56 = arith.constant 50 : i32
        %add3A_57 = arith.addi %add3A_56, %add3A_23 : i32
        %sub3A_58 = arith.constant 1 : i32
        %sub3A_59 = arith.subi %add3A_57, %sub3A_58 : i32
        %dma_start3A_60 = arith.constant 0 : i32
        %dma_start3A_61 = tpu.memref_slice %arg7[%mul3A_55, %dma_start3A_60] : memref<200x128xf32, #tpu.memory_space<vmem>> -> memref<100x128xf32, #tpu.memory_space<vmem>>
        %dma_start3A_62 = arith.constant 0 : i32
        %dma_start3A_63 = tpu.memref_slice %arg6[%sub3A_59, %dma_start3A_62] : memref<100x100xi32, #tpu.memory_space<vmem>> -> memref<1x100xi32, #tpu.memory_space<vmem>>
        %dma_start3A_64 = tpu.memref_squeeze %dma_start3A_63 : memref<1x100xi32, #tpu.memory_space<vmem>> -> memref<100xi32, #tpu.memory_space<vmem>>
        %dma_start3A_65 = arith.constant 0 : i32
        %dma_start3A_66 = arith.constant 0 : i32
        %dma_start3A_67 = tpu.memref_slice %arg8[%dma_start3A_65, %dma_start3A_66] : memref<10112x128xf32, #tpu.memory_space<vmem_shared>> -> memref<10112x128xf32, #tpu.memory_space<vmem_shared>>
        %dma_start3A_68 = tpu.memref_slice %arg10[%rem3A_40] : memref<2x!tpu.dma_semaphore, #tpu.memory_space<semaphore_mem>> -> memref<1x!tpu.dma_semaphore, #tpu.memory_space<semaphore_mem>>
        %dma_start3A_69 = tpu.memref_squeeze %dma_start3A_68 : memref<1x!tpu.dma_semaphore, #tpu.memory_space<semaphore_mem>> -> memref<!tpu.dma_semaphore, #tpu.memory_space<semaphore_mem>>
        tpu.enqueue_indirect_dma source(%dma_start3A_61 : memref<100x128xf32, #tpu.memory_space<vmem>>) target(%dma_start3A_67 : memref<10112x128xf32, #tpu.memory_space<vmem_shared>>) offsets(%dma_start3A_64 : memref<100xi32, #tpu.memory_space<vmem>>) semaphore(%dma_start3A_69 : memref<!tpu.dma_semaphore, #tpu.memory_space<semaphore_mem>>) {add = true}
      } else {
      }
    }
    %scan3A_17 = arith.constant 52 : i32
    %barrier3A_18 = arith.constant 0 : index
    tpu.barrier barrier_id(%barrier3A_18)
    "tpu.region"() ({
      %run_scoped3A = tpu.sem_alloc : memref<!tpu.dma_semaphore, #tpu.memory_space<semaphore_mem>>
      %dma_start3A_19 = arith.constant 0 : i32
      %dma_start3A_20 = tpu.memref_slice %arg5[%add3A, %dma_start3A_19] : memref<20224x128xf32, #tpu.memory_space<hbm>> -> memref<632x128xf32, #tpu.memory_space<hbm>>
      %dma_start3A_21 = arith.constant 0 : i32
      %dma_start3A_22 = tpu.memref_slice %arg8[%mul3A_0, %dma_start3A_21] : memref<10112x128xf32, #tpu.memory_space<vmem_shared>> -> memref<632x128xf32, #tpu.memory_space<vmem_shared>>
      tpu.enqueue_dma source(%dma_start3A_22 : memref<632x128xf32, #tpu.memory_space<vmem_shared>>) target(%dma_start3A_20 : memref<632x128xf32, #tpu.memory_space<hbm>>) target_semaphore(%run_scoped3A : memref<!tpu.dma_semaphore, #tpu.memory_space<semaphore_mem>>)
      %dma_wait3A_23 = arith.constant 0 : i32
      %dma_wait3A_24 = tpu.memref_slice %arg5[%add3A, %dma_wait3A_23] : memref<20224x128xf32, #tpu.memory_space<hbm>> -> memref<632x128xf32, #tpu.memory_space<hbm>>
      %dma_wait3A_25 = arith.constant 0 : i32
      %dma_wait3A_26 = tpu.memref_slice %arg8[%mul3A_0, %dma_wait3A_25] : memref<10112x128xf32, #tpu.memory_space<vmem_shared>> -> memref<632x128xf32, #tpu.memory_space<vmem_shared>>
      tpu.wait_dma2 semaphore(%run_scoped3A : memref<!tpu.dma_semaphore, #tpu.memory_space<semaphore_mem>>) src(%dma_wait3A_26 : memref<632x128xf32, #tpu.memory_space<vmem_shared>>) dst(%dma_wait3A_24 : memref<632x128xf32, #tpu.memory_space<hbm>>)
      tpu.yield
    }) : () -> ()
    return
  }
}

module attributes {stable_mosaic.version = 14 : i64} {
  func.func @_mm_body(%arg0: i32, %arg1: memref<632x256xf32, #tpu.memory_space<vmem>>, %arg2: memref<256x256xf32, #tpu.memory_space<vmem>>, %arg3: memref<1264x128xf32, #tpu.memory_space<vmem>>) attributes {dimension_semantics = [#tpu.dimension_semantics<arbitrary>], iteration_bounds = array<i64: 16>, scalar_prefetch = 0 : i64, scratch_operands = 0 : i64, tpu.core_type = #tpu.core_type<tc>, window_params = [{transform_indices = @transform_0, window_bounds = array<i64: 632, 256>}, {pipeline_mode = #tpu.pipeline_mode<synchronous>, transform_indices = @transform_1, window_bounds = array<i64: 256, 256>}, {transform_indices = @transform_2, window_bounds = array<i64: 1264, 128>}]} {
    %get3A = arith.constant 0 : index
    %get3A_0 = arith.constant 0 : index
    %get3A_1 = vector.load %arg1[%get3A, %get3A_0] : memref<632x256xf32, #tpu.memory_space<vmem>>, vector<632x256xf32>
    %get3A_2 = arith.constant 0 : index
    %get3A_3 = arith.constant 0 : index
    %get3A_4 = vector.load %arg2[%get3A_2, %get3A_3] : memref<256x256xf32, #tpu.memory_space<vmem>>, vector<256x256xf32>
    %dot_general3A = arith.constant dense<0.000000e+00> : vector<632x256xf32>
    %dot_general3A_5 = tpu.matmul %get3A_1, %get3A_4, %dot_general3A {dimension_numbers = #tpu.dot_dimension_numbers<[1], [0], [0], [1], [0, 0, 1, 1], [], []>, transpose_lhs_hint = false} : vector<632x256xf32>, vector<256x256xf32>, vector<632x256xf32> -> vector<632x256xf32>
    %slice3A = vector.extract_strided_slice %dot_general3A_5 {offsets = [0, 0], sizes = [632, 128], strides = [1, 1]} : vector<632x256xf32> to vector<632x128xf32>
    %slice3A_6 = vector.extract_strided_slice %dot_general3A_5 {offsets = [0, 128], sizes = [632, 128], strides = [1, 1]} : vector<632x256xf32> to vector<632x128xf32>
    %concatenate3A = tpu.concatenate %slice3A, %slice3A_6 in 0 : vector<632x128xf32>, vector<632x128xf32> -> vector<1264x128xf32>
    %swap3A = arith.constant 0 : index
    %swap3A_7 = arith.constant 0 : index
    %swap3A_8 = vector.load %arg3[%swap3A, %swap3A_7] : memref<1264x128xf32, #tpu.memory_space<vmem>>, vector<1264x128xf32>
    tpu.vector_store %arg3[%swap3A, %swap3A_7], %concatenate3A {strides = array<i32>} : memref<1264x128xf32, #tpu.memory_space<vmem>>, vector<1264x128xf32>,
    return
  }
  func.func @transform_0(%arg0: i32) -> (i32, i32) {
    %c0_i32 = arith.constant 0 : i32
    %c0_i32_0 = arith.constant 0 : i32
    return %arg0, %c0_i32 : i32, i32
  }
  func.func @transform_1(%arg0: i32) -> (i32, i32) {
    %c0_i32 = arith.constant 0 : i32
    %c0_i32_0 = arith.constant 0 : i32
    %c0_i32_1 = arith.constant 0 : i32
    return %c0_i32, %c0_i32_0 : i32, i32
  }
  func.func @transform_2(%arg0: i32) -> (i32, i32) {
    %c0_i32 = arith.constant 0 : i32
    %c0_i32_0 = arith.constant 0 : i32
    return %arg0, %c0_i32 : i32, i32
  }
}

module attributes {stable_mosaic.version = 14 : i64} {
  func.func @_scale_body(%arg0: i32, %arg1: memref<1264x128xf32, #tpu.memory_space<vmem>>, %arg2: memref<632x128xf32, #tpu.memory_space<vmem>>, %arg3: memref<632x128xf32, #tpu.memory_space<vmem>>, %arg4: memref<1264x128xf32, #tpu.memory_space<vmem>>) attributes {dimension_semantics = [#tpu.dimension_semantics<arbitrary>], iteration_bounds = array<i64: 16>, scalar_prefetch = 0 : i64, scratch_operands = 0 : i64, tpu.core_type = #tpu.core_type<tc>, window_params = [{transform_indices = @transform_0, window_bounds = array<i64: 1264, 128>}, {transform_indices = @transform_1, window_bounds = array<i64: 632, 128>}, {transform_indices = @transform_2, window_bounds = array<i64: 632, 128>}, {transform_indices = @transform_3, window_bounds = array<i64: 1264, 128>}]} {
    %get3A = arith.constant 0 : index
    %get3A_0 = arith.constant 0 : index
    %get3A_1 = vector.load %arg2[%get3A, %get3A_0] : memref<632x128xf32, #tpu.memory_space<vmem>>, vector<632x1xf32>
    %get3A_2 = arith.constant 0 : index
    %get3A_3 = arith.constant 0 : index
    %get3A_4 = vector.load %arg3[%get3A_2, %get3A_3] : memref<632x128xf32, #tpu.memory_space<vmem>>, vector<632x1xf32>
    %add3A = arith.addf %get3A_1, %get3A_4 : vector<632x1xf32>
    %add3A_5 = arith.constant 1.000000e+00 : f32
    %add3A_6 = vector.broadcast %add3A_5 : f32 to vector<632x1xf32>
    %add3A_7 = arith.addf %add3A, %add3A_6 : vector<632x1xf32>
    %rsqrt3A = math.rsqrt %add3A_7 : vector<632x1xf32>
    %get3A_8 = arith.constant 0 : index
    %get3A_9 = arith.constant 0 : index
    %get3A_10 = vector.load %arg1[%get3A_8, %get3A_9] : memref<1264x128xf32, #tpu.memory_space<vmem>>, vector<1264x128xf32>
    %concatenate3A = tpu.concatenate %rsqrt3A, %rsqrt3A in 0 : vector<632x1xf32>, vector<632x1xf32> -> vector<1264x1xf32>
    %mul3A = vector.broadcast %concatenate3A : vector<1264x1xf32> to vector<1264x128xf32>
    %mul3A_11 = arith.mulf %get3A_10, %mul3A : vector<1264x128xf32>
    %swap3A = arith.constant 0 : index
    %swap3A_12 = arith.constant 0 : index
    %swap3A_13 = vector.load %arg4[%swap3A, %swap3A_12] : memref<1264x128xf32, #tpu.memory_space<vmem>>, vector<1264x128xf32>
    tpu.vector_store %arg4[%swap3A, %swap3A_12], %mul3A_11 {strides = array<i32>} : memref<1264x128xf32, #tpu.memory_space<vmem>>, vector<1264x128xf32>,
    return
  }
  func.func @transform_0(%arg0: i32) -> (i32, i32) {
    %c0_i32 = arith.constant 0 : i32
    %c0_i32_0 = arith.constant 0 : i32
    return %arg0, %c0_i32 : i32, i32
  }
  func.func @transform_1(%arg0: i32) -> (i32, i32) {
    %c0_i32 = arith.constant 0 : i32
    %c0_i32_0 = arith.constant 0 : i32
    return %arg0, %c0_i32 : i32, i32
  }
  func.func @transform_2(%arg0: i32) -> (i32, i32) {
    %add3A = arith.constant 16 : i32
    %add3A_0 = arith.addi %arg0, %add3A : i32
    %c0_i32 = arith.constant 0 : i32
    %c0_i32_1 = arith.constant 0 : i32
    return %add3A_0, %c0_i32 : i32, i32
  }
  func.func @transform_3(%arg0: i32) -> (i32, i32) {
    %c0_i32 = arith.constant 0 : i32
    %c0_i32_0 = arith.constant 0 : i32
    return %arg0, %c0_i32 : i32, i32
  }
}

module attributes {stable_mosaic.version = 14 : i64} {
  func.func @_postbnmm_body(%arg0: i32, %arg1: memref<632x128xf32, #tpu.memory_space<vmem>>, %arg2: memref<632x128xf32, #tpu.memory_space<vmem>>, %arg3: memref<632x128xf32, #tpu.memory_space<vmem>>, %arg4: memref<632x128xf32, #tpu.memory_space<vmem>>, %arg5: memref<632x128xf32, #tpu.memory_space<vmem>>, %arg6: memref<632x128xf32, #tpu.memory_space<vmem>>, %arg7: memref<1x256xf32, #tpu.memory_space<vmem>>, %arg8: memref<1x256xf32, #tpu.memory_space<vmem>>, %arg9: memref<1x256xf32, #tpu.memory_space<vmem>>, %arg10: memref<1x256xf32, #tpu.memory_space<vmem>>, %arg11: memref<256x256xf32, #tpu.memory_space<vmem>>, %arg12: memref<1264x128xf32, #tpu.memory_space<vmem>>, %arg13: memref<10112x256xf32, #tpu.memory_space<vmem>>, %arg14: memref<8x256xf32, #tpu.memory_space<vmem>>) attributes {dimension_semantics = [#tpu.dimension_semantics<arbitrary>], iteration_bounds = array<i64: 32>, scalar_prefetch = 0 : i64, scratch_operands = 2 : i64, tpu.core_type = #tpu.core_type<tc>, window_params = [{transform_indices = @transform_0, window_bounds = array<i64: 632, 128>}, {transform_indices = @transform_1, window_bounds = array<i64: 632, 128>}, {transform_indices = @transform_2, window_bounds = array<i64: 632, 128>}, {transform_indices = @transform_3, window_bounds = array<i64: 632, 128>}, {transform_indices = @transform_4, window_bounds = array<i64: 632, 128>}, {transform_indices = @transform_5, window_bounds = array<i64: 632, 128>}, {pipeline_mode = #tpu.pipeline_mode<synchronous>, transform_indices = @transform_6, window_bounds = array<i64: 1, 256>}, {pipeline_mode = #tpu.pipeline_mode<synchronous>, transform_indices = @transform_7, window_bounds = array<i64: 1, 256>}, {pipeline_mode = #tpu.pipeline_mode<synchronous>, transform_indices = @transform_8, window_bounds = array<i64: 1, 256>}, {pipeline_mode = #tpu.pipeline_mode<synchronous>, transform_indices = @transform_9, window_bounds = array<i64: 1, 256>}, {pipeline_mode = #tpu.pipeline_mode<synchronous>, transform_indices = @transform_10, window_bounds = array<i64: 256, 256>}, {transform_indices = @transform_11, window_bounds = array<i64: 1264, 128>}]} {
    %lt3A = arith.constant 16 : i32
    %lt3A_0 = arith.cmpi slt, %arg0, %lt3A : i32
    %convert_element_type3A = arith.extui %lt3A_0 : i1 to i32
    %cond3A = arith.constant 0 : i32
    %cond3A_1 = arith.cmpi ne, %convert_element_type3A, %cond3A : i32
    scf.if %cond3A_1 {
      %get3A = arith.constant 0 : index
      %get3A_6 = arith.constant 0 : index
      %get3A_7 = vector.load %arg1[%get3A, %get3A_6] : memref<632x128xf32, #tpu.memory_space<vmem>>, vector<632x128xf32>
      %get3A_8 = arith.constant 0 : index
      %get3A_9 = arith.constant 0 : index
      %get3A_10 = vector.load %arg3[%get3A_8, %get3A_9] : memref<632x128xf32, #tpu.memory_space<vmem>>, vector<632x128xf32>
      %add3A = arith.addf %get3A_7, %get3A_10 : vector<632x128xf32>
      %get3A_11 = arith.constant 0 : index
      %get3A_12 = arith.constant 0 : index
      %get3A_13 = vector.load %arg2[%get3A_11, %get3A_12] : memref<632x128xf32, #tpu.memory_space<vmem>>, vector<632x128xf32>
      %get3A_14 = arith.constant 0 : index
      %get3A_15 = arith.constant 0 : index
      %get3A_16 = vector.load %arg4[%get3A_14, %get3A_15] : memref<632x128xf32, #tpu.memory_space<vmem>>, vector<632x128xf32>
      %add3A_17 = arith.addf %get3A_13, %get3A_16 : vector<632x128xf32>
      %concatenate3A = tpu.concatenate %add3A, %add3A_17 in 1 : vector<632x128xf32>, vector<632x128xf32> -> vector<632x256xf32>
      %get3A_18 = arith.constant 0 : index
      %get3A_19 = arith.constant 0 : index
      %get3A_20 = vector.load %arg5[%get3A_18, %get3A_19] : memref<632x128xf32, #tpu.memory_space<vmem>>, vector<632x1xf32>
      %get3A_21 = arith.constant 0 : index
      %get3A_22 = arith.constant 0 : index
      %get3A_23 = vector.load %arg6[%get3A_21, %get3A_22] : memref<632x128xf32, #tpu.memory_space<vmem>>, vector<632x1xf32>
      %add3A_24 = arith.addf %get3A_20, %get3A_23 : vector<632x1xf32>
      %add3A_25 = arith.constant 1.000000e+00 : f32
      %add3A_26 = vector.broadcast %add3A_25 : f32 to vector<632x1xf32>
      %add3A_27 = arith.addf %add3A_24, %add3A_26 : vector<632x1xf32>
      %rsqrt3A = math.rsqrt %add3A_27 : vector<632x1xf32>
      %mul3A = vector.broadcast %rsqrt3A : vector<632x1xf32> to vector<632x256xf32>
      %mul3A_28 = arith.mulf %concatenate3A, %mul3A : vector<632x256xf32>
      %get3A_29 = arith.constant 0 : index
      %get3A_30 = arith.constant 0 : index
      %get3A_31 = vector.load %arg7[%get3A_29, %get3A_30] : memref<1x256xf32, #tpu.memory_space<vmem>>, vector<1x256xf32>
      %add3A_32 = vector.broadcast %get3A_31 : vector<1x256xf32> to vector<632x256xf32>
      %add3A_33 = arith.addf %mul3A_28, %add3A_32 : vector<632x256xf32>
      %mul3A_34 = arith.constant 632 : i32
      %mul3A_35 = arith.muli %arg0, %mul3A_34 : i32
      %swap3A = arith.index_cast %mul3A_35 : i32 to index
      %swap3A_36 = arith.constant 0 : index
      %swap3A_37 = vector.load %arg13[%swap3A, %swap3A_36] : memref<10112x256xf32, #tpu.memory_space<vmem>>, vector<632x256xf32>
      tpu.vector_store %arg13[%swap3A, %swap3A_36], %add3A_33 {strides = array<i32>} : memref<10112x256xf32, #tpu.memory_space<vmem>>, vector<632x256xf32>,
      %eq3A = arith.constant 0 : i32
      %eq3A_38 = arith.cmpi eq, %arg0, %eq3A : i32
      %convert_element_type3A_39 = arith.extui %eq3A_38 : i1 to i32
      %cond3A_40 = arith.constant 0 : i32
      %cond3A_41 = arith.cmpi ne, %convert_element_type3A_39, %cond3A_40 : i32
      scf.if %cond3A_41 {
        %broadcast_in_dim3A_67 = arith.constant 0.000000e+00 : f32
        %broadcast_in_dim3A_68 = vector.broadcast %broadcast_in_dim3A_67 : f32 to vector<8x256xf32>
        %swap3A_69 = arith.constant 0 : index
        %swap3A_70 = arith.constant 0 : index
        %swap3A_71 = vector.load %arg14[%swap3A_69, %swap3A_70] : memref<8x256xf32, #tpu.memory_space<vmem>>, vector<8x256xf32>
        tpu.vector_store %arg14[%swap3A_69, %swap3A_70], %broadcast_in_dim3A_68 {strides = array<i32>} : memref<8x256xf32, #tpu.memory_space<vmem>>, vector<8x256xf32>,
      } else {
      }
      %iota3A = tpu.iota {dimensions = array<i32: 0>} : vector<632x1xi32>
      %mul3A_42 = arith.constant 632 : i32
      %mul3A_43 = arith.muli %arg0, %mul3A_42 : i32
      %add3A_44 = vector.broadcast %mul3A_43 : i32 to vector<632x1xi32>
      %add3A_45 = arith.addi %iota3A, %add3A_44 : vector<632x1xi32>
      %lt3A_46 = arith.constant 10000 : i32
      %lt3A_47 = vector.broadcast %lt3A_46 : i32 to vector<632x1xi32>
      %lt3A_48 = arith.cmpi slt, %add3A_45, %lt3A_47 : vector<632x1xi32>
      %jit3A = arith.constant 0.000000e+00 : f32
      %broadcast_in_dim3A = vector.shape_cast %lt3A_48 : vector<632x1xi1> to vector<632x1xi1>
      %broadcast_in_dim3A_49 = vector.broadcast %broadcast_in_dim3A : vector<632x1xi1> to vector<632x256xi1>
      %broadcast_in_dim3A_50 = vector.broadcast %jit3A : f32 to vector<632x256xf32>
      %select_n3A = arith.select %broadcast_in_dim3A_49, %add3A_33, %broadcast_in_dim3A_50 : vector<632x256xi1>, vector<632x256xf32>
      %reduce_sum3A = arith.constant dense<0.000000e+00> : vector<256xf32>
      %reduce_sum3A_51 = vector.multi_reduction <add>, %select_n3A, %reduce_sum3A [0] : vector<632x256xf32> to vector<256xf32>
      %broadcast_in_dim3A_52 = vector.shape_cast %reduce_sum3A_51 : vector<256xf32> to vector<1x256xf32>
      %mul3A_53 = arith.mulf %select_n3A, %select_n3A : vector<632x256xf32>
      %reduce_sum3A_54 = arith.constant dense<0.000000e+00> : vector<256xf32>
      %reduce_sum3A_55 = vector.multi_reduction <add>, %mul3A_53, %reduce_sum3A_54 [0] : vector<632x256xf32> to vector<256xf32>
      %broadcast_in_dim3A_56 = vector.shape_cast %reduce_sum3A_55 : vector<256xf32> to vector<1x256xf32>
      %get3A_57 = arith.constant 0 : index
      %get3A_58 = arith.constant 0 : index
      %get3A_59 = vector.load %arg14[%get3A_57, %get3A_58] : memref<8x256xf32, #tpu.memory_space<vmem>>, vector<8x256xf32>
      %broadcast_in_dim3A_60 = arith.constant 0.000000e+00 : f32
      %broadcast_in_dim3A_61 = vector.broadcast %broadcast_in_dim3A_60 : f32 to vector<6x256xf32>
      %concatenate3A_62 = tpu.concatenate %broadcast_in_dim3A_52, %broadcast_in_dim3A_56, %broadcast_in_dim3A_61 in 0 : vector<1x256xf32>, vector<1x256xf32>, vector<6x256xf32> -> vector<8x256xf32>
      %add3A_63 = arith.addf %get3A_59, %concatenate3A_62 : vector<8x256xf32>
      %swap3A_64 = arith.constant 0 : index
      %swap3A_65 = arith.constant 0 : index
      %swap3A_66 = vector.load %arg14[%swap3A_64, %swap3A_65] : memref<8x256xf32, #tpu.memory_space<vmem>>, vector<8x256xf32>
      tpu.vector_store %arg14[%swap3A_64, %swap3A_65], %add3A_63 {strides = array<i32>} : memref<8x256xf32, #tpu.memory_space<vmem>>, vector<8x256xf32>,
    } else {
    }
    %ge3A = arith.constant 16 : i32
    %ge3A_2 = arith.cmpi sge, %arg0, %ge3A : i32
    %convert_element_type3A_3 = arith.extui %ge3A_2 : i1 to i32
    %cond3A_4 = arith.constant 0 : i32
    %cond3A_5 = arith.cmpi ne, %convert_element_type3A_3, %cond3A_4 : i32
    scf.if %cond3A_5 {
      %sub3A = arith.constant 16 : i32
      %sub3A_6 = arith.subi %arg0, %sub3A : i32
      %mul3A = arith.constant 632 : i32
      %mul3A_7 = arith.muli %sub3A_6, %mul3A : i32
      %get3A = arith.index_cast %mul3A_7 : i32 to index
      %get3A_8 = arith.constant 0 : index
      %get3A_9 = vector.load %arg13[%get3A, %get3A_8] : memref<10112x256xf32, #tpu.memory_space<vmem>>, vector<632x256xf32>
      %get3A_10 = arith.constant 0 : index
      %get3A_11 = arith.constant 0 : index
      %get3A_12 = vector.load %arg14[%get3A_10, %get3A_11] : memref<8x256xf32, #tpu.memory_space<vmem>>, vector<1x256xf32>
      %mul3A_13 = arith.constant 9.99999974E-5 : f32
      %mul3A_14 = vector.broadcast %mul3A_13 : f32 to vector<1x256xf32>
      %mul3A_15 = arith.mulf %get3A_12, %mul3A_14 : vector<1x256xf32>
      %get3A_16 = arith.constant 1 : index
      %get3A_17 = arith.constant 0 : index
      %get3A_18 = vector.load %arg14[%get3A_16, %get3A_17] : memref<8x256xf32, #tpu.memory_space<vmem>>, vector<1x256xf32>
      %mul3A_19 = arith.constant 9.99999974E-5 : f32
      %mul3A_20 = vector.broadcast %mul3A_19 : f32 to vector<1x256xf32>
      %mul3A_21 = arith.mulf %get3A_18, %mul3A_20 : vector<1x256xf32>
      %mul3A_22 = arith.mulf %mul3A_15, %mul3A_15 : vector<1x256xf32>
      %sub3A_23 = arith.subf %mul3A_21, %mul3A_22 : vector<1x256xf32>
      %get3A_24 = arith.constant 0 : index
      %get3A_25 = arith.constant 0 : index
      %get3A_26 = vector.load %arg8[%get3A_24, %get3A_25] : memref<1x256xf32, #tpu.memory_space<vmem>>, vector<1x256xf32>
      %add3A = arith.constant 9.99999974E-6 : f32
      %add3A_27 = vector.broadcast %add3A : f32 to vector<1x256xf32>
      %add3A_28 = arith.addf %sub3A_23, %add3A_27 : vector<1x256xf32>
      %rsqrt3A = math.rsqrt %add3A_28 : vector<1x256xf32>
      %mul3A_29 = arith.mulf %get3A_26, %rsqrt3A : vector<1x256xf32>
      %sub3A_30 = vector.broadcast %mul3A_15 : vector<1x256xf32> to vector<632x256xf32>
      %sub3A_31 = arith.subf %get3A_9, %sub3A_30 : vector<632x256xf32>
      %mul3A_32 = vector.broadcast %mul3A_29 : vector<1x256xf32> to vector<632x256xf32>
      %mul3A_33 = arith.mulf %sub3A_31, %mul3A_32 : vector<632x256xf32>
      %get3A_34 = arith.constant 0 : index
      %get3A_35 = arith.constant 0 : index
      %get3A_36 = vector.load %arg9[%get3A_34, %get3A_35] : memref<1x256xf32, #tpu.memory_space<vmem>>, vector<1x256xf32>
      %add3A_37 = vector.broadcast %get3A_36 : vector<1x256xf32> to vector<632x256xf32>
      %add3A_38 = arith.addf %mul3A_33, %add3A_37 : vector<632x256xf32>
      %ge3A_39 = arith.constant 0.000000e+00 : f32
      %ge3A_40 = vector.broadcast %ge3A_39 : f32 to vector<632x256xf32>
      %ge3A_41 = arith.cmpf oge, %add3A_38, %ge3A_40 : vector<632x256xf32>
      %get3A_42 = arith.constant 0 : index
      %get3A_43 = arith.constant 0 : index
      %get3A_44 = vector.load %arg10[%get3A_42, %get3A_43] : memref<1x256xf32, #tpu.memory_space<vmem>>, vector<1x256xf32>
      %mul3A_45 = vector.broadcast %get3A_44 : vector<1x256xf32> to vector<632x256xf32>
      %mul3A_46 = arith.mulf %mul3A_45, %add3A_38 : vector<632x256xf32>
      %select_n3A = arith.select %ge3A_41, %add3A_38, %mul3A_46 : vector<632x256xi1>, vector<632x256xf32>
      %get3A_47 = arith.constant 0 : index
      %get3A_48 = arith.constant 0 : index
      %get3A_49 = vector.load %arg11[%get3A_47, %get3A_48] : memref<256x256xf32, #tpu.memory_space<vmem>>, vector<256x256xf32>
      %dot_general3A = arith.constant dense<0.000000e+00> : vector<632x256xf32>
      %dot_general3A_50 = tpu.matmul %select_n3A, %get3A_49, %dot_general3A {dimension_numbers = #tpu.dot_dimension_numbers<[1], [0], [0], [1], [0, 0, 1, 1], [], []>, transpose_lhs_hint = false} : vector<632x256xf32>, vector<256x256xf32>, vector<632x256xf32> -> vector<632x256xf32>
      %get3A_51 = arith.constant 0 : index
      %get3A_52 = arith.constant 0 : index
      %get3A_53 = vector.load %arg5[%get3A_51, %get3A_52] : memref<632x128xf32, #tpu.memory_space<vmem>>, vector<632x1xf32>
      %get3A_54 = arith.constant 0 : index
      %get3A_55 = arith.constant 0 : index
      %get3A_56 = vector.load %arg6[%get3A_54, %get3A_55] : memref<632x128xf32, #tpu.memory_space<vmem>>, vector<632x1xf32>
      %add3A_57 = arith.addf %get3A_53, %get3A_56 : vector<632x1xf32>
      %add3A_58 = arith.constant 1.000000e+00 : f32
      %add3A_59 = vector.broadcast %add3A_58 : f32 to vector<632x1xf32>
      %add3A_60 = arith.addf %add3A_57, %add3A_59 : vector<632x1xf32>
      %rsqrt3A_61 = math.rsqrt %add3A_60 : vector<632x1xf32>
      %mul3A_62 = vector.broadcast %rsqrt3A_61 : vector<632x1xf32> to vector<632x256xf32>
      %mul3A_63 = arith.mulf %dot_general3A_50, %mul3A_62 : vector<632x256xf32>
      %slice3A = vector.extract_strided_slice %mul3A_63 {offsets = [0, 0], sizes = [632, 128], strides = [1, 1]} : vector<632x256xf32> to vector<632x128xf32>
      %slice3A_64 = vector.extract_strided_slice %mul3A_63 {offsets = [0, 128], sizes = [632, 128], strides = [1, 1]} : vector<632x256xf32> to vector<632x128xf32>
      %concatenate3A = tpu.concatenate %slice3A, %slice3A_64 in 0 : vector<632x128xf32>, vector<632x128xf32> -> vector<1264x128xf32>
      %swap3A = arith.constant 0 : index
      %swap3A_65 = arith.constant 0 : index
      %swap3A_66 = vector.load %arg12[%swap3A, %swap3A_65] : memref<1264x128xf32, #tpu.memory_space<vmem>>, vector<1264x128xf32>
      tpu.vector_store %arg12[%swap3A, %swap3A_65], %concatenate3A {strides = array<i32>} : memref<1264x128xf32, #tpu.memory_space<vmem>>, vector<1264x128xf32>,
    } else {
    }
    return
  }
  func.func @transform_0(%arg0: i32) -> (i32, i32) {
    %lt3A = arith.constant 16 : i32
    %lt3A_0 = arith.cmpi slt, %arg0, %lt3A : i32
    %jit3A = arith.constant 0 : i32
    %select_n3A = arith.select %lt3A_0, %arg0, %jit3A : i32
    %mul3A = arith.constant 2 : i32
    %mul3A_1 = arith.muli %mul3A, %select_n3A : i32
    %c0_i32 = arith.constant 0 : i32
    %c0_i32_2 = arith.constant 0 : i32
    return %mul3A_1, %c0_i32 : i32, i32
  }
  func.func @transform_1(%arg0: i32) -> (i32, i32) {
    %lt3A = arith.constant 16 : i32
    %lt3A_0 = arith.cmpi slt, %arg0, %lt3A : i32
    %jit3A = arith.constant 0 : i32
    %select_n3A = arith.select %lt3A_0, %arg0, %jit3A : i32
    %mul3A = arith.constant 2 : i32
    %mul3A_1 = arith.muli %mul3A, %select_n3A : i32
    %add3A = arith.constant 1 : i32
    %add3A_2 = arith.addi %mul3A_1, %add3A : i32
    %c0_i32 = arith.constant 0 : i32
    %c0_i32_3 = arith.constant 0 : i32
    return %add3A_2, %c0_i32 : i32, i32
  }
  func.func @transform_2(%arg0: i32) -> (i32, i32) {
    %lt3A = arith.constant 16 : i32
    %lt3A_0 = arith.cmpi slt, %arg0, %lt3A : i32
    %jit3A = arith.constant 0 : i32
    %select_n3A = arith.select %lt3A_0, %arg0, %jit3A : i32
    %mul3A = arith.constant 2 : i32
    %mul3A_1 = arith.muli %mul3A, %select_n3A : i32
    %c0_i32 = arith.constant 0 : i32
    %c0_i32_2 = arith.constant 0 : i32
    return %mul3A_1, %c0_i32 : i32, i32
  }
  func.func @transform_3(%arg0: i32) -> (i32, i32) {
    %lt3A = arith.constant 16 : i32
    %lt3A_0 = arith.cmpi slt, %arg0, %lt3A : i32
    %jit3A = arith.constant 0 : i32
    %select_n3A = arith.select %lt3A_0, %arg0, %jit3A : i32
    %mul3A = arith.constant 2 : i32
    %mul3A_1 = arith.muli %mul3A, %select_n3A : i32
    %add3A = arith.constant 1 : i32
    %add3A_2 = arith.addi %mul3A_1, %add3A : i32
    %c0_i32 = arith.constant 0 : i32
    %c0_i32_3 = arith.constant 0 : i32
    return %add3A_2, %c0_i32 : i32, i32
  }
  func.func @transform_4(%arg0: i32) -> (i32, i32) {
    %lt3A = arith.constant 16 : i32
    %lt3A_0 = arith.cmpi slt, %arg0, %lt3A : i32
    %sub3A = arith.constant 16 : i32
    %sub3A_1 = arith.subi %arg0, %sub3A : i32
    %select_n3A = arith.select %lt3A_0, %arg0, %sub3A_1 : i32
    %c0_i32 = arith.constant 0 : i32
    %c0_i32_2 = arith.constant 0 : i32
    return %select_n3A, %c0_i32 : i32, i32
  }
  func.func @transform_5(%arg0: i32) -> (i32, i32) {
    %lt3A = arith.constant 16 : i32
    %lt3A_0 = arith.cmpi slt, %arg0, %lt3A : i32
    %sub3A = arith.constant 16 : i32
    %sub3A_1 = arith.subi %arg0, %sub3A : i32
    %select_n3A = arith.select %lt3A_0, %arg0, %sub3A_1 : i32
    %add3A = arith.constant 16 : i32
    %add3A_2 = arith.addi %select_n3A, %add3A : i32
    %c0_i32 = arith.constant 0 : i32
    %c0_i32_3 = arith.constant 0 : i32
    return %add3A_2, %c0_i32 : i32, i32
  }
  func.func @transform_6(%arg0: i32) -> (i32, i32) {
    %c0_i32 = arith.constant 0 : i32
    %c0_i32_0 = arith.constant 0 : i32
    %c0_i32_1 = arith.constant 0 : i32
    return %c0_i32, %c0_i32_0 : i32, i32
  }
  func.func @transform_7(%arg0: i32) -> (i32, i32) {
    %c0_i32 = arith.constant 0 : i32
    %c0_i32_0 = arith.constant 0 : i32
    %c0_i32_1 = arith.constant 0 : i32
    return %c0_i32, %c0_i32_0 : i32, i32
  }
  func.func @transform_8(%arg0: i32) -> (i32, i32) {
    %c0_i32 = arith.constant 0 : i32
    %c0_i32_0 = arith.constant 0 : i32
    %c0_i32_1 = arith.constant 0 : i32
    return %c0_i32, %c0_i32_0 : i32, i32
  }
  func.func @transform_9(%arg0: i32) -> (i32, i32) {
    %c0_i32 = arith.constant 0 : i32
    %c0_i32_0 = arith.constant 0 : i32
    %c0_i32_1 = arith.constant 0 : i32
    return %c0_i32, %c0_i32_0 : i32, i32
  }
  func.func @transform_10(%arg0: i32) -> (i32, i32) {
    %c0_i32 = arith.constant 0 : i32
    %c0_i32_0 = arith.constant 0 : i32
    %c0_i32_1 = arith.constant 0 : i32
    return %c0_i32, %c0_i32_0 : i32, i32
  }
  func.func @transform_11(%arg0: i32) -> (i32, i32) {
    %lt3A = arith.constant 16 : i32
    %lt3A_0 = arith.cmpi slt, %arg0, %lt3A : i32
    %sub3A = arith.constant 16 : i32
    %sub3A_1 = arith.subi %arg0, %sub3A : i32
    %jit3A = arith.constant 0 : i32
    %select_n3A = arith.select %lt3A_0, %jit3A, %sub3A_1 : i32
    %c0_i32 = arith.constant 0 : i32
    %c0_i32_2 = arith.constant 0 : i32
    return %select_n3A, %c0_i32 : i32, i32
  }
}

module attributes {stable_mosaic.version = 14 : i64} {
  func.func @_postbnfinal_body(%arg0: i32, %arg1: memref<632x128xf32, #tpu.memory_space<vmem>>, %arg2: memref<632x128xf32, #tpu.memory_space<vmem>>, %arg3: memref<632x128xf32, #tpu.memory_space<vmem>>, %arg4: memref<632x128xf32, #tpu.memory_space<vmem>>, %arg5: memref<632x128xf32, #tpu.memory_space<vmem>>, %arg6: memref<632x128xf32, #tpu.memory_space<vmem>>, %arg7: memref<1x256xf32, #tpu.memory_space<vmem>>, %arg8: memref<1x256xf32, #tpu.memory_space<vmem>>, %arg9: memref<1x256xf32, #tpu.memory_space<vmem>>, %arg10: memref<1x256xf32, #tpu.memory_space<vmem>>, %arg11: memref<632x256xf32, #tpu.memory_space<vmem>>, %arg12: memref<10112x256xf32, #tpu.memory_space<vmem>>, %arg13: memref<8x256xf32, #tpu.memory_space<vmem>>) attributes {dimension_semantics = [#tpu.dimension_semantics<arbitrary>], iteration_bounds = array<i64: 32>, scalar_prefetch = 0 : i64, scratch_operands = 2 : i64, tpu.core_type = #tpu.core_type<tc>, window_params = [{transform_indices = @transform_0, window_bounds = array<i64: 632, 128>}, {transform_indices = @transform_1, window_bounds = array<i64: 632, 128>}, {transform_indices = @transform_2, window_bounds = array<i64: 632, 128>}, {transform_indices = @transform_3, window_bounds = array<i64: 632, 128>}, {transform_indices = @transform_4, window_bounds = array<i64: 632, 128>}, {transform_indices = @transform_5, window_bounds = array<i64: 632, 128>}, {pipeline_mode = #tpu.pipeline_mode<synchronous>, transform_indices = @transform_6, window_bounds = array<i64: 1, 256>}, {pipeline_mode = #tpu.pipeline_mode<synchronous>, transform_indices = @transform_7, window_bounds = array<i64: 1, 256>}, {pipeline_mode = #tpu.pipeline_mode<synchronous>, transform_indices = @transform_8, window_bounds = array<i64: 1, 256>}, {pipeline_mode = #tpu.pipeline_mode<synchronous>, transform_indices = @transform_9, window_bounds = array<i64: 1, 256>}, {transform_indices = @transform_10, window_bounds = array<i64: 632, 256>}]} {
    %lt3A = arith.constant 16 : i32
    %lt3A_0 = arith.cmpi slt, %arg0, %lt3A : i32
    %convert_element_type3A = arith.extui %lt3A_0 : i1 to i32
    %cond3A = arith.constant 0 : i32
    %cond3A_1 = arith.cmpi ne, %convert_element_type3A, %cond3A : i32
    scf.if %cond3A_1 {
      %get3A = arith.constant 0 : index
      %get3A_6 = arith.constant 0 : index
      %get3A_7 = vector.load %arg1[%get3A, %get3A_6] : memref<632x128xf32, #tpu.memory_space<vmem>>, vector<632x128xf32>
      %get3A_8 = arith.constant 0 : index
      %get3A_9 = arith.constant 0 : index
      %get3A_10 = vector.load %arg3[%get3A_8, %get3A_9] : memref<632x128xf32, #tpu.memory_space<vmem>>, vector<632x128xf32>
      %add3A = arith.addf %get3A_7, %get3A_10 : vector<632x128xf32>
      %get3A_11 = arith.constant 0 : index
      %get3A_12 = arith.constant 0 : index
      %get3A_13 = vector.load %arg2[%get3A_11, %get3A_12] : memref<632x128xf32, #tpu.memory_space<vmem>>, vector<632x128xf32>
      %get3A_14 = arith.constant 0 : index
      %get3A_15 = arith.constant 0 : index
      %get3A_16 = vector.load %arg4[%get3A_14, %get3A_15] : memref<632x128xf32, #tpu.memory_space<vmem>>, vector<632x128xf32>
      %add3A_17 = arith.addf %get3A_13, %get3A_16 : vector<632x128xf32>
      %concatenate3A = tpu.concatenate %add3A, %add3A_17 in 1 : vector<632x128xf32>, vector<632x128xf32> -> vector<632x256xf32>
      %get3A_18 = arith.constant 0 : index
      %get3A_19 = arith.constant 0 : index
      %get3A_20 = vector.load %arg5[%get3A_18, %get3A_19] : memref<632x128xf32, #tpu.memory_space<vmem>>, vector<632x1xf32>
      %get3A_21 = arith.constant 0 : index
      %get3A_22 = arith.constant 0 : index
      %get3A_23 = vector.load %arg6[%get3A_21, %get3A_22] : memref<632x128xf32, #tpu.memory_space<vmem>>, vector<632x1xf32>
      %add3A_24 = arith.addf %get3A_20, %get3A_23 : vector<632x1xf32>
      %add3A_25 = arith.constant 1.000000e+00 : f32
      %add3A_26 = vector.broadcast %add3A_25 : f32 to vector<632x1xf32>
      %add3A_27 = arith.addf %add3A_24, %add3A_26 : vector<632x1xf32>
      %rsqrt3A = math.rsqrt %add3A_27 : vector<632x1xf32>
      %mul3A = vector.broadcast %rsqrt3A : vector<632x1xf32> to vector<632x256xf32>
      %mul3A_28 = arith.mulf %concatenate3A, %mul3A : vector<632x256xf32>
      %get3A_29 = arith.constant 0 : index
      %get3A_30 = arith.constant 0 : index
      %get3A_31 = vector.load %arg7[%get3A_29, %get3A_30] : memref<1x256xf32, #tpu.memory_space<vmem>>, vector<1x256xf32>
      %add3A_32 = vector.broadcast %get3A_31 : vector<1x256xf32> to vector<632x256xf32>
      %add3A_33 = arith.addf %mul3A_28, %add3A_32 : vector<632x256xf32>
      %mul3A_34 = arith.constant 632 : i32
      %mul3A_35 = arith.muli %arg0, %mul3A_34 : i32
      %swap3A = arith.index_cast %mul3A_35 : i32 to index
      %swap3A_36 = arith.constant 0 : index
      %swap3A_37 = vector.load %arg12[%swap3A, %swap3A_36] : memref<10112x256xf32, #tpu.memory_space<vmem>>, vector<632x256xf32>
      tpu.vector_store %arg12[%swap3A, %swap3A_36], %add3A_33 {strides = array<i32>} : memref<10112x256xf32, #tpu.memory_space<vmem>>, vector<632x256xf32>,
      %eq3A = arith.constant 0 : i32
      %eq3A_38 = arith.cmpi eq, %arg0, %eq3A : i32
      %convert_element_type3A_39 = arith.extui %eq3A_38 : i1 to i32
      %cond3A_40 = arith.constant 0 : i32
      %cond3A_41 = arith.cmpi ne, %convert_element_type3A_39, %cond3A_40 : i32
      scf.if %cond3A_41 {
        %broadcast_in_dim3A_67 = arith.constant 0.000000e+00 : f32
        %broadcast_in_dim3A_68 = vector.broadcast %broadcast_in_dim3A_67 : f32 to vector<8x256xf32>
        %swap3A_69 = arith.constant 0 : index
        %swap3A_70 = arith.constant 0 : index
        %swap3A_71 = vector.load %arg13[%swap3A_69, %swap3A_70] : memref<8x256xf32, #tpu.memory_space<vmem>>, vector<8x256xf32>
        tpu.vector_store %arg13[%swap3A_69, %swap3A_70], %broadcast_in_dim3A_68 {strides = array<i32>} : memref<8x256xf32, #tpu.memory_space<vmem>>, vector<8x256xf32>,
      } else {
      }
      %iota3A = tpu.iota {dimensions = array<i32: 0>} : vector<632x1xi32>
      %mul3A_42 = arith.constant 632 : i32
      %mul3A_43 = arith.muli %arg0, %mul3A_42 : i32
      %add3A_44 = vector.broadcast %mul3A_43 : i32 to vector<632x1xi32>
      %add3A_45 = arith.addi %iota3A, %add3A_44 : vector<632x1xi32>
      %lt3A_46 = arith.constant 10000 : i32
      %lt3A_47 = vector.broadcast %lt3A_46 : i32 to vector<632x1xi32>
      %lt3A_48 = arith.cmpi slt, %add3A_45, %lt3A_47 : vector<632x1xi32>
      %jit3A = arith.constant 0.000000e+00 : f32
      %broadcast_in_dim3A = vector.shape_cast %lt3A_48 : vector<632x1xi1> to vector<632x1xi1>
      %broadcast_in_dim3A_49 = vector.broadcast %broadcast_in_dim3A : vector<632x1xi1> to vector<632x256xi1>
      %broadcast_in_dim3A_50 = vector.broadcast %jit3A : f32 to vector<632x256xf32>
      %select_n3A = arith.select %broadcast_in_dim3A_49, %add3A_33, %broadcast_in_dim3A_50 : vector<632x256xi1>, vector<632x256xf32>
      %reduce_sum3A = arith.constant dense<0.000000e+00> : vector<256xf32>
      %reduce_sum3A_51 = vector.multi_reduction <add>, %select_n3A, %reduce_sum3A [0] : vector<632x256xf32> to vector<256xf32>
      %broadcast_in_dim3A_52 = vector.shape_cast %reduce_sum3A_51 : vector<256xf32> to vector<1x256xf32>
      %mul3A_53 = arith.mulf %select_n3A, %select_n3A : vector<632x256xf32>
      %reduce_sum3A_54 = arith.constant dense<0.000000e+00> : vector<256xf32>
      %reduce_sum3A_55 = vector.multi_reduction <add>, %mul3A_53, %reduce_sum3A_54 [0] : vector<632x256xf32> to vector<256xf32>
      %broadcast_in_dim3A_56 = vector.shape_cast %reduce_sum3A_55 : vector<256xf32> to vector<1x256xf32>
      %get3A_57 = arith.constant 0 : index
      %get3A_58 = arith.constant 0 : index
      %get3A_59 = vector.load %arg13[%get3A_57, %get3A_58] : memref<8x256xf32, #tpu.memory_space<vmem>>, vector<8x256xf32>
      %broadcast_in_dim3A_60 = arith.constant 0.000000e+00 : f32
      %broadcast_in_dim3A_61 = vector.broadcast %broadcast_in_dim3A_60 : f32 to vector<6x256xf32>
      %concatenate3A_62 = tpu.concatenate %broadcast_in_dim3A_52, %broadcast_in_dim3A_56, %broadcast_in_dim3A_61 in 0 : vector<1x256xf32>, vector<1x256xf32>, vector<6x256xf32> -> vector<8x256xf32>
      %add3A_63 = arith.addf %get3A_59, %concatenate3A_62 : vector<8x256xf32>
      %swap3A_64 = arith.constant 0 : index
      %swap3A_65 = arith.constant 0 : index
      %swap3A_66 = vector.load %arg13[%swap3A_64, %swap3A_65] : memref<8x256xf32, #tpu.memory_space<vmem>>, vector<8x256xf32>
      tpu.vector_store %arg13[%swap3A_64, %swap3A_65], %add3A_63 {strides = array<i32>} : memref<8x256xf32, #tpu.memory_space<vmem>>, vector<8x256xf32>,
    } else {
    }
    %ge3A = arith.constant 16 : i32
    %ge3A_2 = arith.cmpi sge, %arg0, %ge3A : i32
    %convert_element_type3A_3 = arith.extui %ge3A_2 : i1 to i32
    %cond3A_4 = arith.constant 0 : i32
    %cond3A_5 = arith.cmpi ne, %convert_element_type3A_3, %cond3A_4 : i32
    scf.if %cond3A_5 {
      %sub3A = arith.constant 16 : i32
      %sub3A_6 = arith.subi %arg0, %sub3A : i32
      %mul3A = arith.constant 632 : i32
      %mul3A_7 = arith.muli %sub3A_6, %mul3A : i32
      %get3A = arith.index_cast %mul3A_7 : i32 to index
      %get3A_8 = arith.constant 0 : index
      %get3A_9 = vector.load %arg12[%get3A, %get3A_8] : memref<10112x256xf32, #tpu.memory_space<vmem>>, vector<632x256xf32>
      %get3A_10 = arith.constant 0 : index
      %get3A_11 = arith.constant 0 : index
      %get3A_12 = vector.load %arg13[%get3A_10, %get3A_11] : memref<8x256xf32, #tpu.memory_space<vmem>>, vector<1x256xf32>
      %mul3A_13 = arith.constant 9.99999974E-5 : f32
      %mul3A_14 = vector.broadcast %mul3A_13 : f32 to vector<1x256xf32>
      %mul3A_15 = arith.mulf %get3A_12, %mul3A_14 : vector<1x256xf32>
      %get3A_16 = arith.constant 1 : index
      %get3A_17 = arith.constant 0 : index
      %get3A_18 = vector.load %arg13[%get3A_16, %get3A_17] : memref<8x256xf32, #tpu.memory_space<vmem>>, vector<1x256xf32>
      %mul3A_19 = arith.constant 9.99999974E-5 : f32
      %mul3A_20 = vector.broadcast %mul3A_19 : f32 to vector<1x256xf32>
      %mul3A_21 = arith.mulf %get3A_18, %mul3A_20 : vector<1x256xf32>
      %mul3A_22 = arith.mulf %mul3A_15, %mul3A_15 : vector<1x256xf32>
      %sub3A_23 = arith.subf %mul3A_21, %mul3A_22 : vector<1x256xf32>
      %get3A_24 = arith.constant 0 : index
      %get3A_25 = arith.constant 0 : index
      %get3A_26 = vector.load %arg8[%get3A_24, %get3A_25] : memref<1x256xf32, #tpu.memory_space<vmem>>, vector<1x256xf32>
      %add3A = arith.constant 9.99999974E-6 : f32
      %add3A_27 = vector.broadcast %add3A : f32 to vector<1x256xf32>
      %add3A_28 = arith.addf %sub3A_23, %add3A_27 : vector<1x256xf32>
      %rsqrt3A = math.rsqrt %add3A_28 : vector<1x256xf32>
      %mul3A_29 = arith.mulf %get3A_26, %rsqrt3A : vector<1x256xf32>
      %sub3A_30 = vector.broadcast %mul3A_15 : vector<1x256xf32> to vector<632x256xf32>
      %sub3A_31 = arith.subf %get3A_9, %sub3A_30 : vector<632x256xf32>
      %mul3A_32 = vector.broadcast %mul3A_29 : vector<1x256xf32> to vector<632x256xf32>
      %mul3A_33 = arith.mulf %sub3A_31, %mul3A_32 : vector<632x256xf32>
      %get3A_34 = arith.constant 0 : index
      %get3A_35 = arith.constant 0 : index
      %get3A_36 = vector.load %arg9[%get3A_34, %get3A_35] : memref<1x256xf32, #tpu.memory_space<vmem>>, vector<1x256xf32>
      %add3A_37 = vector.broadcast %get3A_36 : vector<1x256xf32> to vector<632x256xf32>
      %add3A_38 = arith.addf %mul3A_33, %add3A_37 : vector<632x256xf32>
      %ge3A_39 = arith.constant 0.000000e+00 : f32
      %ge3A_40 = vector.broadcast %ge3A_39 : f32 to vector<632x256xf32>
      %ge3A_41 = arith.cmpf oge, %add3A_38, %ge3A_40 : vector<632x256xf32>
      %get3A_42 = arith.constant 0 : index
      %get3A_43 = arith.constant 0 : index
      %get3A_44 = vector.load %arg10[%get3A_42, %get3A_43] : memref<1x256xf32, #tpu.memory_space<vmem>>, vector<1x256xf32>
      %mul3A_45 = vector.broadcast %get3A_44 : vector<1x256xf32> to vector<632x256xf32>
      %mul3A_46 = arith.mulf %mul3A_45, %add3A_38 : vector<632x256xf32>
      %select_n3A = arith.select %ge3A_41, %add3A_38, %mul3A_46 : vector<632x256xi1>, vector<632x256xf32>
      %swap3A = arith.constant 0 : index
      %swap3A_47 = arith.constant 0 : index
      %swap3A_48 = vector.load %arg11[%swap3A, %swap3A_47] : memref<632x256xf32, #tpu.memory_space<vmem>>, vector<632x256xf32>
      tpu.vector_store %arg11[%swap3A, %swap3A_47], %select_n3A {strides = array<i32>} : memref<632x256xf32, #tpu.memory_space<vmem>>, vector<632x256xf32>,
    } else {
    }
    return
  }
  func.func @transform_0(%arg0: i32) -> (i32, i32) {
    %lt3A = arith.constant 16 : i32
    %lt3A_0 = arith.cmpi slt, %arg0, %lt3A : i32
    %jit3A = arith.constant 0 : i32
    %select_n3A = arith.select %lt3A_0, %arg0, %jit3A : i32
    %mul3A = arith.constant 2 : i32
    %mul3A_1 = arith.muli %mul3A, %select_n3A : i32
    %c0_i32 = arith.constant 0 : i32
    %c0_i32_2 = arith.constant 0 : i32
    return %mul3A_1, %c0_i32 : i32, i32
  }
  func.func @transform_1(%arg0: i32) -> (i32, i32) {
    %lt3A = arith.constant 16 : i32
    %lt3A_0 = arith.cmpi slt, %arg0, %lt3A : i32
    %jit3A = arith.constant 0 : i32
    %select_n3A = arith.select %lt3A_0, %arg0, %jit3A : i32
    %mul3A = arith.constant 2 : i32
    %mul3A_1 = arith.muli %mul3A, %select_n3A : i32
    %add3A = arith.constant 1 : i32
    %add3A_2 = arith.addi %mul3A_1, %add3A : i32
    %c0_i32 = arith.constant 0 : i32
    %c0_i32_3 = arith.constant 0 : i32
    return %add3A_2, %c0_i32 : i32, i32
  }
  func.func @transform_2(%arg0: i32) -> (i32, i32) {
    %lt3A = arith.constant 16 : i32
    %lt3A_0 = arith.cmpi slt, %arg0, %lt3A : i32
    %jit3A = arith.constant 0 : i32
    %select_n3A = arith.select %lt3A_0, %arg0, %jit3A : i32
    %mul3A = arith.constant 2 : i32
    %mul3A_1 = arith.muli %mul3A, %select_n3A : i32
    %c0_i32 = arith.constant 0 : i32
    %c0_i32_2 = arith.constant 0 : i32
    return %mul3A_1, %c0_i32 : i32, i32
  }
  func.func @transform_3(%arg0: i32) -> (i32, i32) {
    %lt3A = arith.constant 16 : i32
    %lt3A_0 = arith.cmpi slt, %arg0, %lt3A : i32
    %jit3A = arith.constant 0 : i32
    %select_n3A = arith.select %lt3A_0, %arg0, %jit3A : i32
    %mul3A = arith.constant 2 : i32
    %mul3A_1 = arith.muli %mul3A, %select_n3A : i32
    %add3A = arith.constant 1 : i32
    %add3A_2 = arith.addi %mul3A_1, %add3A : i32
    %c0_i32 = arith.constant 0 : i32
    %c0_i32_3 = arith.constant 0 : i32
    return %add3A_2, %c0_i32 : i32, i32
  }
  func.func @transform_4(%arg0: i32) -> (i32, i32) {
    %lt3A = arith.constant 16 : i32
    %lt3A_0 = arith.cmpi slt, %arg0, %lt3A : i32
    %sub3A = arith.constant 16 : i32
    %sub3A_1 = arith.subi %arg0, %sub3A : i32
    %select_n3A = arith.select %lt3A_0, %arg0, %sub3A_1 : i32
    %c0_i32 = arith.constant 0 : i32
    %c0_i32_2 = arith.constant 0 : i32
    return %select_n3A, %c0_i32 : i32, i32
  }
  func.func @transform_5(%arg0: i32) -> (i32, i32) {
    %lt3A = arith.constant 16 : i32
    %lt3A_0 = arith.cmpi slt, %arg0, %lt3A : i32
    %sub3A = arith.constant 16 : i32
    %sub3A_1 = arith.subi %arg0, %sub3A : i32
    %select_n3A = arith.select %lt3A_0, %arg0, %sub3A_1 : i32
    %add3A = arith.constant 16 : i32
    %add3A_2 = arith.addi %select_n3A, %add3A : i32
    %c0_i32 = arith.constant 0 : i32
    %c0_i32_3 = arith.constant 0 : i32
    return %add3A_2, %c0_i32 : i32, i32
  }
  func.func @transform_6(%arg0: i32) -> (i32, i32) {
    %c0_i32 = arith.constant 0 : i32
    %c0_i32_0 = arith.constant 0 : i32
    %c0_i32_1 = arith.constant 0 : i32
    return %c0_i32, %c0_i32_0 : i32, i32
  }
  func.func @transform_7(%arg0: i32) -> (i32, i32) {
    %c0_i32 = arith.constant 0 : i32
    %c0_i32_0 = arith.constant 0 : i32
    %c0_i32_1 = arith.constant 0 : i32
    return %c0_i32, %c0_i32_0 : i32, i32
  }
  func.func @transform_8(%arg0: i32) -> (i32, i32) {
    %c0_i32 = arith.constant 0 : i32
    %c0_i32_0 = arith.constant 0 : i32
    %c0_i32_1 = arith.constant 0 : i32
    return %c0_i32, %c0_i32_0 : i32, i32
  }
  func.func @transform_9(%arg0: i32) -> (i32, i32) {
    %c0_i32 = arith.constant 0 : i32
    %c0_i32_0 = arith.constant 0 : i32
    %c0_i32_1 = arith.constant 0 : i32
    return %c0_i32, %c0_i32_0 : i32, i32
  }
  func.func @transform_10(%arg0: i32) -> (i32, i32) {
    %lt3A = arith.constant 16 : i32
    %lt3A_0 = arith.cmpi slt, %arg0, %lt3A : i32
    %sub3A = arith.constant 16 : i32
    %sub3A_1 = arith.subi %arg0, %sub3A : i32
    %jit3A = arith.constant 0 : i32
    %select_n3A = arith.select %lt3A_0, %jit3A, %sub3A_1 : i32
    %c0_i32 = arith.constant 0 : i32
    %c0_i32_2 = arith.constant 0 : i32
    return %select_n3A, %c0_i32 : i32, i32
  }
}

</mosaic_0001>

<sc_bundles>
// kernel: kernel.11.cloned.1.call-start
scs
__scs_entry_jumppad:
0x0: {  	(pc) =	sbr.rel $0x88, $3  }
0x1: {  	(tag) =	ssettag $0x0;
	lr =	simm.s32 $0x1  }
0x2: {  	[smem:$0x3F95] =	sst lr;
	_ =	strace $0xD0000000  }
0x3: {  	_ = 	snop  }
0x4: {  	_ = 	snop  }
0x5: {  	_ = 	snop  }
0x6: {  	_ = 	snop  }
0x7: {  	_ = 	snop  }
__scs_overlays_trampoline_lowered:
0x8: {  	[smem:$0x3FA4] =	sst s0  }
0x9: {  	[smem:$0x3FA5] =	sst s1  }
0xa: {  	[smem:$0x3FA6] =	sst s2  }
0xb: {  	[smem:$0x3FA7] =	sst s3  }
0xc: {  	[smem:$0x3FA8] =	sst s4  }
0xd: {  	[smem:$0x3FA9] =	sst s5  }
0xe: {  	[smem:$0x3FAA] =	sst s6  }
0xf: {  	[smem:$0x3FAB] =	sst s7  }
0x10: {  	[smem:$0x3FAC] =	sst s8  }
0x11: {  	[smem:$0x3FAD] =	sst s9;
	s0 =	simm.s32 @!p0 $0x0  }
0x12: {  	s1 =	sld [smem:$0x3F93];
	s0 =	simm.s32 @p0 $0x1  }
0x13: {  	[smem:$0x3FAE] =	sst s0;
	s0 =	simm.s32 @!p1 $0x0  }
0x14: {  	s2 =	sld [smem:$0x3F92];
	s0 =	simm.s32 @p1 $0x1  }
0x15: {  	[smem:$0x3FAF] =	sst s0;
	s0 =	simm.s32 @!p2 $0x0  }
0x16: {  	s3 =	sld [smem:$0x3FDB];
	s0 =	simm.s32 @p2 $0x1  }
0x17: {  	s4 =	simm.s32 $0x1BF5;
	[smem:$0x3FB1] =	sst s0  }
0x18: {  	s0 =	sld [smem:$0x3F94];
	_ =	swait.ge [sflag:s4], $0x0  }
0x19: {  	s7 =	sld [smem:$0x3F95]  }
0x1a: {  	s8 =	sadd.s32 $0xFFFFE003, lr  }
0x1b: {  	s9 =	sadd.s32 $0xFFFFFEF7, lr;
	s5 =	simm.s32 $0xFFFFFFFF;
	p2 =	slt.u32 s8, $0xFFFFF086  }
0x1c: {  	p1 =	slt.u32 s9, $0xF7A;
	s5 =	simm.s32 @!p2 $0x0  }
0x1d: {  	s5 =	simm.s32 @p1 $0x1;
	p0 =	seq.s32 s7, s2  }
0x1e: {  	s7 =	smul.u32 @!p0 $0xF7A, s2;
	p2 =	seq.s32 @!p0 s5, $0x0  }
0x1f: {  	s9 =	smul.u32 $0xF7A, s1;
	s8 =	simm.s32 @!p0 $0x1BF5;
	p2 =	por !p2, p0  }
0x20: {  	[sflag:s8] =	ssyncset.s32 @!p0 $0xFFFFF086;
	s6 =	sadd.s32 @!p0 s3, s7;
	s7 =	simm.s32 @!p0 $0x108  }
0x21: {  	s3 =	sadd.s32 s3, s9;
	s6 =	sadd.s32 @!p0 $0x88, s6;
	s7 =	simm.s32 @p2 $0x1082  }
0x22: {  	[simem:s7], [sflag:s8] =	dma.local @!p0 [hbm:s6], $0xF7A  }
0x23: {  	s9 =	sor.u32 $0xD0000000, s2;
	s6 =	simm.s32 $0x108;
	_ =	swait.ge @!p0 [sflag:s8], $0x0  }
0x24: {  	s3 =	sadd.s32 $0x88, s3;
	s6 =	simm.s32 @!p1 $0x1082;
	[sflag:s4] =	ssyncset.s32 $0xFFFFF086  }
0x25: {  	[simem:s6], [sflag:s4] =	dma.local [hbm:s3], $0xF7A  }
0x26: {  	[smem:$0x3F95] =	sst s1;
	(tag) =	ssettag s2;
	_ =	strace s9  }
0x27: {  	s1 =	sld [smem:$0x3FA5]  }
0x28: {  	s2 =	sld [smem:$0x3FA6]  }
0x29: {  	s4 =	sld [smem:$0x3FA8]  }
0x2a: {  	p0 =	seq.s32 s5, $0x0;
	s5 =	sld [smem:$0x3FA9]  }
0x2b: {  	s6 =	sld [smem:$0x3FAA]  }
0x2c: {  	s7 =	sld [smem:$0x3FAB]  }
0x2d: {  	s3 =	simm.s32 $0x108;
	s8 =	sld [smem:$0x3FAC]  }
0x2e: {  	s3 =	simm.s32 @!p0 $0x1082;
	s9 =	sld [smem:$0x3FAD]  }
0x2f: {  	lr =	sadd.s32 s0, s3;
	s0 =	sld [smem:$0x3FA4]  }
0x30: {  	s3 =	sld [smem:$0x3FA7]  }
0x31: {  	[smem:$0x3FB0] =	sst s10  }
0x32: {  	s10 =	sld [smem:$0x3FAE];
	_ =	sdelay $0x3  }
0x33: {  	p0 =	seq.s32 s10, $0x1;
	s10 =	sld [smem:$0x3FB0];
	_ =	sdelay $0x3  }
0x34: {  	[smem:$0x3FB0] =	sst s10  }
0x35: {  	s10 =	sld [smem:$0x3FAF];
	_ =	sdelay $0x3  }
0x36: {  	p1 =	seq.s32 s10, $0x1;
	s10 =	sld [smem:$0x3FB0];
	_ =	sdelay $0x3  }
0x37: {  	[smem:$0x3FB0] =	sst s10  }
0x38: {  	s10 =	sld [smem:$0x3FB1]  }
0x39: {  	_ = 	snop;
	(pc) =	sbr.ind lr, $3  }
0x3a: {  	_ = 	snop  }
0x3b: {  	_ = 	snop  }
0x3c: {  	p2 =	seq.s32 s10, $0x1;
	s10 =	sld [smem:$0x3FB0]  }
0x3d: {  	_ =	shalt  }
0x3e: {  	_ =	shalt  }
0x3f: {  	_ =	shalt  }
0x40: {  	_ =	shalt  }
0x41: {  	_ =	shalt  }
0x42: {  	_ =	shalt  }
0x43: {  	_ =	shalt  }
0x44: {  	_ =	shalt  }
0x45: {  	_ =	shalt  }
0x46: {  	_ =	shalt  }
0x47: {  	_ =	shalt  }
0x48: {  	_ =	shalt  }
0x49: {  	_ =	shalt  }
0x4a: {  	_ =	shalt  }
0x4b: {  	_ =	shalt  }
0x4c: {  	_ =	shalt  }
0x4d: {  	_ =	shalt  }
0x4e: {  	_ =	shalt  }
0x4f: {  	_ =	shalt  }
0x50: {  	_ =	shalt  }
0x51: {  	_ =	shalt  }
0x52: {  	_ =	shalt  }
0x53: {  	_ =	shalt  }
0x54: {  	_ =	shalt  }
0x55: {  	_ =	shalt  }
0x56: {  	_ =	shalt  }
0x57: {  	_ =	shalt  }
0x58: {  	_ =	shalt  }
0x59: {  	_ =	shalt  }
0x5a: {  	_ =	shalt  }
0x5b: {  	_ =	shalt  }
0x5c: {  	_ =	shalt  }
0x5d: {  	_ =	shalt  }
0x5e: {  	_ =	shalt  }
0x5f: {  	_ =	shalt  }
0x60: {  	_ =	shalt  }
0x61: {  	_ =	shalt  }
0x62: {  	_ =	shalt  }
0x63: {  	_ =	shalt  }
0x64: {  	_ =	shalt  }
0x65: {  	_ =	shalt  }
0x66: {  	_ =	shalt  }
0x67: {  	_ =	shalt  }
0x68: {  	_ =	shalt  }
0x69: {  	_ =	shalt  }
0x6a: {  	_ =	shalt  }
0x6b: {  	_ =	shalt  }
0x6c: {  	_ =	shalt  }
0x6d: {  	_ =	shalt  }
0x6e: {  	_ =	shalt  }
0x6f: {  	_ =	shalt  }
0x70: {  	_ =	shalt  }
0x71: {  	_ =	shalt  }
0x72: {  	_ =	shalt  }
0x73: {  	_ =	shalt  }
0x74: {  	_ =	shalt  }
0x75: {  	_ =	shalt  }
0x76: {  	_ =	shalt  }
0x77: {  	_ =	shalt  }
0x78: {  	_ =	shalt  }
0x79: {  	_ =	shalt  }
0x7a: {  	_ =	shalt  }
0x7b: {  	_ =	shalt  }
0x7c: {  	_ =	shalt  }
0x7d: {  	_ =	shalt  }
0x7e: {  	_ =	shalt  }
0x7f: {  	_ =	shalt  }
0x80: {  	_ =	shalt  }
0x81: {  	_ =	shalt  }
0x82: {  	_ =	shalt  }
0x83: {  	_ =	shalt  }
0x84: {  	_ =	shalt  }
0x85: {  	_ =	shalt  }
0x86: {  	_ =	shalt  }
0x87: {  	_ =	shalt  }
.Lfunc_end0:
.L_simem_size_0:
called_computation_lowered:
.L_overlay_start_0:
0x88: {  	s2 =	sld [smem:$0x3FD9]  }
0x89: {  	s3 =	sld [smem:$0x3FFE];
	_ =	sdelay $0x1  }
0x8a: {  	s1 =	srdreg.scid  }
0x8b: {  	s0 =	sand.u32 $0x1, s1  }
0x8c: {  	s17 =	sshll.u32 s0, $0xA;
	s2 =	sadd.s32 s3, s2  }
0x8d: {  	s2 =	sadd.s32 s2, s17  }
0x8e: {  	[smem:$0x3FBC] =	sst s2  }
0x8f: {  	_ = 	snop  }
0x90: {  	s2 =	sld [smem:$0x3FD0];
	(tm) =	ssettm $0x1  }
0x91: {  	s18 =	sld [smem:$0x3FFB];
	_ =	sdelay $0x3  }
0x92: {  	_ =	strace s18  }
0x93: {  	s3 =	sld [smem:$0x3FFC];
	_ =	sdelay $0x3  }
0x94: {  	_ =	strace s3  }
0x95: {  	s3 =	sld [smem:$0x3FFD];
	_ =	sdelay $0x3  }
0x96: {  	_ =	strace s3  }
0x97: {  	_ =	strace $0x8FFFFFFF  }
0x98: {  	s19 =	sld [smem:$0x3FDB];
	_ =	sdelay $0x1  }
0x99: {  	s4 =	simm.s32 $_scs_section_size  }
0x9a: {  	s5 =	simm.s32 $_size__tile_overlayer_lowered;
	s6 =	simm.s32 $_tile_overlayer_lowered  }
0x9b: {  	s22 =	simm.s32 $0x1BFF;
	s21 =	sshll.u32 s6, $0x1;
	s3 =	sadd.s32 s4, s19  }
0x9c: {  	s7 =	simm.s32 $0x0;
	s20 =	sshll.u32 s5, $0x1;
	s5 =	sadd.s32 s21, s3  }
0x9d: {  	[timem:s7], [sflag:s22] =	dma.local [hbm:s5], s20  }
0x9e: {  	_ =	swait.ge [sflag:s22], s20  }
0x9f: {  	s4 =	ssub.s32 $0x0, s20;
	[sflag:s22] =	ssyncset.done $0x0  }
0xa0: {  	[sflag:s22] =	ssyncadd.s32 s4;
	_ =	sdelay $0x1  }
0xa1: {  	s23 =	simm.s32 $0x1B8B  }
0xa2: {  	_ =	swait.ge [sflag:s23], $0x1  }
0xa3: {  	[sflag:s23] =	ssyncset.done $0x0  }
0xa4: {  	s25 =	simm.s32 $0x1B8E;
	s24 =	sld [smem:$0x3FFE];
	[sflag:s23] =	ssyncadd.s32 $0xFFFFFFFF  }
0xa5: {  	s26 =	simm.s32 $execute0_lowered;
	[smem:$0x3FD2] =	sst s25  }
0xa6: {  	s5 =	sshll.u32 s26, $0x1;
	_ =	strace $0x80000046;
	[dreg:$0x1] =	wrdreg $0xFFFFFFFF  }
0xa7: {  	s28 =	simm.s32 $_size_execute0_lowered;
	s3 =	sadd.s32 s3, s5;
	[dreg:$0x0] =	wrdreg $0x0  }
0xa8: {  	s5 =	sshll.u32 s28, $0x1;
	[dreg:$0x2] =	wrdreg s3  }
0xa9: {  	[dreg:$0x3] =	wrdreg s5  }
0xaa: {  	[dreg:$0x4] =	wrdreg $0xC0  }
0xab: {  	_ =	task [dreg:s7], $0x5FFFF  }
0xac: {  	[dreg:$0x1] =	wrdreg $0xFFFFFFFF  }
0xad: {  	[dreg:$0x0] =	wrdreg $0x60  }
0xae: {  	[dreg:$0x2] =	wrdreg s24  }
0xaf: {  	[dreg:$0x3] =	wrdreg s2  }
0xb0: {  	[dreg:$0x4] =	wrdreg $0x50000  }
0xb1: {  	[dreg:$0x5] =	wrdreg $0x9  }
0xb2: {  	_ =	task.clear_ibuf [dreg:s7], $0x6FFFF;
	_ =	strace $0x90000046  }
0xb3: {  	s29 =	simm.s32 $0x9;
	_ =	strace $0x80000048  }
0xb4: {  	_ =	swait.ge [sflag:s29], $0x1  }
0xb5: {  	[sflag:s29] =	ssyncadd.s32 $0xFFFFFFFF  }
0xb6: {  	_ =	strace $0x90000048  }
0xb7: {  	_ =	sfence  }
0xb8: {  	s30 =	sld [smem:$0x0];
	_ =	sdelay $0x2  }
0xb9: {  	s31 =	sshll.u32 s1, $0xD;
	s1 =	sshrl.u32 s1, $0x2  }
0xba: {  	s3 =	sand.u32 $0x4000, s31;
	s1 =	sadd.s32 s1, s30  }
0xbb: {  	s0 =	sor.u32 s3, s0;
	s1 =	sshll.u32 s1, $0x11  }
0xbc: {  	s0 =	sor.u32 s1, s0  }
0xbd: {  	s0 =	sadd.s32 $0x8F2B, s0  }
0xbe: {  	[sflag:s0] =	ssyncadd.remote.s32 $0x1  }
0xbf: {  	_ =	sfence.sel $0xFFFF  }
0xc0: {  	[dreg:$0x0] =	wrdreg $0xFFFFFFFF;
	(pc) =	sbr.abs _section_cstart, $3  }
0xc1: {  	[dreg:$0x1] =	wrdreg $0xFFFFFFFF  }
0xc2: {  	_ =	task.clear_ibuf [dreg:s7], $0x2FFFF;
	_ =	strace $0x9FFFFFFF  }
0xc3: {  	(tm) =	ssettm $0x7FFFFFFF  }
tec
execute0_lowered:
.L_overlay_start_1:
0x0: {  	(tag) =	ssettag $0x1  }
0x1: {  	s5 =	rddreg [dreg:$0x0]  }
0x2: {  	s0 =	srdreg.scid;
	s6 =	rddreg [dreg:$0x1]  }
0x3: {  	s2 =	rddreg [dreg:$0x2];
	s4 =	sand.u32 $0x1, s0;
	s0 =	stileid.u32  }
0x4: {  	s3 =	simm.s32 $0x0;
	s13 =	simm.s32 $0x64;
	s8 =	smul.u32 $0x2780, s0  }
0x5: {  	s14 =	simm.s32 $0x0;
	[smem:$0x7FF] =	sst s3;
	s9 =	smul.u32 $0x27800, s4  }
0x6: {  	s1 =	sshll.u32 s4, $0x4;
	s10 =	ssub.s32 $0x2, s4;
	s11 =	smul.u32 $0x4F000, s0  }
0x7: {  	s4 =	sadd.s32 $0xA000, s5;
	s31 =	sshll.u32 s0, $0x6;
	s7 =	sor.u32 s0, s1  }
0x8: {  	s1 =	rddreg [dreg:$0x3];
	_ =	strace $0x80000047;
	s12 =	sshrl.u32 s10, $0x1  }
0x9: {  	s7 =	smul.u32 $0x380, s7;
	s9 =	sadd.s32 s8, s9;
	s10 =	ssub.s32 s10, s12  }
0xa: {  	s30 =	sshrl.u32 s11, $0x2;
	s12 =	simm.s32 $0x1C00;
	s9 =	sadd.s32 s9, s5  }
0xb: {  	s11 =	sadd.s32 s30, s2;
	s7 =	sadd.s32 s7, s5;
	s5 =	sadd.s32 s6, s8  }
0xc: {  	s6 =	sor.u32 $0x1C01, s31;
	s8 =	sadd.s32 $0xA800, s9;
	s9 =	smax.u32 s10, $0x1  }
0xd: {  	s10 =	sshrl.u32 s11, $0x3;
	s11 =	simm.s32 $0x1;
	s7 =	sadd.s32 $0x3000, s7  }
.LBB2_1:
0xe: {  	[spmem:s10], [sflag:s6] =	dma.local [hbm:s5], $0x2780  }
0xf: {  	_ =	swait.ge [sflag:s11], $0x2780  }
0x10: {  	[sflag:s11] =	ssyncset.done $0x0  }
0x11: {  	[sflag:s11] =	ssyncadd.s32 $0xFFFFD880  }
0x12: {  	[tilespmem:s12], [sflag:$0x1] =	stream.linear.gather [hbm4b:s4+s3], $0x3200, $0x38;
	[tilespmem:$0x18C00] =	vst v63  }
0x13: {  	_ =	swait.ge [sflag:s11], $0x3200  }
0x14: {  	[sflag:s11] =	ssyncset.done $0x0  }
0x15: {  	[sflag:s11] =	ssyncadd.s32 $0xFFFFCE00  }
0x16: {  	[tilespmem:s3], [sflag:$0x1] =	stream.linear.gather [hbm4b:s7+s3], $0x1900, $0x38;
	[tilespmem:$0x18C00] =	vst v63  }
0x17: {  	_ =	swait.ge [sflag:s11], $0x1900  }
0x18: {  	[sflag:s11] =	ssyncset.done $0x0  }
0x19: {  	[sflag:s11] =	ssyncadd.s32 $0xFFFFE700  }
0x1a: {  	s15 =	simm.s32 $0x0;
	[bflag:$0x0] =	sbarrier.arrive $0xFFFF  }
0x1b: {  	[spmem:s2] =	stream.indirect.scatter.add.f32 [tilespmem:s12], [sflag:$0x1], $0x80, s15, s13, $0xb8;
	[tilespmem:$0x18C00] =	vst v63  }
0x1c: {  	_ =	swait.ge [sflag:s11], $0x3200  }
0x1d: {  	s15 =	simm.s32 $0x200;
	[sflag:s11] =	ssyncset.done $0x0  }
.LBB2_2:
0x1e: {  	s16 =	sshra.s32 s15, $0x2;
	[sflag:s11] =	ssyncadd.s32 $0xFFFFCE00;
	p0 =	sne.s32 s15, $0x6200  }
0x1f: {  	[spmem:s2] =	stream.indirect.scatter.add.f32 [tilespmem:s12], [sflag:$0x1], $0x80, s16, s13, $0xb8;
	[tilespmem:$0x18C00] =	vst v63  }
.Ltmp0:
0x20: {  	_ = 	snop;
	(pc) =	sbr.rel @p0 .LBB2_2-.Ltmp0, $4  }
0x21: {  	_ = 	snop  }
0x22: {  	s15 =	sadd.s32 $0x200, s15  }
0x23: {  	_ =	swait.ge [sflag:s11], $0x3200  }
0x24: {  	[sflag:s11] =	ssyncset.done $0x0  }
0x25: {  	s14 =	sadd.s32 $0x1, s14  }
0x26: {  	[sflag:s11] =	ssyncadd.s32 $0xFFFFCE00;
	p0 =	sne.s32 s14, s9  }
.Ltmp1:
0x27: {  	[bflag:$0x0] =	sbarrier.arrive $0xFFFF;
	(pc) =	sbr.rel @p0 .LBB2_1-.Ltmp1, $4  }
0x28: {  	[hbm:s8], [sflag:s6] =	dma.local [spmem:s10], $0x2780  }
0x29: {  	_ =	swait.ge [sflag:s11], $0x2780  }
0x2a: {  	[sflag:s11] =	ssyncset.done $0x0  }
0x2b: {  	[sflag:s11] =	ssyncadd.s32 $0xFFFFD880  }
0x2c: {  	_ =	sfence.sel $0x180000  }
0x2d: {  	[bflag:$0x0] =	sbarrier.arrive $0xFFFF  }
0x2e: {  	p0 =	sne.s32 s0, $0x0;
	_ =	strace $0x90000047  }
0x2f: {  	s0 =	sadd.s32 @!p0 $0x100000, s1;
	[bflag:$0x2] =	sbarrier.arrive $0xFFFF  }
0x30: {  	[sflag:s0] =	ssyncadd.tile.s32 @!p0 $0x1;
	_ =	shalt  }
.Lfunc_end2:
_tile_overlayer_lowered:
.L_overlay_start_2:
0x31: {  	(tag) =	ssettag $0x2  }
0x32: {  	s0 =	rddreg [dreg:$0x0];
	s2 =	stileid.u32  }
0x33: {  	s1 =	rddreg [dreg:$0x1];
	p0 =	sne.s32 s2, $0x0  }
0x34: {  	s3 =	rddreg [dreg:$0x2];
	[bflag:$0x3] =	sbarrier.arrive $0xFFFF;
	s2 =	simm.s32 @!p0 $0x1C01  }
0x35: {  	[timem:s3], [sflag:s2] =	dma.local @!p0 [hbm:s0], s1  }
0x36: {  	s0 =	simm.s32 @!p0 $0x1  }
0x37: {  	_ =	swait.ge @!p0 [sflag:s0], s1  }
0x38: {  	s1 =	ssub.s32 @!p0 $0x0, s1;
	[sflag:s0] =	ssyncset.done @!p0 $0x0  }
0x39: {  	[sflag:s0] =	ssyncadd.s32 @!p0 s1  }
0x3a: {  	[bflag:$0x3] =	sbarrier.arrive $0xFFFF  }
0x3b: {  	_ =	shalt  }

// kernel: kernel.14.cloned.1.call-start
scs
__scs_entry_jumppad:
0x0: {  	(pc) =	sbr.rel $0x88, $3  }
0x1: {  	(tag) =	ssettag $0x0;
	lr =	simm.s32 $0x1  }
0x2: {  	[smem:$0x3F95] =	sst lr;
	_ =	strace $0xD0000000  }
0x3: {  	_ = 	snop  }
0x4: {  	_ = 	snop  }
0x5: {  	_ = 	snop  }
0x6: {  	_ = 	snop  }
0x7: {  	_ = 	snop  }
__scs_overlays_trampoline_lowered:
0x8: {  	[smem:$0x3FA4] =	sst s0  }
0x9: {  	[smem:$0x3FA5] =	sst s1  }
0xa: {  	[smem:$0x3FA6] =	sst s2  }
0xb: {  	[smem:$0x3FA7] =	sst s3  }
0xc: {  	[smem:$0x3FA8] =	sst s4  }
0xd: {  	[smem:$0x3FA9] =	sst s5  }
0xe: {  	[smem:$0x3FAA] =	sst s6  }
0xf: {  	[smem:$0x3FAB] =	sst s7  }
0x10: {  	[smem:$0x3FAC] =	sst s8  }
0x11: {  	[smem:$0x3FAD] =	sst s9;
	s0 =	simm.s32 @!p0 $0x0  }
0x12: {  	s1 =	sld [smem:$0x3F93];
	s0 =	simm.s32 @p0 $0x1  }
0x13: {  	[smem:$0x3FAE] =	sst s0;
	s0 =	simm.s32 @!p1 $0x0  }
0x14: {  	s2 =	sld [smem:$0x3F92];
	s0 =	simm.s32 @p1 $0x1  }
0x15: {  	[smem:$0x3FAF] =	sst s0;
	s0 =	simm.s32 @!p2 $0x0  }
0x16: {  	s3 =	sld [smem:$0x3FDB];
	s0 =	simm.s32 @p2 $0x1  }
0x17: {  	s4 =	simm.s32 $0x1BF5;
	[smem:$0x3FB1] =	sst s0  }
0x18: {  	s0 =	sld [smem:$0x3F94];
	_ =	swait.ge [sflag:s4], $0x0  }
0x19: {  	s7 =	sld [smem:$0x3F95]  }
0x1a: {  	s8 =	sadd.s32 $0xFFFFE003, lr  }
0x1b: {  	s9 =	sadd.s32 $0xFFFFFEF7, lr;
	s5 =	simm.s32 $0xFFFFFFFF;
	p2 =	slt.u32 s8, $0xFFFFF086  }
0x1c: {  	p1 =	slt.u32 s9, $0xF7A;
	s5 =	simm.s32 @!p2 $0x0  }
0x1d: {  	s5 =	simm.s32 @p1 $0x1;
	p0 =	seq.s32 s7, s2  }
0x1e: {  	s7 =	smul.u32 @!p0 $0xF7A, s2;
	p2 =	seq.s32 @!p0 s5, $0x0  }
0x1f: {  	s9 =	smul.u32 $0xF7A, s1;
	s8 =	simm.s32 @!p0 $0x1BF5;
	p2 =	por !p2, p0  }
0x20: {  	[sflag:s8] =	ssyncset.s32 @!p0 $0xFFFFF086;
	s6 =	sadd.s32 @!p0 s3, s7;
	s7 =	simm.s32 @!p0 $0x108  }
0x21: {  	s3 =	sadd.s32 s3, s9;
	s6 =	sadd.s32 @!p0 $0x88, s6;
	s7 =	simm.s32 @p2 $0x1082  }
0x22: {  	[simem:s7], [sflag:s8] =	dma.local @!p0 [hbm:s6], $0xF7A  }
0x23: {  	s9 =	sor.u32 $0xD0000000, s2;
	s6 =	simm.s32 $0x108;
	_ =	swait.ge @!p0 [sflag:s8], $0x0  }
0x24: {  	s3 =	sadd.s32 $0x88, s3;
	s6 =	simm.s32 @!p1 $0x1082;
	[sflag:s4] =	ssyncset.s32 $0xFFFFF086  }
0x25: {  	[simem:s6], [sflag:s4] =	dma.local [hbm:s3], $0xF7A  }
0x26: {  	[smem:$0x3F95] =	sst s1;
	(tag) =	ssettag s2;
	_ =	strace s9  }
0x27: {  	s1 =	sld [smem:$0x3FA5]  }
0x28: {  	s2 =	sld [smem:$0x3FA6]  }
0x29: {  	s4 =	sld [smem:$0x3FA8]  }
0x2a: {  	p0 =	seq.s32 s5, $0x0;
	s5 =	sld [smem:$0x3FA9]  }
0x2b: {  	s6 =	sld [smem:$0x3FAA]  }
0x2c: {  	s7 =	sld [smem:$0x3FAB]  }
0x2d: {  	s3 =	simm.s32 $0x108;
	s8 =	sld [smem:$0x3FAC]  }
0x2e: {  	s3 =	simm.s32 @!p0 $0x1082;
	s9 =	sld [smem:$0x3FAD]  }
0x2f: {  	lr =	sadd.s32 s0, s3;
	s0 =	sld [smem:$0x3FA4]  }
0x30: {  	s3 =	sld [smem:$0x3FA7]  }
0x31: {  	[smem:$0x3FB0] =	sst s10  }
0x32: {  	s10 =	sld [smem:$0x3FAE];
	_ =	sdelay $0x3  }
0x33: {  	p0 =	seq.s32 s10, $0x1;
	s10 =	sld [smem:$0x3FB0];
	_ =	sdelay $0x3  }
0x34: {  	[smem:$0x3FB0] =	sst s10  }
0x35: {  	s10 =	sld [smem:$0x3FAF];
	_ =	sdelay $0x3  }
0x36: {  	p1 =	seq.s32 s10, $0x1;
	s10 =	sld [smem:$0x3FB0];
	_ =	sdelay $0x3  }
0x37: {  	[smem:$0x3FB0] =	sst s10  }
0x38: {  	s10 =	sld [smem:$0x3FB1]  }
0x39: {  	_ = 	snop;
	(pc) =	sbr.ind lr, $3  }
0x3a: {  	_ = 	snop  }
0x3b: {  	_ = 	snop  }
0x3c: {  	p2 =	seq.s32 s10, $0x1;
	s10 =	sld [smem:$0x3FB0]  }
0x3d: {  	_ =	shalt  }
0x3e: {  	_ =	shalt  }
0x3f: {  	_ =	shalt  }
0x40: {  	_ =	shalt  }
0x41: {  	_ =	shalt  }
0x42: {  	_ =	shalt  }
0x43: {  	_ =	shalt  }
0x44: {  	_ =	shalt  }
0x45: {  	_ =	shalt  }
0x46: {  	_ =	shalt  }
0x47: {  	_ =	shalt  }
0x48: {  	_ =	shalt  }
0x49: {  	_ =	shalt  }
0x4a: {  	_ =	shalt  }
0x4b: {  	_ =	shalt  }
0x4c: {  	_ =	shalt  }
0x4d: {  	_ =	shalt  }
0x4e: {  	_ =	shalt  }
0x4f: {  	_ =	shalt  }
0x50: {  	_ =	shalt  }
0x51: {  	_ =	shalt  }
0x52: {  	_ =	shalt  }
0x53: {  	_ =	shalt  }
0x54: {  	_ =	shalt  }
0x55: {  	_ =	shalt  }
0x56: {  	_ =	shalt  }
0x57: {  	_ =	shalt  }
0x58: {  	_ =	shalt  }
0x59: {  	_ =	shalt  }
0x5a: {  	_ =	shalt  }
0x5b: {  	_ =	shalt  }
0x5c: {  	_ =	shalt  }
0x5d: {  	_ =	shalt  }
0x5e: {  	_ =	shalt  }
0x5f: {  	_ =	shalt  }
0x60: {  	_ =	shalt  }
0x61: {  	_ =	shalt  }
0x62: {  	_ =	shalt  }
0x63: {  	_ =	shalt  }
0x64: {  	_ =	shalt  }
0x65: {  	_ =	shalt  }
0x66: {  	_ =	shalt  }
0x67: {  	_ =	shalt  }
0x68: {  	_ =	shalt  }
0x69: {  	_ =	shalt  }
0x6a: {  	_ =	shalt  }
0x6b: {  	_ =	shalt  }
0x6c: {  	_ =	shalt  }
0x6d: {  	_ =	shalt  }
0x6e: {  	_ =	shalt  }
0x6f: {  	_ =	shalt  }
0x70: {  	_ =	shalt  }
0x71: {  	_ =	shalt  }
0x72: {  	_ =	shalt  }
0x73: {  	_ =	shalt  }
0x74: {  	_ =	shalt  }
0x75: {  	_ =	shalt  }
0x76: {  	_ =	shalt  }
0x77: {  	_ =	shalt  }
0x78: {  	_ =	shalt  }
0x79: {  	_ =	shalt  }
0x7a: {  	_ =	shalt  }
0x7b: {  	_ =	shalt  }
0x7c: {  	_ =	shalt  }
0x7d: {  	_ =	shalt  }
0x7e: {  	_ =	shalt  }
0x7f: {  	_ =	shalt  }
0x80: {  	_ =	shalt  }
0x81: {  	_ =	shalt  }
0x82: {  	_ =	shalt  }
0x83: {  	_ =	shalt  }
0x84: {  	_ =	shalt  }
0x85: {  	_ =	shalt  }
0x86: {  	_ =	shalt  }
0x87: {  	_ =	shalt  }
.Lfunc_end0:
.L_simem_size_0:
called_computation.1_lowered:
.L_overlay_start_0:
0x88: {  	s2 =	sld [smem:$0x3FD9]  }
0x89: {  	s3 =	sld [smem:$0x3FFE];
	_ =	sdelay $0x1  }
0x8a: {  	s1 =	srdreg.scid  }
0x8b: {  	s0 =	sand.u32 $0x1, s1  }
0x8c: {  	s17 =	sshll.u32 s0, $0xA;
	s2 =	sadd.s32 s3, s2  }
0x8d: {  	s2 =	sadd.s32 s2, s17  }
0x8e: {  	[smem:$0x3FBC] =	sst s2  }
0x8f: {  	_ = 	snop  }
0x90: {  	(tm) =	ssettm $0x1  }
0x91: {  	s18 =	sld [smem:$0x3FFB];
	_ =	sdelay $0x3  }
0x92: {  	_ =	strace s18  }
0x93: {  	s2 =	sld [smem:$0x3FFC];
	_ =	sdelay $0x3  }
0x94: {  	_ =	strace s2  }
0x95: {  	s2 =	sld [smem:$0x3FFD];
	_ =	sdelay $0x3  }
0x96: {  	_ =	strace s2  }
0x97: {  	_ =	strace $0x8FFFFFFF  }
0x98: {  	s19 =	sld [smem:$0x3FDB];
	_ =	sdelay $0x1  }
0x99: {  	s20 =	simm.s32 $_scs_section_size  }
0x9a: {  	s4 =	simm.s32 $_size__tile_overlayer_lowered;
	s5 =	simm.s32 $_tile_overlayer_lowered  }
0x9b: {  	s6 =	simm.s32 $0x1BFF;
	s21 =	sshll.u32 s5, $0x1;
	s3 =	sadd.s32 s20, s19  }
0x9c: {  	s22 =	simm.s32 $0x0;
	s4 =	sshll.u32 s4, $0x1;
	s5 =	sadd.s32 s21, s3  }
0x9d: {  	[timem:s22], [sflag:s6] =	dma.local [hbm:s5], s4  }
0x9e: {  	_ =	swait.ge [sflag:s6], s4  }
0x9f: {  	s4 =	ssub.s32 $0x0, s4;
	[sflag:s6] =	ssyncset.done $0x0  }
0xa0: {  	[sflag:s6] =	ssyncadd.s32 s4;
	_ =	sdelay $0x1  }
0xa1: {  	s23 =	simm.s32 $0x1B8B  }
0xa2: {  	_ =	swait.ge [sflag:s23], $0x1  }
0xa3: {  	[sflag:s23] =	ssyncset.done $0x0  }
0xa4: {  	[sflag:s23] =	ssyncadd.s32 $0xFFFFFFFF  }
0xa5: {  	s4 =	sld [smem:$0x0]  }
0xa6: {  	s5 =	sand.u32 $0xFFFFFFFE, s1  }
0xa7: {  	p0 =	sne.s32 s1, s5  }
0xa8: {  	s5 =	sshll.u32 @p0 s5, $0xE  }
0xa9: {  	s5 =	sadd.s32 @p0 $0x11B8D, s5;
	s6 =	sshll.u32 @p0 s4, $0x11  }
0xaa: {  	s5 =	sor.u32 @p0 s6, s5  }
0xab: {  	[sflag:s5] =	ssyncadd.remote.s32 @p0 $0x1;
	_ =	sdelay $0x1  }
0xac: {  	s5 =	simm.s32 @p0 $0x1B8D  }
0xad: {  	_ =	swait.eq @p0 [sflag:s5], $0x1  }
0xae: {  	[sflag:s5] =	ssyncadd.s32 @p0 $0xFFFFFFFF  }
0xaf: {  	s6 =	sshll.u32 @!p0 s1, $0xE  }
0xb0: {  	s6 =	sor.u32 @!p0 $0x4000, s6;
	s5 =	simm.s32 @!p0 $0x1B8D  }
0xb1: {  	s4 =	sshll.u32 @!p0 s4, $0x11;
	s6 =	sadd.s32 @!p0 $0x11B8D, s6;
	_ =	swait.eq @!p0 [sflag:s5], $0x1  }
0xb2: {  	s4 =	sor.u32 @!p0 s4, s6;
	[sflag:s5] =	ssyncadd.s32 @!p0 $0xFFFFFFFF  }
0xb3: {  	s25 =	simm.s32 $0x1B8E;
	s24 =	sld [smem:$0x3FFE];
	[sflag:s4] =	ssyncadd.remote.s32 @!p0 $0x1  }
0xb4: {  	s26 =	simm.s32 $execute0_lowered;
	[smem:$0x3FD2] =	sst s25  }
0xb5: {  	s5 =	sshll.u32 s26, $0x1;
	_ =	strace $0x8000004C;
	[dreg:$0x1] =	wrdreg $0xFFFFFFFF  }
0xb6: {  	s28 =	simm.s32 $_size_execute0_lowered;
	s3 =	sadd.s32 s3, s5;
	[dreg:$0x0] =	wrdreg $0x0  }
0xb7: {  	s5 =	sshll.u32 s28, $0x1;
	[dreg:$0x2] =	wrdreg s3  }
0xb8: {  	[dreg:$0x3] =	wrdreg s5  }
0xb9: {  	[dreg:$0x4] =	wrdreg $0xC0  }
0xba: {  	_ =	task [dreg:s22], $0x5FFFF  }
0xbb: {  	[dreg:$0x1] =	wrdreg $0xFFFFFFFF  }
0xbc: {  	[dreg:$0x0] =	wrdreg $0x60  }
0xbd: {  	[dreg:$0x2] =	wrdreg s24  }
0xbe: {  	[dreg:$0x3] =	wrdreg $0x98000  }
0xbf: {  	[dreg:$0x4] =	wrdreg $0x9  }
0xc0: {  	_ =	task.clear_ibuf [dreg:s22], $0x5FFFF;
	_ =	strace $0x9000004C  }
0xc1: {  	s29 =	simm.s32 $0x9;
	_ =	strace $0x8000004E  }
0xc2: {  	_ =	swait.ge [sflag:s29], $0x1  }
0xc3: {  	[sflag:s29] =	ssyncadd.s32 $0xFFFFFFFF  }
0xc4: {  	_ =	strace $0x9000004E  }
0xc5: {  	_ =	sfence  }
0xc6: {  	s30 =	sld [smem:$0x0];
	_ =	sdelay $0x2  }
0xc7: {  	s31 =	sshll.u32 s1, $0xD;
	s1 =	sshrl.u32 s1, $0x2  }
0xc8: {  	s4 =	sand.u32 $0x4000, s31;
	s1 =	sadd.s32 s1, s30  }
0xc9: {  	s0 =	sor.u32 s4, s0;
	s1 =	sshll.u32 s1, $0x11  }
0xca: {  	s0 =	sor.u32 s1, s0  }
0xcb: {  	s0 =	sadd.s32 $0x8F2B, s0  }
0xcc: {  	[sflag:s0] =	ssyncadd.remote.s32 $0x1  }
0xcd: {  	_ =	sfence.sel $0xFFFF  }
0xce: {  	[dreg:$0x0] =	wrdreg $0xFFFFFFFF;
	(pc) =	sbr.abs _section_cstart, $3  }
0xcf: {  	[dreg:$0x1] =	wrdreg $0xFFFFFFFF  }
0xd0: {  	_ =	task.clear_ibuf [dreg:s22], $0x2FFFF;
	_ =	strace $0x9FFFFFFF  }
0xd1: {  	(tm) =	ssettm $0x7FFFFFFF  }
tec
execute0_lowered:
.L_overlay_start_1:
0x0: {  	(tag) =	ssettag $0x1  }
0x1: {  	s5 =	rddreg [dreg:$0x0]  }
0x2: {  	s2 =	rddreg [dreg:$0x1];
	s3 =	srdreg.scid  }
0x3: {  	s0 =	rddreg [dreg:$0x2];
	s1 =	stileid.u32;
	s13 =	simm.s32 $0x64  }
0x4: {  	s14 =	simm.s32 $0x3400;
	s15 =	simm.s32 $0x80;
	s16 =	simm.s32 $0x6600  }
0x5: {  	s17 =	simm.s32 $0x1;
	s18 =	simm.s32 $0x1900;
	s20 =	simm.s32 $0x0  }
0x6: {  	s6 =	sand.u32 $0x1, s3;
	s3 =	simm.s32 $0x0;
	s7 =	smul.u32 $0x4F0, s1  }
0x7: {  	s30 =	smul.u32 $0x4F000, s1;
	s19 =	sshll.u32 s1, $0x6;
	s4 =	sshll.u32 s6, $0x4  }
0x8: {  	[smem:$0x7FF] =	sst s3;
	s9 =	smul.u32 $0x278, s6;
	s6 =	ssub.s32 $0x2, s6  }
0x9: {  	s8 =	sor.u32 s1, s4;
	_ =	strace $0x8000004D;
	s4 =	sadd.s32 $0x73800, s5  }
0xa: {  	s10 =	sshrl.u32 s6, $0x1;
	s31 =	sshrl.u32 s30, $0x2;
	s8 =	smul.u32 $0x680, s8  }
0xb: {  	s7 =	sadd.s32 s9, s7;
	s10 =	ssub.s32 s6, s10;
	s12 =	sadd.s32 s31, s2  }
0xc: {  	s6 =	sor.u32 $0x1C05, s19;
	s19 =	sor.u32 $0x1C06, s19;
	s7 =	sshll.u32 s7, $0x4  }
0xd: {  	s9 =	smax.u32 s10, $0x1;
	s10 =	sshrl.u32 s12, $0x3;
	s12 =	simm.s32 $0x5  }
0xe: {  	s8 =	sadd.s32 s8, s5;
	s11 =	sadd.s32 s7, s5;
	s5 =	sadd.s32 s4, s7  }
0xf: {  	s7 =	sadd.s32 $0x66800, s8;
	s8 =	sadd.s32 $0x160800, s11;
	s11 =	simm.s32 $0x6  }
.LBB2_1:
0x10: {  	[spmem:s10], [sflag:s6] =	dma.local [hbm:s5], $0x2780  }
0x11: {  	[tilespmem:s3], [sflag:$0x6] =	stream.linear.gather [hbm4b:s7+s3], $0x3200, $0x38;
	[tilespmem:$0x1D400] =	vst v63  }
0x12: {  	_ =	swait.ge [sflag:s11], $0x3200  }
0x13: {  	[sflag:s11] =	ssyncset.done $0x0  }
0x14: {  	[sflag:s11] =	ssyncadd.s32 $0xFFFFCE00  }
0x15: {  	_ =	swait.ge [sflag:s12], $0x2780  }
0x16: {  	[sflag:s12] =	ssyncset.done $0x0  }
0x17: {  	s23 =	simm.s32 $0x2;
	s21 =	simm.s32 $0x1980;
	[sflag:s12] =	ssyncadd.s32 $0xFFFFD880  }
0x18: {  	s22 =	simm.s32 $0x3;
	p0 =	por $0x0, $0x0;
	[bflag:$0x0] =	sbarrier.arrive $0xFFFF  }
0x19: {  	[tilespmem:s14], [sflag:$0x1] =	stream.indirect.gather [hbm4b:s4+s13], $0x80, s3, s13, $0xb8;
	[tilespmem:$0x1D400] =	vst v63  }
0x1a: {  	p1 =	por $0x0, $0x0;
	p2 =	por @!p0 $0x0, $0x0;
	s23 =	sand.u32 $0x1, s23  }
0x1b: {  	[tilespmem:s16], [sflag:$0x2] =	stream.indirect.gather [hbm4b:s4+s13], $0x80, s15, s13, $0xb8;
	[tilespmem:$0x1D400] =	vst v63  }
0x1c: {  	s26 =	simm.s32 @!p1 $0x100;
	s29 =	simm.s32 @!p1 $0x64;
	_ =	swait.ge [sflag:s17], $0x3200  }
0x1d: {  	p0 =	por p2, p0;
	s24 =	sadd.s32 $0x3, s23;
	[sflag:s17] =	ssyncset.done $0x0  }
0x1e: {  	s25 =	smul.u32 @!p1 $0xC800, s23;
	s28 =	sxor.u32 @!p0 $0x1, s23;
	[sflag:s17] =	ssyncadd.s32 $0xFFFFCE00  }
0x1f: {  	[spmem:s2] =	stream.indirect.scatter.add.f32 [tilespmem:s14], [sflag:$0x3], $0x80, s18, s13, $0xb8;
	[tilespmem:$0x1D400] =	vst v63  }
0x20: {  	s25 =	sshrl.u32 @!p1 s25, $0x2;
	s30 =	smul.u32 @!p0 $0xC800, s28;
	_ =	swait.ge [sflag:s24], $0x3200  }
0x21: {  	s23 =	sadd.s32 @!p1 $0x1, s23;
	s25 =	sadd.s32 @!p1 $0x3400, s25;
	[sflag:s24] =	ssyncset.done $0x0  }
0x22: {  	s30 =	sshrl.u32 @!p0 s30, $0x2;
	[sflag:s24] =	ssyncadd.s32 $0xFFFFCE00;
	s24 =	sadd.s32 @!p0 $0x1, s28  }
0x23: {  	[tilespmem:s25], [sflag:s23] =	stream.indirect.gather @!p1 [hbm4b:s4+s29], $0x80, s26, s29, $0xb8;
	[tilespmem:$0x1D400] =	vst v63  }
0x24: {  	s25 =	sadd.s32 @!p0 $0x3400, s30;
	s26 =	sadd.s32 @!p0 $0x3, s28;
	_ =	swait.ge @!p0 [sflag:s24], $0x3200  }
0x25: {  	s28 =	simm.s32 @!p0 $0x64;
	s23 =	simm.s32 $0x1980;
	[sflag:s24] =	ssyncset.done @!p0 $0x0  }
.LBB2_2:
0x26: {  	[sflag:s24] =	ssyncadd.s32 @!p0 $0xFFFFCE00  }
0x27: {  	s21 =	sadd.s32 $0x80, s21;
	s24 =	smov.u32 s22;
	s22 =	sadd.s32 $0x1, s22  }
0x28: {  	[spmem:s2] =	stream.indirect.scatter.add.f32 @!p0 [tilespmem:s25], [sflag:s26], $0x80, s23, s28, $0xb8;
	[tilespmem:$0x1D400] =	vst v63  }
0x29: {  	p0 =	seq.s32 s24, $0x0;
	p1 =	sne.s32 s22, $0x34;
	s23 =	smov.u32 s21  }
0x2a: {  	p3 =	seq.s32 @!p0 s24, $0x33  }
0x2b: {  	s25 =	sand.u32 $0x1, s24;
	p2 =	sgt.u32 s24, $0x31;
	p0 =	por p3, p0  }
0x2c: {  	s24 =	sadd.s32 $0x3, s25;
	s26 =	smul.u32 @!p2 $0xC800, s25;
	s28 =	sadd.s32 @!p2 $0xFFFFE780, s21  }
0x2d: {  	s30 =	simm.s32 @!p2 $0x64;
	s29 =	sxor.u32 @!p0 $0x1, s25;
	_ =	swait.ge [sflag:s24], $0x3200  }
0x2e: {  	s26 =	sshrl.u32 @!p2 s26, $0x2;
	s25 =	sadd.s32 @!p2 $0x1, s25;
	s31 =	smul.u32 @!p0 $0xC800, s29  }
.Ltmp0:
0x2f: {  	s26 =	sadd.s32 @!p2 $0x3400, s26;
	[sflag:s24] =	ssyncset.done $0x0;
	(pc) =	sbr.rel @p1 .LBB2_2-.Ltmp0, $4  }
0x30: {  	s31 =	sshrl.u32 @!p0 s31, $0x2;
	[sflag:s24] =	ssyncadd.s32 $0xFFFFCE00;
	s24 =	sadd.s32 @!p0 $0x1, s29  }
0x31: {  	[tilespmem:s26], [sflag:s25] =	stream.indirect.gather @!p2 [hbm4b:s4+s30], $0x80, s28, s30, $0xb8;
	[tilespmem:$0x1D400] =	vst v63  }
0x32: {  	s25 =	sadd.s32 @!p0 $0x3400, s31;
	s26 =	sadd.s32 @!p0 $0x3, s29;
	_ =	swait.ge @!p0 [sflag:s24], $0x3200  }
0x33: {  	s28 =	simm.s32 @!p0 $0x64;
	[sflag:s24] =	ssyncset.done @!p0 $0x0  }
0x34: {  	[sflag:s24] =	ssyncadd.s32 @!p0 $0xFFFFCE00;
	s20 =	sadd.s32 $0x1, s20  }
0x35: {  	[spmem:s2] =	stream.indirect.scatter.add.f32 @!p0 [tilespmem:s25], [sflag:s26], $0x80, s23, s28, $0xb8;
	[tilespmem:$0x1D400] =	vst v63  }
0x36: {  	p0 =	sne.s32 s20, s9  }
.Ltmp1:
0x37: {  	[bflag:$0x0] =	sbarrier.arrive $0xFFFF;
	(pc) =	sbr.rel @p0 .LBB2_1-.Ltmp1, $4  }
0x38: {  	[hbm:s8], [sflag:s19] =	dma.local [spmem:s10], $0x2780  }
0x39: {  	_ =	swait.ge [sflag:s11], $0x2780  }
0x3a: {  	[sflag:s11] =	ssyncset.done $0x0  }
0x3b: {  	[sflag:s11] =	ssyncadd.s32 $0xFFFFD880  }
0x3c: {  	_ =	sfence.sel $0x180000  }
0x3d: {  	[bflag:$0x0] =	sbarrier.arrive $0xFFFF  }
0x3e: {  	p0 =	sne.s32 s1, $0x0;
	_ =	strace $0x9000004D  }
0x3f: {  	s0 =	sadd.s32 @!p0 $0x100000, s0;
	[bflag:$0x2] =	sbarrier.arrive $0xFFFF  }
0x40: {  	[sflag:s0] =	ssyncadd.tile.s32 @!p0 $0x1;
	_ =	shalt  }
.Lfunc_end2:
_tile_overlayer_lowered:
.L_overlay_start_2:
0x41: {  	(tag) =	ssettag $0x2  }
0x42: {  	s0 =	rddreg [dreg:$0x0];
	s2 =	stileid.u32  }
0x43: {  	s1 =	rddreg [dreg:$0x1];
	p0 =	sne.s32 s2, $0x0  }
0x44: {  	s3 =	rddreg [dreg:$0x2];
	[bflag:$0x3] =	sbarrier.arrive $0xFFFF;
	s2 =	simm.s32 @!p0 $0x1C06  }
0x45: {  	[timem:s3], [sflag:s2] =	dma.local @!p0 [hbm:s0], s1  }
0x46: {  	s0 =	simm.s32 @!p0 $0x6  }
0x47: {  	_ =	swait.ge @!p0 [sflag:s0], s1  }
0x48: {  	s1 =	ssub.s32 @!p0 $0x0, s1;
	[sflag:s0] =	ssyncset.done @!p0 $0x0  }
0x49: {  	[sflag:s0] =	ssyncadd.s32 @!p0 s1  }
0x4a: {  	[bflag:$0x3] =	sbarrier.arrive $0xFFFF  }
0x4b: {  	_ =	shalt  }

// kernel: kernel.17.cloned.1.call-start
scs
__scs_entry_jumppad:
0x0: {  	(pc) =	sbr.rel $0x88, $3  }
0x1: {  	(tag) =	ssettag $0x0;
	lr =	simm.s32 $0x1  }
0x2: {  	[smem:$0x3F95] =	sst lr;
	_ =	strace $0xD0000000  }
0x3: {  	_ = 	snop  }
0x4: {  	_ = 	snop  }
0x5: {  	_ = 	snop  }
0x6: {  	_ = 	snop  }
0x7: {  	_ = 	snop  }
__scs_overlays_trampoline_lowered:
0x8: {  	[smem:$0x3FA4] =	sst s0  }
0x9: {  	[smem:$0x3FA5] =	sst s1  }
0xa: {  	[smem:$0x3FA6] =	sst s2  }
0xb: {  	[smem:$0x3FA7] =	sst s3  }
0xc: {  	[smem:$0x3FA8] =	sst s4  }
0xd: {  	[smem:$0x3FA9] =	sst s5  }
0xe: {  	[smem:$0x3FAA] =	sst s6  }
0xf: {  	[smem:$0x3FAB] =	sst s7  }
0x10: {  	[smem:$0x3FAC] =	sst s8  }
0x11: {  	[smem:$0x3FAD] =	sst s9;
	s0 =	simm.s32 @!p0 $0x0  }
0x12: {  	s1 =	sld [smem:$0x3F93];
	s0 =	simm.s32 @p0 $0x1  }
0x13: {  	[smem:$0x3FAE] =	sst s0;
	s0 =	simm.s32 @!p1 $0x0  }
0x14: {  	s2 =	sld [smem:$0x3F92];
	s0 =	simm.s32 @p1 $0x1  }
0x15: {  	[smem:$0x3FAF] =	sst s0;
	s0 =	simm.s32 @!p2 $0x0  }
0x16: {  	s3 =	sld [smem:$0x3FDB];
	s0 =	simm.s32 @p2 $0x1  }
0x17: {  	s4 =	simm.s32 $0x1BF5;
	[smem:$0x3FB1] =	sst s0  }
0x18: {  	s0 =	sld [smem:$0x3F94];
	_ =	swait.ge [sflag:s4], $0x0  }
0x19: {  	s7 =	sld [smem:$0x3F95]  }
0x1a: {  	s8 =	sadd.s32 $0xFFFFE003, lr  }
0x1b: {  	s9 =	sadd.s32 $0xFFFFFEF7, lr;
	s5 =	simm.s32 $0xFFFFFFFF;
	p2 =	slt.u32 s8, $0xFFFFF086  }
0x1c: {  	p1 =	slt.u32 s9, $0xF7A;
	s5 =	simm.s32 @!p2 $0x0  }
0x1d: {  	s5 =	simm.s32 @p1 $0x1;
	p0 =	seq.s32 s7, s2  }
0x1e: {  	s7 =	smul.u32 @!p0 $0xF7A, s2;
	p2 =	seq.s32 @!p0 s5, $0x0  }
0x1f: {  	s9 =	smul.u32 $0xF7A, s1;
	s8 =	simm.s32 @!p0 $0x1BF5;
	p2 =	por !p2, p0  }
0x20: {  	[sflag:s8] =	ssyncset.s32 @!p0 $0xFFFFF086;
	s6 =	sadd.s32 @!p0 s3, s7;
	s7 =	simm.s32 @!p0 $0x108  }
0x21: {  	s3 =	sadd.s32 s3, s9;
	s6 =	sadd.s32 @!p0 $0x88, s6;
	s7 =	simm.s32 @p2 $0x1082  }
0x22: {  	[simem:s7], [sflag:s8] =	dma.local @!p0 [hbm:s6], $0xF7A  }
0x23: {  	s9 =	sor.u32 $0xD0000000, s2;
	s6 =	simm.s32 $0x108;
	_ =	swait.ge @!p0 [sflag:s8], $0x0  }
0x24: {  	s3 =	sadd.s32 $0x88, s3;
	s6 =	simm.s32 @!p1 $0x1082;
	[sflag:s4] =	ssyncset.s32 $0xFFFFF086  }
0x25: {  	[simem:s6], [sflag:s4] =	dma.local [hbm:s3], $0xF7A  }
0x26: {  	[smem:$0x3F95] =	sst s1;
	(tag) =	ssettag s2;
	_ =	strace s9  }
0x27: {  	s1 =	sld [smem:$0x3FA5]  }
0x28: {  	s2 =	sld [smem:$0x3FA6]  }
0x29: {  	s4 =	sld [smem:$0x3FA8]  }
0x2a: {  	p0 =	seq.s32 s5, $0x0;
	s5 =	sld [smem:$0x3FA9]  }
0x2b: {  	s6 =	sld [smem:$0x3FAA]  }
0x2c: {  	s7 =	sld [smem:$0x3FAB]  }
0x2d: {  	s3 =	simm.s32 $0x108;
	s8 =	sld [smem:$0x3FAC]  }
0x2e: {  	s3 =	simm.s32 @!p0 $0x1082;
	s9 =	sld [smem:$0x3FAD]  }
0x2f: {  	lr =	sadd.s32 s0, s3;
	s0 =	sld [smem:$0x3FA4]  }
0x30: {  	s3 =	sld [smem:$0x3FA7]  }
0x31: {  	[smem:$0x3FB0] =	sst s10  }
0x32: {  	s10 =	sld [smem:$0x3FAE];
	_ =	sdelay $0x3  }
0x33: {  	p0 =	seq.s32 s10, $0x1;
	s10 =	sld [smem:$0x3FB0];
	_ =	sdelay $0x3  }
0x34: {  	[smem:$0x3FB0] =	sst s10  }
0x35: {  	s10 =	sld [smem:$0x3FAF];
	_ =	sdelay $0x3  }
0x36: {  	p1 =	seq.s32 s10, $0x1;
	s10 =	sld [smem:$0x3FB0];
	_ =	sdelay $0x3  }
0x37: {  	[smem:$0x3FB0] =	sst s10  }
0x38: {  	s10 =	sld [smem:$0x3FB1]  }
0x39: {  	_ = 	snop;
	(pc) =	sbr.ind lr, $3  }
0x3a: {  	_ = 	snop  }
0x3b: {  	_ = 	snop  }
0x3c: {  	p2 =	seq.s32 s10, $0x1;
	s10 =	sld [smem:$0x3FB0]  }
0x3d: {  	_ =	shalt  }
0x3e: {  	_ =	shalt  }
0x3f: {  	_ =	shalt  }
0x40: {  	_ =	shalt  }
0x41: {  	_ =	shalt  }
0x42: {  	_ =	shalt  }
0x43: {  	_ =	shalt  }
0x44: {  	_ =	shalt  }
0x45: {  	_ =	shalt  }
0x46: {  	_ =	shalt  }
0x47: {  	_ =	shalt  }
0x48: {  	_ =	shalt  }
0x49: {  	_ =	shalt  }
0x4a: {  	_ =	shalt  }
0x4b: {  	_ =	shalt  }
0x4c: {  	_ =	shalt  }
0x4d: {  	_ =	shalt  }
0x4e: {  	_ =	shalt  }
0x4f: {  	_ =	shalt  }
0x50: {  	_ =	shalt  }
0x51: {  	_ =	shalt  }
0x52: {  	_ =	shalt  }
0x53: {  	_ =	shalt  }
0x54: {  	_ =	shalt  }
0x55: {  	_ =	shalt  }
0x56: {  	_ =	shalt  }
0x57: {  	_ =	shalt  }
0x58: {  	_ =	shalt  }
0x59: {  	_ =	shalt  }
0x5a: {  	_ =	shalt  }
0x5b: {  	_ =	shalt  }
0x5c: {  	_ =	shalt  }
0x5d: {  	_ =	shalt  }
0x5e: {  	_ =	shalt  }
0x5f: {  	_ =	shalt  }
0x60: {  	_ =	shalt  }
0x61: {  	_ =	shalt  }
0x62: {  	_ =	shalt  }
0x63: {  	_ =	shalt  }
0x64: {  	_ =	shalt  }
0x65: {  	_ =	shalt  }
0x66: {  	_ =	shalt  }
0x67: {  	_ =	shalt  }
0x68: {  	_ =	shalt  }
0x69: {  	_ =	shalt  }
0x6a: {  	_ =	shalt  }
0x6b: {  	_ =	shalt  }
0x6c: {  	_ =	shalt  }
0x6d: {  	_ =	shalt  }
0x6e: {  	_ =	shalt  }
0x6f: {  	_ =	shalt  }
0x70: {  	_ =	shalt  }
0x71: {  	_ =	shalt  }
0x72: {  	_ =	shalt  }
0x73: {  	_ =	shalt  }
0x74: {  	_ =	shalt  }
0x75: {  	_ =	shalt  }
0x76: {  	_ =	shalt  }
0x77: {  	_ =	shalt  }
0x78: {  	_ =	shalt  }
0x79: {  	_ =	shalt  }
0x7a: {  	_ =	shalt  }
0x7b: {  	_ =	shalt  }
0x7c: {  	_ =	shalt  }
0x7d: {  	_ =	shalt  }
0x7e: {  	_ =	shalt  }
0x7f: {  	_ =	shalt  }
0x80: {  	_ =	shalt  }
0x81: {  	_ =	shalt  }
0x82: {  	_ =	shalt  }
0x83: {  	_ =	shalt  }
0x84: {  	_ =	shalt  }
0x85: {  	_ =	shalt  }
0x86: {  	_ =	shalt  }
0x87: {  	_ =	shalt  }
.Lfunc_end0:
.L_simem_size_0:
called_computation.2_lowered:
.L_overlay_start_0:
0x88: {  	s2 =	sld [smem:$0x3FD9]  }
0x89: {  	s3 =	sld [smem:$0x3FFE];
	_ =	sdelay $0x1  }
0x8a: {  	s1 =	srdreg.scid  }
0x8b: {  	s0 =	sand.u32 $0x1, s1  }
0x8c: {  	s16 =	sshll.u32 s0, $0xA;
	s2 =	sadd.s32 s3, s2  }
0x8d: {  	s2 =	sadd.s32 s2, s16  }
0x8e: {  	[smem:$0x3FBC] =	sst s2  }
0x8f: {  	_ = 	snop  }
0x90: {  	(tm) =	ssettm $0x1  }
0x91: {  	s17 =	sld [smem:$0x3FFB];
	_ =	sdelay $0x3  }
0x92: {  	_ =	strace s17  }
0x93: {  	s2 =	sld [smem:$0x3FFC];
	_ =	sdelay $0x3  }
0x94: {  	_ =	strace s2  }
0x95: {  	s2 =	sld [smem:$0x3FFD];
	_ =	sdelay $0x3  }
0x96: {  	_ =	strace s2  }
0x97: {  	_ =	strace $0x8FFFFFFF  }
0x98: {  	s18 =	sld [smem:$0x3FDB];
	_ =	sdelay $0x1  }
0x99: {  	s19 =	simm.s32 $_scs_section_size  }
0x9a: {  	s4 =	simm.s32 $_size__tile_overlayer_lowered;
	s5 =	simm.s32 $_tile_overlayer_lowered  }
0x9b: {  	s22 =	simm.s32 $0x1BFF;
	s21 =	sshll.u32 s5, $0x1;
	s2 =	sadd.s32 s19, s18  }
0x9c: {  	s6 =	simm.s32 $0x0;
	s20 =	sshll.u32 s4, $0x1;
	s4 =	sadd.s32 s21, s2  }
0x9d: {  	[timem:s6], [sflag:s22] =	dma.local [hbm:s4], s20  }
0x9e: {  	_ =	swait.ge [sflag:s22], s20  }
0x9f: {  	s3 =	ssub.s32 $0x0, s20;
	[sflag:s22] =	ssyncset.done $0x0  }
0xa0: {  	[sflag:s22] =	ssyncadd.s32 s3;
	_ =	sdelay $0x1  }
0xa1: {  	s23 =	simm.s32 $0x1B8B  }
0xa2: {  	_ =	swait.ge [sflag:s23], $0x1  }
0xa3: {  	[sflag:s23] =	ssyncset.done $0x0  }
0xa4: {  	s25 =	simm.s32 $0x1B8E;
	s24 =	sld [smem:$0x3FFE];
	[sflag:s23] =	ssyncadd.s32 $0xFFFFFFFF  }
0xa5: {  	s26 =	simm.s32 $execute0_lowered;
	[smem:$0x3FD2] =	sst s25  }
0xa6: {  	s4 =	sshll.u32 s26, $0x1;
	_ =	strace $0x80000049;
	[dreg:$0x1] =	wrdreg $0xFFFFFFFF  }
0xa7: {  	s28 =	simm.s32 $_size_execute0_lowered;
	s2 =	sadd.s32 s2, s4;
	[dreg:$0x0] =	wrdreg $0x0  }
0xa8: {  	s4 =	sshll.u32 s28, $0x1;
	[dreg:$0x2] =	wrdreg s2  }
0xa9: {  	[dreg:$0x3] =	wrdreg s4  }
0xaa: {  	[dreg:$0x4] =	wrdreg $0xC0  }
0xab: {  	_ =	task [dreg:s6], $0x5FFFF  }
0xac: {  	[dreg:$0x1] =	wrdreg $0xFFFFFFFF  }
0xad: {  	[dreg:$0x0] =	wrdreg $0x60  }
0xae: {  	[dreg:$0x2] =	wrdreg s24  }
0xaf: {  	[dreg:$0x3] =	wrdreg $0x98000  }
0xb0: {  	[dreg:$0x4] =	wrdreg $0xA  }
0xb1: {  	_ =	task.clear_ibuf [dreg:s6], $0x5FFFF;
	_ =	strace $0x90000049  }
0xb2: {  	s29 =	simm.s32 $0xA;
	_ =	strace $0x8000004B  }
0xb3: {  	_ =	swait.ge [sflag:s29], $0x1  }
0xb4: {  	[sflag:s29] =	ssyncadd.s32 $0xFFFFFFFF  }
0xb5: {  	_ =	strace $0x9000004B  }
0xb6: {  	_ =	sfence  }
0xb7: {  	s30 =	sld [smem:$0x0];
	_ =	sdelay $0x2  }
0xb8: {  	s31 =	sshll.u32 s1, $0xD;
	s1 =	sshrl.u32 s1, $0x2  }
0xb9: {  	s3 =	sand.u32 $0x4000, s31;
	s1 =	sadd.s32 s1, s30  }
0xba: {  	s0 =	sor.u32 s3, s0;
	s1 =	sshll.u32 s1, $0x11  }
0xbb: {  	s0 =	sor.u32 s1, s0  }
0xbc: {  	s0 =	sadd.s32 $0x8F2B, s0  }
0xbd: {  	[sflag:s0] =	ssyncadd.remote.s32 $0x1  }
0xbe: {  	_ =	sfence.sel $0xFFFF  }
0xbf: {  	[dreg:$0x0] =	wrdreg $0xFFFFFFFF;
	(pc) =	sbr.abs _section_cstart, $3  }
0xc0: {  	[dreg:$0x1] =	wrdreg $0xFFFFFFFF  }
0xc1: {  	_ =	task.clear_ibuf [dreg:s6], $0x2FFFF;
	_ =	strace $0x9FFFFFFF  }
0xc2: {  	(tm) =	ssettm $0x7FFFFFFF  }
0xc3: {  	_ =	shalt  }
tec
execute0_lowered:
.L_overlay_start_1:
0x0: {  	(tag) =	ssettag $0x1  }
0x1: {  	s5 =	rddreg [dreg:$0x0]  }
0x2: {  	s2 =	rddreg [dreg:$0x1];
	s3 =	srdreg.scid  }
0x3: {  	s0 =	rddreg [dreg:$0x2];
	s1 =	stileid.u32;
	s13 =	simm.s32 $0x64  }
0x4: {  	s14 =	simm.s32 $0x3400;
	s15 =	simm.s32 $0x80;
	s16 =	simm.s32 $0x6600  }
0x5: {  	s17 =	simm.s32 $0x1;
	s18 =	simm.s32 $0x1900;
	s20 =	simm.s32 $0x0  }
0x6: {  	s6 =	sand.u32 $0x1, s3;
	s3 =	simm.s32 $0x0;
	s7 =	smul.u32 $0x4F0, s1  }
0x7: {  	s30 =	smul.u32 $0x4F000, s1;
	s19 =	sshll.u32 s1, $0x6;
	s4 =	sshll.u32 s6, $0x4  }
0x8: {  	[smem:$0x7FF] =	sst s3;
	s9 =	smul.u32 $0x278, s6;
	s6 =	ssub.s32 $0x2, s6  }
0x9: {  	s8 =	sor.u32 s1, s4;
	_ =	strace $0x8000004A;
	s4 =	sadd.s32 $0x73800, s5  }
0xa: {  	s10 =	sshrl.u32 s6, $0x1;
	s31 =	sshrl.u32 s30, $0x2;
	s8 =	smul.u32 $0x680, s8  }
0xb: {  	s7 =	sadd.s32 s9, s7;
	s10 =	ssub.s32 s6, s10;
	s12 =	sadd.s32 s31, s2  }
0xc: {  	s6 =	sor.u32 $0x1C05, s19;
	s19 =	sor.u32 $0x1C06, s19;
	s7 =	sshll.u32 s7, $0x4  }
0xd: {  	s9 =	smax.u32 s10, $0x1;
	s10 =	sshrl.u32 s12, $0x3;
	s11 =	sadd.s32 s7, s5  }
0xe: {  	s12 =	simm.s32 $0x5;
	s8 =	sadd.s32 s8, s5;
	s5 =	sadd.s32 $0xC2800, s11  }
0xf: {  	s7 =	sadd.s32 $0x59800, s8;
	s8 =	sadd.s32 $0x111800, s11;
	s11 =	simm.s32 $0x6  }
.LBB2_1:
0x10: {  	[spmem:s10], [sflag:s6] =	dma.local [hbm:s5], $0x2780  }
0x11: {  	[tilespmem:s3], [sflag:$0x6] =	stream.linear.gather [hbm4b:s7+s3], $0x3200, $0x38;
	[tilespmem:$0x1D400] =	vst v63  }
0x12: {  	_ =	swait.ge [sflag:s11], $0x3200  }
0x13: {  	[sflag:s11] =	ssyncset.done $0x0  }
0x14: {  	[sflag:s11] =	ssyncadd.s32 $0xFFFFCE00  }
0x15: {  	_ =	swait.ge [sflag:s12], $0x2780  }
0x16: {  	[sflag:s12] =	ssyncset.done $0x0  }
0x17: {  	s23 =	simm.s32 $0x2;
	s21 =	simm.s32 $0x1980;
	[sflag:s12] =	ssyncadd.s32 $0xFFFFD880  }
0x18: {  	s22 =	simm.s32 $0x3;
	p0 =	por $0x0, $0x0;
	[bflag:$0x0] =	sbarrier.arrive $0xFFFF  }
0x19: {  	[tilespmem:s14], [sflag:$0x1] =	stream.indirect.gather [hbm4b:s4+s13], $0x80, s3, s13, $0xb8;
	[tilespmem:$0x1D400] =	vst v63  }
0x1a: {  	p1 =	por $0x0, $0x0;
	p2 =	por @!p0 $0x0, $0x0;
	s23 =	sand.u32 $0x1, s23  }
0x1b: {  	[tilespmem:s16], [sflag:$0x2] =	stream.indirect.gather [hbm4b:s4+s13], $0x80, s15, s13, $0xb8;
	[tilespmem:$0x1D400] =	vst v63  }
0x1c: {  	s26 =	simm.s32 @!p1 $0x100;
	s29 =	simm.s32 @!p1 $0x64;
	_ =	swait.ge [sflag:s17], $0x3200  }
0x1d: {  	p0 =	por p2, p0;
	s24 =	sadd.s32 $0x3, s23;
	[sflag:s17] =	ssyncset.done $0x0  }
0x1e: {  	s25 =	smul.u32 @!p1 $0xC800, s23;
	s28 =	sxor.u32 @!p0 $0x1, s23;
	[sflag:s17] =	ssyncadd.s32 $0xFFFFCE00  }
0x1f: {  	[spmem:s2] =	stream.indirect.scatter.add.f32 [tilespmem:s14], [sflag:$0x3], $0x80, s18, s13, $0xb8;
	[tilespmem:$0x1D400] =	vst v63  }
0x20: {  	s25 =	sshrl.u32 @!p1 s25, $0x2;
	s30 =	smul.u32 @!p0 $0xC800, s28;
	_ =	swait.ge [sflag:s24], $0x3200  }
0x21: {  	s23 =	sadd.s32 @!p1 $0x1, s23;
	s25 =	sadd.s32 @!p1 $0x3400, s25;
	[sflag:s24] =	ssyncset.done $0x0  }
0x22: {  	s30 =	sshrl.u32 @!p0 s30, $0x2;
	[sflag:s24] =	ssyncadd.s32 $0xFFFFCE00;
	s24 =	sadd.s32 @!p0 $0x1, s28  }
0x23: {  	[tilespmem:s25], [sflag:s23] =	stream.indirect.gather @!p1 [hbm4b:s4+s29], $0x80, s26, s29, $0xb8;
	[tilespmem:$0x1D400] =	vst v63  }
0x24: {  	s25 =	sadd.s32 @!p0 $0x3400, s30;
	s26 =	sadd.s32 @!p0 $0x3, s28;
	_ =	swait.ge @!p0 [sflag:s24], $0x3200  }
0x25: {  	s28 =	simm.s32 @!p0 $0x64;
	s23 =	simm.s32 $0x1980;
	[sflag:s24] =	ssyncset.done @!p0 $0x0  }
.LBB2_2:
0x26: {  	[sflag:s24] =	ssyncadd.s32 @!p0 $0xFFFFCE00  }
0x27: {  	s21 =	sadd.s32 $0x80, s21;
	s24 =	smov.u32 s22;
	s22 =	sadd.s32 $0x1, s22  }
0x28: {  	[spmem:s2] =	stream.indirect.scatter.add.f32 @!p0 [tilespmem:s25], [sflag:s26], $0x80, s23, s28, $0xb8;
	[tilespmem:$0x1D400] =	vst v63  }
0x29: {  	p0 =	seq.s32 s24, $0x0;
	p1 =	sne.s32 s22, $0x34;
	s23 =	smov.u32 s21  }
0x2a: {  	p3 =	seq.s32 @!p0 s24, $0x33  }
0x2b: {  	s25 =	sand.u32 $0x1, s24;
	p2 =	sgt.u32 s24, $0x31;
	p0 =	por p3, p0  }
0x2c: {  	s24 =	sadd.s32 $0x3, s25;
	s26 =	smul.u32 @!p2 $0xC800, s25;
	s28 =	sadd.s32 @!p2 $0xFFFFE780, s21  }
0x2d: {  	s30 =	simm.s32 @!p2 $0x64;
	s29 =	sxor.u32 @!p0 $0x1, s25;
	_ =	swait.ge [sflag:s24], $0x3200  }
0x2e: {  	s26 =	sshrl.u32 @!p2 s26, $0x2;
	s25 =	sadd.s32 @!p2 $0x1, s25;
	s31 =	smul.u32 @!p0 $0xC800, s29  }
.Ltmp0:
0x2f: {  	s26 =	sadd.s32 @!p2 $0x3400, s26;
	[sflag:s24] =	ssyncset.done $0x0;
	(pc) =	sbr.rel @p1 .LBB2_2-.Ltmp0, $4  }
0x30: {  	s31 =	sshrl.u32 @!p0 s31, $0x2;
	[sflag:s24] =	ssyncadd.s32 $0xFFFFCE00;
	s24 =	sadd.s32 @!p0 $0x1, s29  }
0x31: {  	[tilespmem:s26], [sflag:s25] =	stream.indirect.gather @!p2 [hbm4b:s4+s30], $0x80, s28, s30, $0xb8;
	[tilespmem:$0x1D400] =	vst v63  }
0x32: {  	s25 =	sadd.s32 @!p0 $0x3400, s31;
	s26 =	sadd.s32 @!p0 $0x3, s29;
	_ =	swait.ge @!p0 [sflag:s24], $0x3200  }
0x33: {  	s28 =	simm.s32 @!p0 $0x64;
	[sflag:s24] =	ssyncset.done @!p0 $0x0  }
0x34: {  	[sflag:s24] =	ssyncadd.s32 @!p0 $0xFFFFCE00;
	s20 =	sadd.s32 $0x1, s20  }
0x35: {  	[spmem:s2] =	stream.indirect.scatter.add.f32 @!p0 [tilespmem:s25], [sflag:s26], $0x80, s23, s28, $0xb8;
	[tilespmem:$0x1D400] =	vst v63  }
0x36: {  	p0 =	sne.s32 s20, s9  }
.Ltmp1:
0x37: {  	[bflag:$0x0] =	sbarrier.arrive $0xFFFF;
	(pc) =	sbr.rel @p0 .LBB2_1-.Ltmp1, $4  }
0x38: {  	[hbm:s8], [sflag:s19] =	dma.local [spmem:s10], $0x2780  }
0x39: {  	_ =	swait.ge [sflag:s11], $0x2780  }
0x3a: {  	[sflag:s11] =	ssyncset.done $0x0  }
0x3b: {  	[sflag:s11] =	ssyncadd.s32 $0xFFFFD880  }
0x3c: {  	_ =	sfence.sel $0x180000  }
0x3d: {  	[bflag:$0x0] =	sbarrier.arrive $0xFFFF  }
0x3e: {  	p0 =	sne.s32 s1, $0x0;
	_ =	strace $0x9000004A  }
0x3f: {  	s0 =	sadd.s32 @!p0 $0x100000, s0;
	[bflag:$0x2] =	sbarrier.arrive $0xFFFF  }
0x40: {  	[sflag:s0] =	ssyncadd.tile.s32 @!p0 $0x1;
	_ =	shalt  }
.Lfunc_end2:
_tile_overlayer_lowered:
.L_overlay_start_2:
0x41: {  	(tag) =	ssettag $0x2  }
0x42: {  	s0 =	rddreg [dreg:$0x0];
	s2 =	stileid.u32  }
0x43: {  	s1 =	rddreg [dreg:$0x1];
	p0 =	sne.s32 s2, $0x0  }
0x44: {  	s3 =	rddreg [dreg:$0x2];
	[bflag:$0x3] =	sbarrier.arrive $0xFFFF;
	s2 =	simm.s32 @!p0 $0x1C06  }
0x45: {  	[timem:s3], [sflag:s2] =	dma.local @!p0 [hbm:s0], s1  }
0x46: {  	s0 =	simm.s32 @!p0 $0x6  }
0x47: {  	_ =	swait.ge @!p0 [sflag:s0], s1  }
0x48: {  	s1 =	ssub.s32 @!p0 $0x0, s1;
	[sflag:s0] =	ssyncset.done @!p0 $0x0  }
0x49: {  	[sflag:s0] =	ssyncadd.s32 @!p0 s1  }
0x4a: {  	[bflag:$0x3] =	sbarrier.arrive $0xFFFF  }
0x4b: {  	_ =	shalt  }

// kernel: kernel.20.cloned.1.call-start
scs
__scs_entry_jumppad:
0x0: {  	(pc) =	sbr.rel $0x88, $3  }
0x1: {  	(tag) =	ssettag $0x0;
	lr =	simm.s32 $0x1  }
0x2: {  	[smem:$0x3F95] =	sst lr;
	_ =	strace $0xD0000000  }
0x3: {  	_ = 	snop  }
0x4: {  	_ = 	snop  }
0x5: {  	_ = 	snop  }
0x6: {  	_ = 	snop  }
0x7: {  	_ = 	snop  }
__scs_overlays_trampoline_lowered:
0x8: {  	[smem:$0x3FA4] =	sst s0  }
0x9: {  	[smem:$0x3FA5] =	sst s1  }
0xa: {  	[smem:$0x3FA6] =	sst s2  }
0xb: {  	[smem:$0x3FA7] =	sst s3  }
0xc: {  	[smem:$0x3FA8] =	sst s4  }
0xd: {  	[smem:$0x3FA9] =	sst s5  }
0xe: {  	[smem:$0x3FAA] =	sst s6  }
0xf: {  	[smem:$0x3FAB] =	sst s7  }
0x10: {  	[smem:$0x3FAC] =	sst s8  }
0x11: {  	[smem:$0x3FAD] =	sst s9;
	s0 =	simm.s32 @!p0 $0x0  }
0x12: {  	s1 =	sld [smem:$0x3F93];
	s0 =	simm.s32 @p0 $0x1  }
0x13: {  	[smem:$0x3FAE] =	sst s0;
	s0 =	simm.s32 @!p1 $0x0  }
0x14: {  	s2 =	sld [smem:$0x3F92];
	s0 =	simm.s32 @p1 $0x1  }
0x15: {  	[smem:$0x3FAF] =	sst s0;
	s0 =	simm.s32 @!p2 $0x0  }
0x16: {  	s3 =	sld [smem:$0x3FDB];
	s0 =	simm.s32 @p2 $0x1  }
0x17: {  	s4 =	simm.s32 $0x1BF5;
	[smem:$0x3FB1] =	sst s0  }
0x18: {  	s0 =	sld [smem:$0x3F94];
	_ =	swait.ge [sflag:s4], $0x0  }
0x19: {  	s7 =	sld [smem:$0x3F95]  }
0x1a: {  	s8 =	sadd.s32 $0xFFFFE003, lr  }
0x1b: {  	s9 =	sadd.s32 $0xFFFFFEF7, lr;
	s5 =	simm.s32 $0xFFFFFFFF;
	p2 =	slt.u32 s8, $0xFFFFF086  }
0x1c: {  	p1 =	slt.u32 s9, $0xF7A;
	s5 =	simm.s32 @!p2 $0x0  }
0x1d: {  	s5 =	simm.s32 @p1 $0x1;
	p0 =	seq.s32 s7, s2  }
0x1e: {  	s7 =	smul.u32 @!p0 $0xF7A, s2;
	p2 =	seq.s32 @!p0 s5, $0x0  }
0x1f: {  	s9 =	smul.u32 $0xF7A, s1;
	s8 =	simm.s32 @!p0 $0x1BF5;
	p2 =	por !p2, p0  }
0x20: {  	[sflag:s8] =	ssyncset.s32 @!p0 $0xFFFFF086;
	s6 =	sadd.s32 @!p0 s3, s7;
	s7 =	simm.s32 @!p0 $0x108  }
0x21: {  	s3 =	sadd.s32 s3, s9;
	s6 =	sadd.s32 @!p0 $0x88, s6;
	s7 =	simm.s32 @p2 $0x1082  }
0x22: {  	[simem:s7], [sflag:s8] =	dma.local @!p0 [hbm:s6], $0xF7A  }
0x23: {  	s9 =	sor.u32 $0xD0000000, s2;
	s6 =	simm.s32 $0x108;
	_ =	swait.ge @!p0 [sflag:s8], $0x0  }
0x24: {  	s3 =	sadd.s32 $0x88, s3;
	s6 =	simm.s32 @!p1 $0x1082;
	[sflag:s4] =	ssyncset.s32 $0xFFFFF086  }
0x25: {  	[simem:s6], [sflag:s4] =	dma.local [hbm:s3], $0xF7A  }
0x26: {  	[smem:$0x3F95] =	sst s1;
	(tag) =	ssettag s2;
	_ =	strace s9  }
0x27: {  	s1 =	sld [smem:$0x3FA5]  }
0x28: {  	s2 =	sld [smem:$0x3FA6]  }
0x29: {  	s4 =	sld [smem:$0x3FA8]  }
0x2a: {  	p0 =	seq.s32 s5, $0x0;
	s5 =	sld [smem:$0x3FA9]  }
0x2b: {  	s6 =	sld [smem:$0x3FAA]  }
0x2c: {  	s7 =	sld [smem:$0x3FAB]  }
0x2d: {  	s3 =	simm.s32 $0x108;
	s8 =	sld [smem:$0x3FAC]  }
0x2e: {  	s3 =	simm.s32 @!p0 $0x1082;
	s9 =	sld [smem:$0x3FAD]  }
0x2f: {  	lr =	sadd.s32 s0, s3;
	s0 =	sld [smem:$0x3FA4]  }
0x30: {  	s3 =	sld [smem:$0x3FA7]  }
0x31: {  	[smem:$0x3FB0] =	sst s10  }
0x32: {  	s10 =	sld [smem:$0x3FAE];
	_ =	sdelay $0x3  }
0x33: {  	p0 =	seq.s32 s10, $0x1;
	s10 =	sld [smem:$0x3FB0];
	_ =	sdelay $0x3  }
0x34: {  	[smem:$0x3FB0] =	sst s10  }
0x35: {  	s10 =	sld [smem:$0x3FAF];
	_ =	sdelay $0x3  }
0x36: {  	p1 =	seq.s32 s10, $0x1;
	s10 =	sld [smem:$0x3FB0];
	_ =	sdelay $0x3  }
0x37: {  	[smem:$0x3FB0] =	sst s10  }
0x38: {  	s10 =	sld [smem:$0x3FB1]  }
0x39: {  	_ = 	snop;
	(pc) =	sbr.ind lr, $3  }
0x3a: {  	_ = 	snop  }
0x3b: {  	_ = 	snop  }
0x3c: {  	p2 =	seq.s32 s10, $0x1;
	s10 =	sld [smem:$0x3FB0]  }
0x3d: {  	_ =	shalt  }
0x3e: {  	_ =	shalt  }
0x3f: {  	_ =	shalt  }
0x40: {  	_ =	shalt  }
0x41: {  	_ =	shalt  }
0x42: {  	_ =	shalt  }
0x43: {  	_ =	shalt  }
0x44: {  	_ =	shalt  }
0x45: {  	_ =	shalt  }
0x46: {  	_ =	shalt  }
0x47: {  	_ =	shalt  }
0x48: {  	_ =	shalt  }
0x49: {  	_ =	shalt  }
0x4a: {  	_ =	shalt  }
0x4b: {  	_ =	shalt  }
0x4c: {  	_ =	shalt  }
0x4d: {  	_ =	shalt  }
0x4e: {  	_ =	shalt  }
0x4f: {  	_ =	shalt  }
0x50: {  	_ =	shalt  }
0x51: {  	_ =	shalt  }
0x52: {  	_ =	shalt  }
0x53: {  	_ =	shalt  }
0x54: {  	_ =	shalt  }
0x55: {  	_ =	shalt  }
0x56: {  	_ =	shalt  }
0x57: {  	_ =	shalt  }
0x58: {  	_ =	shalt  }
0x59: {  	_ =	shalt  }
0x5a: {  	_ =	shalt  }
0x5b: {  	_ =	shalt  }
0x5c: {  	_ =	shalt  }
0x5d: {  	_ =	shalt  }
0x5e: {  	_ =	shalt  }
0x5f: {  	_ =	shalt  }
0x60: {  	_ =	shalt  }
0x61: {  	_ =	shalt  }
0x62: {  	_ =	shalt  }
0x63: {  	_ =	shalt  }
0x64: {  	_ =	shalt  }
0x65: {  	_ =	shalt  }
0x66: {  	_ =	shalt  }
0x67: {  	_ =	shalt  }
0x68: {  	_ =	shalt  }
0x69: {  	_ =	shalt  }
0x6a: {  	_ =	shalt  }
0x6b: {  	_ =	shalt  }
0x6c: {  	_ =	shalt  }
0x6d: {  	_ =	shalt  }
0x6e: {  	_ =	shalt  }
0x6f: {  	_ =	shalt  }
0x70: {  	_ =	shalt  }
0x71: {  	_ =	shalt  }
0x72: {  	_ =	shalt  }
0x73: {  	_ =	shalt  }
0x74: {  	_ =	shalt  }
0x75: {  	_ =	shalt  }
0x76: {  	_ =	shalt  }
0x77: {  	_ =	shalt  }
0x78: {  	_ =	shalt  }
0x79: {  	_ =	shalt  }
0x7a: {  	_ =	shalt  }
0x7b: {  	_ =	shalt  }
0x7c: {  	_ =	shalt  }
0x7d: {  	_ =	shalt  }
0x7e: {  	_ =	shalt  }
0x7f: {  	_ =	shalt  }
0x80: {  	_ =	shalt  }
0x81: {  	_ =	shalt  }
0x82: {  	_ =	shalt  }
0x83: {  	_ =	shalt  }
0x84: {  	_ =	shalt  }
0x85: {  	_ =	shalt  }
0x86: {  	_ =	shalt  }
0x87: {  	_ =	shalt  }
.Lfunc_end0:
.L_simem_size_0:
called_computation.3_lowered:
.L_overlay_start_0:
0x88: {  	s2 =	sld [smem:$0x3FD9]  }
0x89: {  	s3 =	sld [smem:$0x3FFE];
	_ =	sdelay $0x1  }
0x8a: {  	s1 =	srdreg.scid  }
0x8b: {  	s0 =	sand.u32 $0x1, s1  }
0x8c: {  	s17 =	sshll.u32 s0, $0xA;
	s2 =	sadd.s32 s3, s2  }
0x8d: {  	s2 =	sadd.s32 s2, s17  }
0x8e: {  	[smem:$0x3FBC] =	sst s2  }
0x8f: {  	_ = 	snop  }
0x90: {  	(tm) =	ssettm $0x1  }
0x91: {  	s18 =	sld [smem:$0x3FFB];
	_ =	sdelay $0x3  }
0x92: {  	_ =	strace s18  }
0x93: {  	s2 =	sld [smem:$0x3FFC];
	_ =	sdelay $0x3  }
0x94: {  	_ =	strace s2  }
0x95: {  	s2 =	sld [smem:$0x3FFD];
	_ =	sdelay $0x3  }
0x96: {  	_ =	strace s2  }
0x97: {  	_ =	strace $0x8FFFFFFF  }
0x98: {  	s19 =	sld [smem:$0x3FDB];
	_ =	sdelay $0x1  }
0x99: {  	s20 =	simm.s32 $_scs_section_size  }
0x9a: {  	s4 =	simm.s32 $_size__tile_overlayer_lowered;
	s5 =	simm.s32 $_tile_overlayer_lowered  }
0x9b: {  	s6 =	simm.s32 $0x1BFF;
	s21 =	sshll.u32 s5, $0x1;
	s3 =	sadd.s32 s20, s19  }
0x9c: {  	s22 =	simm.s32 $0x0;
	s4 =	sshll.u32 s4, $0x1;
	s5 =	sadd.s32 s21, s3  }
0x9d: {  	[timem:s22], [sflag:s6] =	dma.local [hbm:s5], s4  }
0x9e: {  	_ =	swait.ge [sflag:s6], s4  }
0x9f: {  	s4 =	ssub.s32 $0x0, s4;
	[sflag:s6] =	ssyncset.done $0x0  }
0xa0: {  	[sflag:s6] =	ssyncadd.s32 s4;
	_ =	sdelay $0x1  }
0xa1: {  	s23 =	simm.s32 $0x1B8B  }
0xa2: {  	_ =	swait.ge [sflag:s23], $0x1  }
0xa3: {  	[sflag:s23] =	ssyncset.done $0x0  }
0xa4: {  	[sflag:s23] =	ssyncadd.s32 $0xFFFFFFFF  }
0xa5: {  	s4 =	sld [smem:$0x0]  }
0xa6: {  	s5 =	sand.u32 $0xFFFFFFFE, s1  }
0xa7: {  	p0 =	sne.s32 s1, s5  }
0xa8: {  	s5 =	sshll.u32 @p0 s5, $0xE  }
0xa9: {  	s5 =	sadd.s32 @p0 $0x11B8D, s5;
	s6 =	sshll.u32 @p0 s4, $0x11  }
0xaa: {  	s5 =	sor.u32 @p0 s6, s5  }
0xab: {  	[sflag:s5] =	ssyncadd.remote.s32 @p0 $0x1;
	_ =	sdelay $0x1  }
0xac: {  	s5 =	simm.s32 @p0 $0x1B8D  }
0xad: {  	_ =	swait.eq @p0 [sflag:s5], $0x1  }
0xae: {  	[sflag:s5] =	ssyncadd.s32 @p0 $0xFFFFFFFF  }
0xaf: {  	s6 =	sshll.u32 @!p0 s1, $0xE  }
0xb0: {  	s6 =	sor.u32 @!p0 $0x4000, s6;
	s5 =	simm.s32 @!p0 $0x1B8D  }
0xb1: {  	s4 =	sshll.u32 @!p0 s4, $0x11;
	s6 =	sadd.s32 @!p0 $0x11B8D, s6;
	_ =	swait.eq @!p0 [sflag:s5], $0x1  }
0xb2: {  	s4 =	sor.u32 @!p0 s4, s6;
	[sflag:s5] =	ssyncadd.s32 @!p0 $0xFFFFFFFF  }
0xb3: {  	s25 =	simm.s32 $0x1B8E;
	s24 =	sld [smem:$0x3FFE];
	[sflag:s4] =	ssyncadd.remote.s32 @!p0 $0x1  }
0xb4: {  	s26 =	simm.s32 $execute0_lowered;
	[smem:$0x3FD2] =	sst s25  }
0xb5: {  	s5 =	sshll.u32 s26, $0x1;
	_ =	strace $0x80000052;
	[dreg:$0x1] =	wrdreg $0xFFFFFFFF  }
0xb6: {  	s28 =	simm.s32 $_size_execute0_lowered;
	s3 =	sadd.s32 s3, s5;
	[dreg:$0x0] =	wrdreg $0x0  }
0xb7: {  	s5 =	sshll.u32 s28, $0x1;
	[dreg:$0x2] =	wrdreg s3  }
0xb8: {  	[dreg:$0x3] =	wrdreg s5  }
0xb9: {  	[dreg:$0x4] =	wrdreg $0xC0  }
0xba: {  	_ =	task [dreg:s22], $0x5FFFF  }
0xbb: {  	[dreg:$0x1] =	wrdreg $0xFFFFFFFF  }
0xbc: {  	[dreg:$0x0] =	wrdreg $0x60  }
0xbd: {  	[dreg:$0x2] =	wrdreg s24  }
0xbe: {  	[dreg:$0x3] =	wrdreg $0x98000  }
0xbf: {  	[dreg:$0x4] =	wrdreg $0x9  }
0xc0: {  	_ =	task.clear_ibuf [dreg:s22], $0x5FFFF;
	_ =	strace $0x90000052  }
0xc1: {  	s29 =	simm.s32 $0x9;
	_ =	strace $0x80000054  }
0xc2: {  	_ =	swait.ge [sflag:s29], $0x1  }
0xc3: {  	[sflag:s29] =	ssyncadd.s32 $0xFFFFFFFF  }
0xc4: {  	_ =	strace $0x90000054  }
0xc5: {  	_ =	sfence  }
0xc6: {  	s30 =	sld [smem:$0x0];
	_ =	sdelay $0x2  }
0xc7: {  	s31 =	sshll.u32 s1, $0xD;
	s1 =	sshrl.u32 s1, $0x2  }
0xc8: {  	s4 =	sand.u32 $0x4000, s31;
	s1 =	sadd.s32 s1, s30  }
0xc9: {  	s0 =	sor.u32 s4, s0;
	s1 =	sshll.u32 s1, $0x11  }
0xca: {  	s0 =	sor.u32 s1, s0  }
0xcb: {  	s0 =	sadd.s32 $0x8F2B, s0  }
0xcc: {  	[sflag:s0] =	ssyncadd.remote.s32 $0x1  }
0xcd: {  	_ =	sfence.sel $0xFFFF  }
0xce: {  	[dreg:$0x0] =	wrdreg $0xFFFFFFFF;
	(pc) =	sbr.abs _section_cstart, $3  }
0xcf: {  	[dreg:$0x1] =	wrdreg $0xFFFFFFFF  }
0xd0: {  	_ =	task.clear_ibuf [dreg:s22], $0x2FFFF;
	_ =	strace $0x9FFFFFFF  }
0xd1: {  	(tm) =	ssettm $0x7FFFFFFF  }
tec
execute0_lowered:
.L_overlay_start_1:
0x0: {  	(tag) =	ssettag $0x1  }
0x1: {  	s5 =	rddreg [dreg:$0x0]  }
0x2: {  	s2 =	rddreg [dreg:$0x1];
	s3 =	srdreg.scid  }
0x3: {  	s0 =	rddreg [dreg:$0x2];
	s1 =	stileid.u32;
	s13 =	simm.s32 $0x64  }
0x4: {  	s14 =	simm.s32 $0x3400;
	s15 =	simm.s32 $0x80;
	s16 =	simm.s32 $0x6600  }
0x5: {  	s17 =	simm.s32 $0x1;
	s18 =	simm.s32 $0x1900;
	s20 =	simm.s32 $0x0  }
0x6: {  	s6 =	sand.u32 $0x1, s3;
	s3 =	simm.s32 $0x0;
	s7 =	smul.u32 $0x4F0, s1  }
0x7: {  	s30 =	smul.u32 $0x4F000, s1;
	s19 =	sshll.u32 s1, $0x6;
	s4 =	sshll.u32 s6, $0x4  }
0x8: {  	[smem:$0x7FF] =	sst s3;
	s9 =	smul.u32 $0x278, s6;
	s6 =	ssub.s32 $0x2, s6  }
0x9: {  	s8 =	sor.u32 s1, s4;
	_ =	strace $0x80000053;
	s4 =	sadd.s32 $0x73800, s5  }
0xa: {  	s10 =	sshrl.u32 s6, $0x1;
	s31 =	sshrl.u32 s30, $0x2;
	s8 =	smul.u32 $0x680, s8  }
0xb: {  	s7 =	sadd.s32 s9, s7;
	s10 =	ssub.s32 s6, s10;
	s12 =	sadd.s32 s31, s2  }
0xc: {  	s6 =	sor.u32 $0x1C05, s19;
	s19 =	sor.u32 $0x1C06, s19;
	s7 =	sshll.u32 s7, $0x4  }
0xd: {  	s9 =	smax.u32 s10, $0x1;
	s10 =	sshrl.u32 s12, $0x3;
	s12 =	simm.s32 $0x5  }
0xe: {  	s8 =	sadd.s32 s8, s5;
	s11 =	sadd.s32 s7, s5;
	s5 =	sadd.s32 s4, s7  }
0xf: {  	s7 =	sadd.s32 $0x66800, s8;
	s8 =	sadd.s32 $0x160800, s11;
	s11 =	simm.s32 $0x6  }
.LBB2_1:
0x10: {  	[spmem:s10], [sflag:s6] =	dma.local [hbm:s5], $0x2780  }
0x11: {  	[tilespmem:s3], [sflag:$0x6] =	stream.linear.gather [hbm4b:s7+s3], $0x3200, $0x38;
	[tilespmem:$0x1D400] =	vst v63  }
0x12: {  	_ =	swait.ge [sflag:s11], $0x3200  }
0x13: {  	[sflag:s11] =	ssyncset.done $0x0  }
0x14: {  	[sflag:s11] =	ssyncadd.s32 $0xFFFFCE00  }
0x15: {  	_ =	swait.ge [sflag:s12], $0x2780  }
0x16: {  	[sflag:s12] =	ssyncset.done $0x0  }
0x17: {  	s23 =	simm.s32 $0x2;
	s21 =	simm.s32 $0x1980;
	[sflag:s12] =	ssyncadd.s32 $0xFFFFD880  }
0x18: {  	s22 =	simm.s32 $0x3;
	p0 =	por $0x0, $0x0;
	[bflag:$0x0] =	sbarrier.arrive $0xFFFF  }
0x19: {  	[tilespmem:s14], [sflag:$0x1] =	stream.indirect.gather [hbm4b:s4+s13], $0x80, s3, s13, $0xb8;
	[tilespmem:$0x1D400] =	vst v63  }
0x1a: {  	p1 =	por $0x0, $0x0;
	p2 =	por @!p0 $0x0, $0x0;
	s23 =	sand.u32 $0x1, s23  }
0x1b: {  	[tilespmem:s16], [sflag:$0x2] =	stream.indirect.gather [hbm4b:s4+s13], $0x80, s15, s13, $0xb8;
	[tilespmem:$0x1D400] =	vst v63  }
0x1c: {  	s26 =	simm.s32 @!p1 $0x100;
	s29 =	simm.s32 @!p1 $0x64;
	_ =	swait.ge [sflag:s17], $0x3200  }
0x1d: {  	p0 =	por p2, p0;
	s24 =	sadd.s32 $0x3, s23;
	[sflag:s17] =	ssyncset.done $0x0  }
0x1e: {  	s25 =	smul.u32 @!p1 $0xC800, s23;
	s28 =	sxor.u32 @!p0 $0x1, s23;
	[sflag:s17] =	ssyncadd.s32 $0xFFFFCE00  }
0x1f: {  	[spmem:s2] =	stream.indirect.scatter.add.f32 [tilespmem:s14], [sflag:$0x3], $0x80, s18, s13, $0xb8;
	[tilespmem:$0x1D400] =	vst v63  }
0x20: {  	s25 =	sshrl.u32 @!p1 s25, $0x2;
	s30 =	smul.u32 @!p0 $0xC800, s28;
	_ =	swait.ge [sflag:s24], $0x3200  }
0x21: {  	s23 =	sadd.s32 @!p1 $0x1, s23;
	s25 =	sadd.s32 @!p1 $0x3400, s25;
	[sflag:s24] =	ssyncset.done $0x0  }
0x22: {  	s30 =	sshrl.u32 @!p0 s30, $0x2;
	[sflag:s24] =	ssyncadd.s32 $0xFFFFCE00;
	s24 =	sadd.s32 @!p0 $0x1, s28  }
0x23: {  	[tilespmem:s25], [sflag:s23] =	stream.indirect.gather @!p1 [hbm4b:s4+s29], $0x80, s26, s29, $0xb8;
	[tilespmem:$0x1D400] =	vst v63  }
0x24: {  	s25 =	sadd.s32 @!p0 $0x3400, s30;
	s26 =	sadd.s32 @!p0 $0x3, s28;
	_ =	swait.ge @!p0 [sflag:s24], $0x3200  }
0x25: {  	s28 =	simm.s32 @!p0 $0x64;
	s23 =	simm.s32 $0x1980;
	[sflag:s24] =	ssyncset.done @!p0 $0x0  }
.LBB2_2:
0x26: {  	[sflag:s24] =	ssyncadd.s32 @!p0 $0xFFFFCE00  }
0x27: {  	s21 =	sadd.s32 $0x80, s21;
	s24 =	smov.u32 s22;
	s22 =	sadd.s32 $0x1, s22  }
0x28: {  	[spmem:s2] =	stream.indirect.scatter.add.f32 @!p0 [tilespmem:s25], [sflag:s26], $0x80, s23, s28, $0xb8;
	[tilespmem:$0x1D400] =	vst v63  }
0x29: {  	p0 =	seq.s32 s24, $0x0;
	p1 =	sne.s32 s22, $0x34;
	s23 =	smov.u32 s21  }
0x2a: {  	p3 =	seq.s32 @!p0 s24, $0x33  }
0x2b: {  	s25 =	sand.u32 $0x1, s24;
	p2 =	sgt.u32 s24, $0x31;
	p0 =	por p3, p0  }
0x2c: {  	s24 =	sadd.s32 $0x3, s25;
	s26 =	smul.u32 @!p2 $0xC800, s25;
	s28 =	sadd.s32 @!p2 $0xFFFFE780, s21  }
0x2d: {  	s30 =	simm.s32 @!p2 $0x64;
	s29 =	sxor.u32 @!p0 $0x1, s25;
	_ =	swait.ge [sflag:s24], $0x3200  }
0x2e: {  	s26 =	sshrl.u32 @!p2 s26, $0x2;
	s25 =	sadd.s32 @!p2 $0x1, s25;
	s31 =	smul.u32 @!p0 $0xC800, s29  }
.Ltmp0:
0x2f: {  	s26 =	sadd.s32 @!p2 $0x3400, s26;
	[sflag:s24] =	ssyncset.done $0x0;
	(pc) =	sbr.rel @p1 .LBB2_2-.Ltmp0, $4  }
0x30: {  	s31 =	sshrl.u32 @!p0 s31, $0x2;
	[sflag:s24] =	ssyncadd.s32 $0xFFFFCE00;
	s24 =	sadd.s32 @!p0 $0x1, s29  }
0x31: {  	[tilespmem:s26], [sflag:s25] =	stream.indirect.gather @!p2 [hbm4b:s4+s30], $0x80, s28, s30, $0xb8;
	[tilespmem:$0x1D400] =	vst v63  }
0x32: {  	s25 =	sadd.s32 @!p0 $0x3400, s31;
	s26 =	sadd.s32 @!p0 $0x3, s29;
	_ =	swait.ge @!p0 [sflag:s24], $0x3200  }
0x33: {  	s28 =	simm.s32 @!p0 $0x64;
	[sflag:s24] =	ssyncset.done @!p0 $0x0  }
0x34: {  	[sflag:s24] =	ssyncadd.s32 @!p0 $0xFFFFCE00;
	s20 =	sadd.s32 $0x1, s20  }
0x35: {  	[spmem:s2] =	stream.indirect.scatter.add.f32 @!p0 [tilespmem:s25], [sflag:s26], $0x80, s23, s28, $0xb8;
	[tilespmem:$0x1D400] =	vst v63  }
0x36: {  	p0 =	sne.s32 s20, s9  }
.Ltmp1:
0x37: {  	[bflag:$0x0] =	sbarrier.arrive $0xFFFF;
	(pc) =	sbr.rel @p0 .LBB2_1-.Ltmp1, $4  }
0x38: {  	[hbm:s8], [sflag:s19] =	dma.local [spmem:s10], $0x2780  }
0x39: {  	_ =	swait.ge [sflag:s11], $0x2780  }
0x3a: {  	[sflag:s11] =	ssyncset.done $0x0  }
0x3b: {  	[sflag:s11] =	ssyncadd.s32 $0xFFFFD880  }
0x3c: {  	_ =	sfence.sel $0x180000  }
0x3d: {  	[bflag:$0x0] =	sbarrier.arrive $0xFFFF  }
0x3e: {  	p0 =	sne.s32 s1, $0x0;
	_ =	strace $0x90000053  }
0x3f: {  	s0 =	sadd.s32 @!p0 $0x100000, s0;
	[bflag:$0x2] =	sbarrier.arrive $0xFFFF  }
0x40: {  	[sflag:s0] =	ssyncadd.tile.s32 @!p0 $0x1;
	_ =	shalt  }
.Lfunc_end2:
_tile_overlayer_lowered:
.L_overlay_start_2:
0x41: {  	(tag) =	ssettag $0x2  }
0x42: {  	s0 =	rddreg [dreg:$0x0];
	s2 =	stileid.u32  }
0x43: {  	s1 =	rddreg [dreg:$0x1];
	p0 =	sne.s32 s2, $0x0  }
0x44: {  	s3 =	rddreg [dreg:$0x2];
	[bflag:$0x3] =	sbarrier.arrive $0xFFFF;
	s2 =	simm.s32 @!p0 $0x1C06  }
0x45: {  	[timem:s3], [sflag:s2] =	dma.local @!p0 [hbm:s0], s1  }
0x46: {  	s0 =	simm.s32 @!p0 $0x6  }
0x47: {  	_ =	swait.ge @!p0 [sflag:s0], s1  }
0x48: {  	s1 =	ssub.s32 @!p0 $0x0, s1;
	[sflag:s0] =	ssyncset.done @!p0 $0x0  }
0x49: {  	[sflag:s0] =	ssyncadd.s32 @!p0 s1  }
0x4a: {  	[bflag:$0x3] =	sbarrier.arrive $0xFFFF  }
0x4b: {  	_ =	shalt  }

// kernel: kernel.23.cloned.1.call-start
scs
__scs_entry_jumppad:
0x0: {  	(pc) =	sbr.rel $0x88, $3  }
0x1: {  	(tag) =	ssettag $0x0;
	lr =	simm.s32 $0x1  }
0x2: {  	[smem:$0x3F95] =	sst lr;
	_ =	strace $0xD0000000  }
0x3: {  	_ = 	snop  }
0x4: {  	_ = 	snop  }
0x5: {  	_ = 	snop  }
0x6: {  	_ = 	snop  }
0x7: {  	_ = 	snop  }
__scs_overlays_trampoline_lowered:
0x8: {  	[smem:$0x3FA4] =	sst s0  }
0x9: {  	[smem:$0x3FA5] =	sst s1  }
0xa: {  	[smem:$0x3FA6] =	sst s2  }
0xb: {  	[smem:$0x3FA7] =	sst s3  }
0xc: {  	[smem:$0x3FA8] =	sst s4  }
0xd: {  	[smem:$0x3FA9] =	sst s5  }
0xe: {  	[smem:$0x3FAA] =	sst s6  }
0xf: {  	[smem:$0x3FAB] =	sst s7  }
0x10: {  	[smem:$0x3FAC] =	sst s8  }
0x11: {  	[smem:$0x3FAD] =	sst s9;
	s0 =	simm.s32 @!p0 $0x0  }
0x12: {  	s1 =	sld [smem:$0x3F93];
	s0 =	simm.s32 @p0 $0x1  }
0x13: {  	[smem:$0x3FAE] =	sst s0;
	s0 =	simm.s32 @!p1 $0x0  }
0x14: {  	s2 =	sld [smem:$0x3F92];
	s0 =	simm.s32 @p1 $0x1  }
0x15: {  	[smem:$0x3FAF] =	sst s0;
	s0 =	simm.s32 @!p2 $0x0  }
0x16: {  	s3 =	sld [smem:$0x3FDB];
	s0 =	simm.s32 @p2 $0x1  }
0x17: {  	s4 =	simm.s32 $0x1BF5;
	[smem:$0x3FB1] =	sst s0  }
0x18: {  	s0 =	sld [smem:$0x3F94];
	_ =	swait.ge [sflag:s4], $0x0  }
0x19: {  	s7 =	sld [smem:$0x3F95]  }
0x1a: {  	s8 =	sadd.s32 $0xFFFFE003, lr  }
0x1b: {  	s9 =	sadd.s32 $0xFFFFFEF7, lr;
	s5 =	simm.s32 $0xFFFFFFFF;
	p2 =	slt.u32 s8, $0xFFFFF086  }
0x1c: {  	p1 =	slt.u32 s9, $0xF7A;
	s5 =	simm.s32 @!p2 $0x0  }
0x1d: {  	s5 =	simm.s32 @p1 $0x1;
	p0 =	seq.s32 s7, s2  }
0x1e: {  	s7 =	smul.u32 @!p0 $0xF7A, s2;
	p2 =	seq.s32 @!p0 s5, $0x0  }
0x1f: {  	s9 =	smul.u32 $0xF7A, s1;
	s8 =	simm.s32 @!p0 $0x1BF5;
	p2 =	por !p2, p0  }
0x20: {  	[sflag:s8] =	ssyncset.s32 @!p0 $0xFFFFF086;
	s6 =	sadd.s32 @!p0 s3, s7;
	s7 =	simm.s32 @!p0 $0x108  }
0x21: {  	s3 =	sadd.s32 s3, s9;
	s6 =	sadd.s32 @!p0 $0x88, s6;
	s7 =	simm.s32 @p2 $0x1082  }
0x22: {  	[simem:s7], [sflag:s8] =	dma.local @!p0 [hbm:s6], $0xF7A  }
0x23: {  	s9 =	sor.u32 $0xD0000000, s2;
	s6 =	simm.s32 $0x108;
	_ =	swait.ge @!p0 [sflag:s8], $0x0  }
0x24: {  	s3 =	sadd.s32 $0x88, s3;
	s6 =	simm.s32 @!p1 $0x1082;
	[sflag:s4] =	ssyncset.s32 $0xFFFFF086  }
0x25: {  	[simem:s6], [sflag:s4] =	dma.local [hbm:s3], $0xF7A  }
0x26: {  	[smem:$0x3F95] =	sst s1;
	(tag) =	ssettag s2;
	_ =	strace s9  }
0x27: {  	s1 =	sld [smem:$0x3FA5]  }
0x28: {  	s2 =	sld [smem:$0x3FA6]  }
0x29: {  	s4 =	sld [smem:$0x3FA8]  }
0x2a: {  	p0 =	seq.s32 s5, $0x0;
	s5 =	sld [smem:$0x3FA9]  }
0x2b: {  	s6 =	sld [smem:$0x3FAA]  }
0x2c: {  	s7 =	sld [smem:$0x3FAB]  }
0x2d: {  	s3 =	simm.s32 $0x108;
	s8 =	sld [smem:$0x3FAC]  }
0x2e: {  	s3 =	simm.s32 @!p0 $0x1082;
	s9 =	sld [smem:$0x3FAD]  }
0x2f: {  	lr =	sadd.s32 s0, s3;
	s0 =	sld [smem:$0x3FA4]  }
0x30: {  	s3 =	sld [smem:$0x3FA7]  }
0x31: {  	[smem:$0x3FB0] =	sst s10  }
0x32: {  	s10 =	sld [smem:$0x3FAE];
	_ =	sdelay $0x3  }
0x33: {  	p0 =	seq.s32 s10, $0x1;
	s10 =	sld [smem:$0x3FB0];
	_ =	sdelay $0x3  }
0x34: {  	[smem:$0x3FB0] =	sst s10  }
0x35: {  	s10 =	sld [smem:$0x3FAF];
	_ =	sdelay $0x3  }
0x36: {  	p1 =	seq.s32 s10, $0x1;
	s10 =	sld [smem:$0x3FB0];
	_ =	sdelay $0x3  }
0x37: {  	[smem:$0x3FB0] =	sst s10  }
0x38: {  	s10 =	sld [smem:$0x3FB1]  }
0x39: {  	_ = 	snop;
	(pc) =	sbr.ind lr, $3  }
0x3a: {  	_ = 	snop  }
0x3b: {  	_ = 	snop  }
0x3c: {  	p2 =	seq.s32 s10, $0x1;
	s10 =	sld [smem:$0x3FB0]  }
0x3d: {  	_ =	shalt  }
0x3e: {  	_ =	shalt  }
0x3f: {  	_ =	shalt  }
0x40: {  	_ =	shalt  }
0x41: {  	_ =	shalt  }
0x42: {  	_ =	shalt  }
0x43: {  	_ =	shalt  }
0x44: {  	_ =	shalt  }
0x45: {  	_ =	shalt  }
0x46: {  	_ =	shalt  }
0x47: {  	_ =	shalt  }
0x48: {  	_ =	shalt  }
0x49: {  	_ =	shalt  }
0x4a: {  	_ =	shalt  }
0x4b: {  	_ =	shalt  }
0x4c: {  	_ =	shalt  }
0x4d: {  	_ =	shalt  }
0x4e: {  	_ =	shalt  }
0x4f: {  	_ =	shalt  }
0x50: {  	_ =	shalt  }
0x51: {  	_ =	shalt  }
0x52: {  	_ =	shalt  }
0x53: {  	_ =	shalt  }
0x54: {  	_ =	shalt  }
0x55: {  	_ =	shalt  }
0x56: {  	_ =	shalt  }
0x57: {  	_ =	shalt  }
0x58: {  	_ =	shalt  }
0x59: {  	_ =	shalt  }
0x5a: {  	_ =	shalt  }
0x5b: {  	_ =	shalt  }
0x5c: {  	_ =	shalt  }
0x5d: {  	_ =	shalt  }
0x5e: {  	_ =	shalt  }
0x5f: {  	_ =	shalt  }
0x60: {  	_ =	shalt  }
0x61: {  	_ =	shalt  }
0x62: {  	_ =	shalt  }
0x63: {  	_ =	shalt  }
0x64: {  	_ =	shalt  }
0x65: {  	_ =	shalt  }
0x66: {  	_ =	shalt  }
0x67: {  	_ =	shalt  }
0x68: {  	_ =	shalt  }
0x69: {  	_ =	shalt  }
0x6a: {  	_ =	shalt  }
0x6b: {  	_ =	shalt  }
0x6c: {  	_ =	shalt  }
0x6d: {  	_ =	shalt  }
0x6e: {  	_ =	shalt  }
0x6f: {  	_ =	shalt  }
0x70: {  	_ =	shalt  }
0x71: {  	_ =	shalt  }
0x72: {  	_ =	shalt  }
0x73: {  	_ =	shalt  }
0x74: {  	_ =	shalt  }
0x75: {  	_ =	shalt  }
0x76: {  	_ =	shalt  }
0x77: {  	_ =	shalt  }
0x78: {  	_ =	shalt  }
0x79: {  	_ =	shalt  }
0x7a: {  	_ =	shalt  }
0x7b: {  	_ =	shalt  }
0x7c: {  	_ =	shalt  }
0x7d: {  	_ =	shalt  }
0x7e: {  	_ =	shalt  }
0x7f: {  	_ =	shalt  }
0x80: {  	_ =	shalt  }
0x81: {  	_ =	shalt  }
0x82: {  	_ =	shalt  }
0x83: {  	_ =	shalt  }
0x84: {  	_ =	shalt  }
0x85: {  	_ =	shalt  }
0x86: {  	_ =	shalt  }
0x87: {  	_ =	shalt  }
.Lfunc_end0:
.L_simem_size_0:
called_computation.4_lowered:
.L_overlay_start_0:
0x88: {  	s2 =	sld [smem:$0x3FD9]  }
0x89: {  	s3 =	sld [smem:$0x3FFE];
	_ =	sdelay $0x1  }
0x8a: {  	s1 =	srdreg.scid  }
0x8b: {  	s0 =	sand.u32 $0x1, s1  }
0x8c: {  	s16 =	sshll.u32 s0, $0xA;
	s2 =	sadd.s32 s3, s2  }
0x8d: {  	s2 =	sadd.s32 s2, s16  }
0x8e: {  	[smem:$0x3FBC] =	sst s2  }
0x8f: {  	_ = 	snop  }
0x90: {  	(tm) =	ssettm $0x1  }
0x91: {  	s17 =	sld [smem:$0x3FFB];
	_ =	sdelay $0x3  }
0x92: {  	_ =	strace s17  }
0x93: {  	s2 =	sld [smem:$0x3FFC];
	_ =	sdelay $0x3  }
0x94: {  	_ =	strace s2  }
0x95: {  	s2 =	sld [smem:$0x3FFD];
	_ =	sdelay $0x3  }
0x96: {  	_ =	strace s2  }
0x97: {  	_ =	strace $0x8FFFFFFF  }
0x98: {  	s18 =	sld [smem:$0x3FDB];
	_ =	sdelay $0x1  }
0x99: {  	s19 =	simm.s32 $_scs_section_size  }
0x9a: {  	s4 =	simm.s32 $_size__tile_overlayer_lowered;
	s5 =	simm.s32 $_tile_overlayer_lowered  }
0x9b: {  	s22 =	simm.s32 $0x1BFF;
	s21 =	sshll.u32 s5, $0x1;
	s2 =	sadd.s32 s19, s18  }
0x9c: {  	s6 =	simm.s32 $0x0;
	s20 =	sshll.u32 s4, $0x1;
	s4 =	sadd.s32 s21, s2  }
0x9d: {  	[timem:s6], [sflag:s22] =	dma.local [hbm:s4], s20  }
0x9e: {  	_ =	swait.ge [sflag:s22], s20  }
0x9f: {  	s3 =	ssub.s32 $0x0, s20;
	[sflag:s22] =	ssyncset.done $0x0  }
0xa0: {  	[sflag:s22] =	ssyncadd.s32 s3;
	_ =	sdelay $0x1  }
0xa1: {  	s23 =	simm.s32 $0x1B8B  }
0xa2: {  	_ =	swait.ge [sflag:s23], $0x1  }
0xa3: {  	[sflag:s23] =	ssyncset.done $0x0  }
0xa4: {  	s25 =	simm.s32 $0x1B8E;
	s24 =	sld [smem:$0x3FFE];
	[sflag:s23] =	ssyncadd.s32 $0xFFFFFFFF  }
0xa5: {  	s26 =	simm.s32 $execute0_lowered;
	[smem:$0x3FD2] =	sst s25  }
0xa6: {  	s4 =	sshll.u32 s26, $0x1;
	_ =	strace $0x8000004F;
	[dreg:$0x1] =	wrdreg $0xFFFFFFFF  }
0xa7: {  	s28 =	simm.s32 $_size_execute0_lowered;
	s2 =	sadd.s32 s2, s4;
	[dreg:$0x0] =	wrdreg $0x0  }
0xa8: {  	s4 =	sshll.u32 s28, $0x1;
	[dreg:$0x2] =	wrdreg s2  }
0xa9: {  	[dreg:$0x3] =	wrdreg s4  }
0xaa: {  	[dreg:$0x4] =	wrdreg $0xC0  }
0xab: {  	_ =	task [dreg:s6], $0x5FFFF  }
0xac: {  	[dreg:$0x1] =	wrdreg $0xFFFFFFFF  }
0xad: {  	[dreg:$0x0] =	wrdreg $0x60  }
0xae: {  	[dreg:$0x2] =	wrdreg s24  }
0xaf: {  	[dreg:$0x3] =	wrdreg $0x98000  }
0xb0: {  	[dreg:$0x4] =	wrdreg $0xA  }
0xb1: {  	_ =	task.clear_ibuf [dreg:s6], $0x5FFFF;
	_ =	strace $0x9000004F  }
0xb2: {  	s29 =	simm.s32 $0xA;
	_ =	strace $0x80000051  }
0xb3: {  	_ =	swait.ge [sflag:s29], $0x1  }
0xb4: {  	[sflag:s29] =	ssyncadd.s32 $0xFFFFFFFF  }
0xb5: {  	_ =	strace $0x90000051  }
0xb6: {  	_ =	sfence  }
0xb7: {  	s30 =	sld [smem:$0x0];
	_ =	sdelay $0x2  }
0xb8: {  	s31 =	sshll.u32 s1, $0xD;
	s1 =	sshrl.u32 s1, $0x2  }
0xb9: {  	s3 =	sand.u32 $0x4000, s31;
	s1 =	sadd.s32 s1, s30  }
0xba: {  	s0 =	sor.u32 s3, s0;
	s1 =	sshll.u32 s1, $0x11  }
0xbb: {  	s0 =	sor.u32 s1, s0  }
0xbc: {  	s0 =	sadd.s32 $0x8F2B, s0  }
0xbd: {  	[sflag:s0] =	ssyncadd.remote.s32 $0x1  }
0xbe: {  	_ =	sfence.sel $0xFFFF  }
0xbf: {  	[dreg:$0x0] =	wrdreg $0xFFFFFFFF;
	(pc) =	sbr.abs _section_cstart, $3  }
0xc0: {  	[dreg:$0x1] =	wrdreg $0xFFFFFFFF  }
0xc1: {  	_ =	task.clear_ibuf [dreg:s6], $0x2FFFF;
	_ =	strace $0x9FFFFFFF  }
0xc2: {  	(tm) =	ssettm $0x7FFFFFFF  }
0xc3: {  	_ =	shalt  }
tec
execute0_lowered:
.L_overlay_start_1:
0x0: {  	(tag) =	ssettag $0x1  }
0x1: {  	s5 =	rddreg [dreg:$0x0]  }
0x2: {  	s2 =	rddreg [dreg:$0x1];
	s3 =	srdreg.scid  }
0x3: {  	s0 =	rddreg [dreg:$0x2];
	s1 =	stileid.u32;
	s13 =	simm.s32 $0x64  }
0x4: {  	s14 =	simm.s32 $0x3400;
	s15 =	simm.s32 $0x80;
	s16 =	simm.s32 $0x6600  }
0x5: {  	s17 =	simm.s32 $0x1;
	s18 =	simm.s32 $0x1900;
	s20 =	simm.s32 $0x0  }
0x6: {  	s6 =	sand.u32 $0x1, s3;
	s3 =	simm.s32 $0x0;
	s7 =	smul.u32 $0x4F0, s1  }
0x7: {  	s30 =	smul.u32 $0x4F000, s1;
	s19 =	sshll.u32 s1, $0x6;
	s4 =	sshll.u32 s6, $0x4  }
0x8: {  	[smem:$0x7FF] =	sst s3;
	s9 =	smul.u32 $0x278, s6;
	s6 =	ssub.s32 $0x2, s6  }
0x9: {  	s8 =	sor.u32 s1, s4;
	_ =	strace $0x80000050;
	s4 =	sadd.s32 $0x73800, s5  }
0xa: {  	s10 =	sshrl.u32 s6, $0x1;
	s31 =	sshrl.u32 s30, $0x2;
	s8 =	smul.u32 $0x680, s8  }
0xb: {  	s7 =	sadd.s32 s9, s7;
	s10 =	ssub.s32 s6, s10;
	s12 =	sadd.s32 s31, s2  }
0xc: {  	s6 =	sor.u32 $0x1C05, s19;
	s19 =	sor.u32 $0x1C06, s19;
	s7 =	sshll.u32 s7, $0x4  }
0xd: {  	s9 =	smax.u32 s10, $0x1;
	s10 =	sshrl.u32 s12, $0x3;
	s11 =	sadd.s32 s7, s5  }
0xe: {  	s12 =	simm.s32 $0x5;
	s8 =	sadd.s32 s8, s5;
	s5 =	sadd.s32 $0xC2800, s11  }
0xf: {  	s7 =	sadd.s32 $0x59800, s8;
	s8 =	sadd.s32 $0x111800, s11;
	s11 =	simm.s32 $0x6  }
.LBB2_1:
0x10: {  	[spmem:s10], [sflag:s6] =	dma.local [hbm:s5], $0x2780  }
0x11: {  	[tilespmem:s3], [sflag:$0x6] =	stream.linear.gather [hbm4b:s7+s3], $0x3200, $0x38;
	[tilespmem:$0x1D400] =	vst v63  }
0x12: {  	_ =	swait.ge [sflag:s11], $0x3200  }
0x13: {  	[sflag:s11] =	ssyncset.done $0x0  }
0x14: {  	[sflag:s11] =	ssyncadd.s32 $0xFFFFCE00  }
0x15: {  	_ =	swait.ge [sflag:s12], $0x2780  }
0x16: {  	[sflag:s12] =	ssyncset.done $0x0  }
0x17: {  	s23 =	simm.s32 $0x2;
	s21 =	simm.s32 $0x1980;
	[sflag:s12] =	ssyncadd.s32 $0xFFFFD880  }
0x18: {  	s22 =	simm.s32 $0x3;
	p0 =	por $0x0, $0x0;
	[bflag:$0x0] =	sbarrier.arrive $0xFFFF  }
0x19: {  	[tilespmem:s14], [sflag:$0x1] =	stream.indirect.gather [hbm4b:s4+s13], $0x80, s3, s13, $0xb8;
	[tilespmem:$0x1D400] =	vst v63  }
0x1a: {  	p1 =	por $0x0, $0x0;
	p2 =	por @!p0 $0x0, $0x0;
	s23 =	sand.u32 $0x1, s23  }
0x1b: {  	[tilespmem:s16], [sflag:$0x2] =	stream.indirect.gather [hbm4b:s4+s13], $0x80, s15, s13, $0xb8;
	[tilespmem:$0x1D400] =	vst v63  }
0x1c: {  	s26 =	simm.s32 @!p1 $0x100;
	s29 =	simm.s32 @!p1 $0x64;
	_ =	swait.ge [sflag:s17], $0x3200  }
0x1d: {  	p0 =	por p2, p0;
	s24 =	sadd.s32 $0x3, s23;
	[sflag:s17] =	ssyncset.done $0x0  }
0x1e: {  	s25 =	smul.u32 @!p1 $0xC800, s23;
	s28 =	sxor.u32 @!p0 $0x1, s23;
	[sflag:s17] =	ssyncadd.s32 $0xFFFFCE00  }
0x1f: {  	[spmem:s2] =	stream.indirect.scatter.add.f32 [tilespmem:s14], [sflag:$0x3], $0x80, s18, s13, $0xb8;
	[tilespmem:$0x1D400] =	vst v63  }
0x20: {  	s25 =	sshrl.u32 @!p1 s25, $0x2;
	s30 =	smul.u32 @!p0 $0xC800, s28;
	_ =	swait.ge [sflag:s24], $0x3200  }
0x21: {  	s23 =	sadd.s32 @!p1 $0x1, s23;
	s25 =	sadd.s32 @!p1 $0x3400, s25;
	[sflag:s24] =	ssyncset.done $0x0  }
0x22: {  	s30 =	sshrl.u32 @!p0 s30, $0x2;
	[sflag:s24] =	ssyncadd.s32 $0xFFFFCE00;
	s24 =	sadd.s32 @!p0 $0x1, s28  }
0x23: {  	[tilespmem:s25], [sflag:s23] =	stream.indirect.gather @!p1 [hbm4b:s4+s29], $0x80, s26, s29, $0xb8;
	[tilespmem:$0x1D400] =	vst v63  }
0x24: {  	s25 =	sadd.s32 @!p0 $0x3400, s30;
	s26 =	sadd.s32 @!p0 $0x3, s28;
	_ =	swait.ge @!p0 [sflag:s24], $0x3200  }
0x25: {  	s28 =	simm.s32 @!p0 $0x64;
	s23 =	simm.s32 $0x1980;
	[sflag:s24] =	ssyncset.done @!p0 $0x0  }
.LBB2_2:
0x26: {  	[sflag:s24] =	ssyncadd.s32 @!p0 $0xFFFFCE00  }
0x27: {  	s21 =	sadd.s32 $0x80, s21;
	s24 =	smov.u32 s22;
	s22 =	sadd.s32 $0x1, s22  }
0x28: {  	[spmem:s2] =	stream.indirect.scatter.add.f32 @!p0 [tilespmem:s25], [sflag:s26], $0x80, s23, s28, $0xb8;
	[tilespmem:$0x1D400] =	vst v63  }
0x29: {  	p0 =	seq.s32 s24, $0x0;
	p1 =	sne.s32 s22, $0x34;
	s23 =	smov.u32 s21  }
0x2a: {  	p3 =	seq.s32 @!p0 s24, $0x33  }
0x2b: {  	s25 =	sand.u32 $0x1, s24;
	p2 =	sgt.u32 s24, $0x31;
	p0 =	por p3, p0  }
0x2c: {  	s24 =	sadd.s32 $0x3, s25;
	s26 =	smul.u32 @!p2 $0xC800, s25;
	s28 =	sadd.s32 @!p2 $0xFFFFE780, s21  }
0x2d: {  	s30 =	simm.s32 @!p2 $0x64;
	s29 =	sxor.u32 @!p0 $0x1, s25;
	_ =	swait.ge [sflag:s24], $0x3200  }
0x2e: {  	s26 =	sshrl.u32 @!p2 s26, $0x2;
	s25 =	sadd.s32 @!p2 $0x1, s25;
	s31 =	smul.u32 @!p0 $0xC800, s29  }
.Ltmp0:
0x2f: {  	s26 =	sadd.s32 @!p2 $0x3400, s26;
	[sflag:s24] =	ssyncset.done $0x0;
	(pc) =	sbr.rel @p1 .LBB2_2-.Ltmp0, $4  }
0x30: {  	s31 =	sshrl.u32 @!p0 s31, $0x2;
	[sflag:s24] =	ssyncadd.s32 $0xFFFFCE00;
	s24 =	sadd.s32 @!p0 $0x1, s29  }
0x31: {  	[tilespmem:s26], [sflag:s25] =	stream.indirect.gather @!p2 [hbm4b:s4+s30], $0x80, s28, s30, $0xb8;
	[tilespmem:$0x1D400] =	vst v63  }
0x32: {  	s25 =	sadd.s32 @!p0 $0x3400, s31;
	s26 =	sadd.s32 @!p0 $0x3, s29;
	_ =	swait.ge @!p0 [sflag:s24], $0x3200  }
0x33: {  	s28 =	simm.s32 @!p0 $0x64;
	[sflag:s24] =	ssyncset.done @!p0 $0x0  }
0x34: {  	[sflag:s24] =	ssyncadd.s32 @!p0 $0xFFFFCE00;
	s20 =	sadd.s32 $0x1, s20  }
0x35: {  	[spmem:s2] =	stream.indirect.scatter.add.f32 @!p0 [tilespmem:s25], [sflag:s26], $0x80, s23, s28, $0xb8;
	[tilespmem:$0x1D400] =	vst v63  }
0x36: {  	p0 =	sne.s32 s20, s9  }
.Ltmp1:
0x37: {  	[bflag:$0x0] =	sbarrier.arrive $0xFFFF;
	(pc) =	sbr.rel @p0 .LBB2_1-.Ltmp1, $4  }
0x38: {  	[hbm:s8], [sflag:s19] =	dma.local [spmem:s10], $0x2780  }
0x39: {  	_ =	swait.ge [sflag:s11], $0x2780  }
0x3a: {  	[sflag:s11] =	ssyncset.done $0x0  }
0x3b: {  	[sflag:s11] =	ssyncadd.s32 $0xFFFFD880  }
0x3c: {  	_ =	sfence.sel $0x180000  }
0x3d: {  	[bflag:$0x0] =	sbarrier.arrive $0xFFFF  }
0x3e: {  	p0 =	sne.s32 s1, $0x0;
	_ =	strace $0x90000050  }
0x3f: {  	s0 =	sadd.s32 @!p0 $0x100000, s0;
	[bflag:$0x2] =	sbarrier.arrive $0xFFFF  }
0x40: {  	[sflag:s0] =	ssyncadd.tile.s32 @!p0 $0x1;
	_ =	shalt  }
.Lfunc_end2:
_tile_overlayer_lowered:
.L_overlay_start_2:
0x41: {  	(tag) =	ssettag $0x2  }
0x42: {  	s0 =	rddreg [dreg:$0x0];
	s2 =	stileid.u32  }
0x43: {  	s1 =	rddreg [dreg:$0x1];
	p0 =	sne.s32 s2, $0x0  }
0x44: {  	s3 =	rddreg [dreg:$0x2];
	[bflag:$0x3] =	sbarrier.arrive $0xFFFF;
	s2 =	simm.s32 @!p0 $0x1C06  }
0x45: {  	[timem:s3], [sflag:s2] =	dma.local @!p0 [hbm:s0], s1  }
0x46: {  	s0 =	simm.s32 @!p0 $0x6  }
0x47: {  	_ =	swait.ge @!p0 [sflag:s0], s1  }
0x48: {  	s1 =	ssub.s32 @!p0 $0x0, s1;
	[sflag:s0] =	ssyncset.done @!p0 $0x0  }
0x49: {  	[sflag:s0] =	ssyncadd.s32 @!p0 s1  }
0x4a: {  	[bflag:$0x3] =	sbarrier.arrive $0xFFFF  }
0x4b: {  	_ =	shalt  }

</sc_bundles>
